<compile_context>
chip_gen: v7x
topology: tpu7x:2x2x1
jax: 0.10.2.dev20260603
libtpu: 0.0.44.dev20260713+nightly
codegen_flags: <defaults>
</compile_context>

<pallas_src>
import functools

import jax
import jax.numpy as jnp
from jax import lax
from jax.experimental import pallas as pl
from jax.experimental.pallas import tpu as pltpu
from jax.experimental.pallas import tpu_sc as plsc

N_NODES = 10000
D_IN = 128
D_HID = 64
D_OUT = 128
N_EDGES = 320000

K = 80
NC = 2
NS = 16
NW = NC * NS
CHUNKS = N_EDGES // K
CPW = CHUNKS // NW
G = 5
CG = CPW // G

AGG_ROWS = 10240
ROWS_PER_TILE = AGG_ROWS // NS
NBUF = 2

BLK = 1000


def _sc_agg(x, src3d, dst3d):
    mesh = plsc.VectorSubcoreMesh(core_axis_name="c", subcore_axis_name="s")

    @functools.partial(
        pl.kernel,
        mesh=mesh,
        out_type=jax.ShapeDtypeStruct((NC, AGG_ROWS, D_IN), jnp.float32),
        scratch_types=[
            pltpu.VMEM((CG, K), jnp.int32),
            pltpu.VMEM((CG, K), jnp.int32),
            pltpu.VMEM((NBUF, K, D_IN), jnp.float32),
            pltpu.VMEM_SHARED((AGG_ROWS, D_IN), jnp.float32),
            pltpu.SemaphoreType.DMA,
            pltpu.SemaphoreType.DMA,
            pltpu.SemaphoreType.DMA,
        ],
    )
    def k(x_hbm, src_hbm, dst_hbm, out_hbm, sidx, didx, rows, agg,
          gsem0, gsem1, ssem):
        c = lax.axis_index("c")
        s = lax.axis_index("s")
        wid = s * NC + c
        gsems = (gsem0, gsem1)

        zeros16 = jnp.zeros((16,), jnp.float32)

        def zrow(r, carry):
            def zcol(cc, carry2):
                rows[0, r, pl.ds(cc * 16, 16)] = zeros16
                return carry2
            return lax.fori_loop(0, D_IN // 16, zcol, carry)

        lax.fori_loop(0, K, zrow, 0)
        for i in range(ROWS_PER_TILE // K):
            pltpu.sync_copy(
                rows.at[0], agg.at[pl.ds(s * ROWS_PER_TILE + i * K, K)])
        plsc.subcore_barrier()

        def start_gather(j, b):
            pltpu.async_copy(x_hbm.at[sidx.at[j]], rows.at[b], gsems[b])

        def wait_gather(j, b):
            pltpu.make_async_copy(
                x_hbm.at[sidx.at[j]], rows.at[b], gsems[b]).wait()

        def scatter(j, b):
            pltpu.async_copy(rows.at[b], agg.at[didx.at[j]], ssem,
                             add=True).wait()

        for g in range(G):
            pltpu.sync_copy(src_hbm.at[wid, g], sidx)
            pltpu.sync_copy(dst_hbm.at[wid, g], didx)
            for b in range(NBUF):
                start_gather(b, b)

            def body(t, carry):
                j0 = t * NBUF
                for b in range(NBUF):
                    wait_gather(j0 + b, b)
                    scatter(j0 + b, b)
                    start_gather(j0 + b + NBUF, b)
                return carry

            steady = (CG - NBUF) // NBUF
            lax.fori_loop(0, steady, body, 0)
            for j in range(steady * NBUF, CG):
                b = j % NBUF
                wait_gather(j, b)
                scatter(j, b)
                nxt = j + NBUF
                if nxt < CG:
                    start_gather(nxt, b)
        plsc.subcore_barrier()

        pltpu.sync_copy(
            agg.at[pl.ds(s * ROWS_PER_TILE, ROWS_PER_TILE)],
            out_hbm.at[c, pl.ds(s * ROWS_PER_TILE, ROWS_PER_TILE)])

    return k(x, src3d, dst3d)


def _mlp_body(x_ref, p0_ref, p1_ref, w0t_ref, b0_ref, w1t_ref, b1_ref, o_ref):
    h = x_ref[...] + p0_ref[0] + p1_ref[0]
    h = jnp.dot(h, w0t_ref[...], preferred_element_type=jnp.float32)
    h = jnp.maximum(h + b0_ref[...], 0.0)
    o_ref[...] = (
        jnp.dot(h, w1t_ref[...], preferred_element_type=jnp.float32)
        + b1_ref[...])


def _mlp(x, parts, w0t, b0, w1t, b1):
    return pl.pallas_call(
        _mlp_body,
        grid=(N_NODES // BLK,),
        in_specs=[
            pl.BlockSpec((BLK, D_IN), lambda i: (i, 0)),
            pl.BlockSpec((1, BLK, D_IN), lambda i: (0, i, 0)),
            pl.BlockSpec((1, BLK, D_IN), lambda i: (1, i, 0)),
            pl.BlockSpec((D_IN, D_HID), lambda i: (0, 0)),
            pl.BlockSpec((1, D_HID), lambda i: (0, 0)),
            pl.BlockSpec((D_HID, D_OUT), lambda i: (0, 0)),
            pl.BlockSpec((1, D_OUT), lambda i: (0, 0)),
        ],
        out_specs=pl.BlockSpec((BLK, D_OUT), lambda i: (i, 0)),
        out_shape=jax.ShapeDtypeStruct((N_NODES, D_OUT), jnp.float32),
    )(x, parts, parts, w0t, b0, w1t, b1)


def kernel(x, edge_index, W0, b0, W1, b1):
    src = edge_index[0].astype(jnp.int32)
    dst = edge_index[1].astype(jnp.int32)
    src3d = src.reshape(NW, G, CG, K)
    dst3d = dst.reshape(NW, G, CG, K)
    parts = _sc_agg(x, src3d, dst3d)
    return _mlp(x, parts,
                W0.T, b0.reshape(1, D_HID), W1.T, b1.reshape(1, D_OUT))

# --- scband reference (transcript-rebuilt; emitter-appended) ---
"""Pipeline reference for scband-ginconv-gnnb-3092376453268 (READ-ONLY COPY).

The authoritative reference and input builder live on the scoring server;
editing this copy changes nothing except your own understanding.
"""

import jax, jax.numpy as jnp
import numpy as np

EPS = 0.0

def setup_inputs(seed: int = 0) -> dict:
    key = jax.random.key(seed)
    k_x, k_e, k_w0, k_b0, k_w1, k_b1 = jax.random.split(key, 6)
    n_nodes = 10000
    n_edges = 320000
    d_in = 128
    d_hidden = 64
    d_out = 128
    x = jax.random.normal(k_x, (n_nodes, d_in), dtype=jnp.float32)
    edge_index = jax.random.randint(k_e, (2, n_edges), 0, n_nodes, dtype=jnp.int64)
    # nn.Linear params: weight [out, in], bias [out]
    W0 = jax.random.normal(k_w0, (d_hidden, d_in), dtype=jnp.float32) * (1.0 / np.sqrt(d_in))
    b0 = jax.random.normal(k_b0, (d_hidden,), dtype=jnp.float32) * 0.01
    W1 = jax.random.normal(k_w1, (d_out, d_hidden), dtype=jnp.float32) * (1.0 / np.sqrt(d_hidden))
    b1 = jax.random.normal(k_b1, (d_out,), dtype=jnp.float32) * 0.01
    return {"x": x, "edge_index": edge_index, "W0": W0, "b0": b0, "W1": W1, "b1": b1}

def reference(x, edge_index, W0, b0, W1, b1):
    # GINConv: out = MLP((1 + eps) * x + sum_{j in N(i)} x_j)
    src = edge_index[0]
    dst = edge_index[1]
    messages = jnp.take(x, src, axis=0)                 # gather source features [E, d]
    agg = jnp.zeros_like(x).at[dst].add(messages)       # scatter-add to destination nodes
    h = (1.0 + EPS) * x + agg
    # GIN_MLP: Linear -> ReLU -> Linear
    h = h @ W0.T + b0
    h = jax.nn.relu(h)
    h = h @ W1.T + b1
    return h

if __name__ == "__main__":
    import jax
    _d = setup_inputs()
    print(jax.jit(kernel)(*tuple(_d.values())))

</pallas_src>

<mosaic_0001>
#map = affine_map<(d0, d1) -> (0, 0)>
#map1 = affine_map<(d0, d1) -> (0, 0, 0, 0)>
#map2 = affine_map<(d0, d1) -> (0, 0, 0)>
module attributes {stable_mosaic.version = 14 : i64} {
  func.func @k(%arg0: i32, %arg1: i32, %arg2: memref<10000x128xf32, #tpu.memory_space<hbm>>, %arg3: memref<32x5x25x80xi32, #tpu.memory_space<hbm>>, %arg4: memref<32x5x25x80xi32, #tpu.memory_space<hbm>>, %arg5: memref<2x10240x128xf32, #tpu.memory_space<hbm>>, %arg6: memref<25x80xi32, #tpu.memory_space<vmem>>, %arg7: memref<25x80xi32, #tpu.memory_space<vmem>>, %arg8: memref<2x80x128xf32, #tpu.memory_space<vmem>>, %arg9: memref<10240x128xf32, #tpu.memory_space<vmem_shared>>, %arg10: memref<!tpu.dma_semaphore, #tpu.memory_space<semaphore_mem>>, %arg11: memref<!tpu.dma_semaphore, #tpu.memory_space<semaphore_mem>>, %arg12: memref<!tpu.dma_semaphore, #tpu.memory_space<semaphore_mem>>) attributes {dimension_semantics = [#tpu.dimension_semantics<core_parallel>, #tpu.dimension_semantics<subcore_parallel>], iteration_bounds = array<i64: 2, 16>, scalar_prefetch = 0 : i64, scratch_operands = 7 : i64, tpu.core_type = #tpu.core_type<sc_vector_subcore>, window_params = [{transform_indices = #map}, {transform_indices = #map1}, {transform_indices = #map1}, {transform_indices = #map2}]} {
    %mul3A = arith.constant 2 : i32
    %mul3A_0 = arith.muli %arg1, %mul3A : i32
    %add3A = arith.addi %mul3A_0, %arg0 : i32
    %broadcast_in_dim3A = arith.constant 0.000000e+00 : f32
    %broadcast_in_dim3A_1 = vector.broadcast %broadcast_in_dim3A : f32 to vector<16xf32>
    %scan3A = arith.constant 0 : i32
    %scan3A_2 = arith.constant 0 : i32
    %scan3A_3 = arith.constant 80 : i32
    %scan3A_4 = arith.addi %scan3A_2, %scan3A_3 : i32
    %scan3A_5 = arith.constant 1 : i32
    scf.for %scan3A_809 = %scan3A_2 to %scan3A_4 step %scan3A_5  : i32 {
      %scan3A_810 = arith.constant 0 : i32
      %scan3A_811 = arith.constant 8 : i32
      %scan3A_812 = arith.addi %scan3A_810, %scan3A_811 : i32
      %scan3A_813 = arith.constant 1 : i32
      scf.for %scan3A_815 = %scan3A_810 to %scan3A_812 step %scan3A_813  : i32 {
        %mul3A_816 = arith.constant 16 : i32
        %mul3A_817 = arith.muli %scan3A_815, %mul3A_816 : i32
        %swap3A = arith.constant 0 : i32
        %swap3A_818 = arith.index_cast %swap3A : i32 to index
        %swap3A_819 = arith.index_cast %scan3A_809 : i32 to index
        %swap3A_820 = arith.index_cast %mul3A_817 : i32 to index
        %swap3A_821 = tpu.vector_load %arg8[%swap3A_818, %swap3A_819, %swap3A_820] {strides = array<i32>} : memref<2x80x128xf32, #tpu.memory_space<vmem>>, vector<1x1x16xf32>,
        %swap3A_822 = vector.shape_cast %swap3A_821 : vector<1x1x16xf32> to vector<16xf32>
        %swap3A_823 = vector.shape_cast %broadcast_in_dim3A_1 : vector<16xf32> to vector<1x1x16xf32>
        tpu.vector_store %arg8[%swap3A_818, %swap3A_819, %swap3A_820], %swap3A_823 {strides = array<i32>} : memref<2x80x128xf32, #tpu.memory_space<vmem>>, vector<1x1x16xf32>,
      }
      %scan3A_814 = arith.constant 8 : i32
    }
    %scan3A_6 = arith.constant 80 : i32
    %mul3A_7 = arith.constant 640 : i32
    %mul3A_8 = arith.muli %arg1, %mul3A_7 : i32
    %add3A_9 = arith.constant 0 : i32
    %add3A_10 = arith.addi %mul3A_8, %add3A_9 : i32
    %run_scoped3A = arith.constant 0 : i32
    "tpu.region"() ({
      %run_scoped3A_809 = tpu.sem_alloc : memref<!tpu.dma_semaphore, #tpu.memory_space<semaphore_mem>>
      %dma_start3A_810 = arith.constant 0 : i32
      %dma_start3A_811 = arith.constant 0 : i32
      %dma_start3A_812 = tpu.memref_slice %arg8[%run_scoped3A, %dma_start3A_810, %dma_start3A_811] : memref<2x80x128xf32, #tpu.memory_space<vmem>> -> memref<1x80x128xf32, #tpu.memory_space<vmem>>
      %dma_start3A_813 = tpu.memref_squeeze %dma_start3A_812 : memref<1x80x128xf32, #tpu.memory_space<vmem>> -> memref<80x128xf32, #tpu.memory_space<vmem>>
      %dma_start3A_814 = arith.constant 0 : i32
      %dma_start3A_815 = tpu.memref_slice %arg9[%add3A_10, %dma_start3A_814] : memref<10240x128xf32, #tpu.memory_space<vmem_shared>> -> memref<80x128xf32, #tpu.memory_space<vmem_shared>>
      %dma_start3A_816 = arith.constant 0 : i32
      %dma_start3A_817 = tpu.memref_slice %arg9[%add3A_10, %dma_start3A_816] : memref<10240x128xf32, #tpu.memory_space<vmem_shared>> -> memref<80x128xf32, #tpu.memory_space<vmem_shared>>
      %dma_start3A_818 = arith.constant 0 : i32
      %dma_start3A_819 = arith.constant 0 : i32
      %dma_start3A_820 = tpu.memref_slice %arg8[%run_scoped3A, %dma_start3A_818, %dma_start3A_819] : memref<2x80x128xf32, #tpu.memory_space<vmem>> -> memref<1x80x128xf32, #tpu.memory_space<vmem>>
      %dma_start3A_821 = tpu.memref_squeeze %dma_start3A_820 : memref<1x80x128xf32, #tpu.memory_space<vmem>> -> memref<80x128xf32, #tpu.memory_space<vmem>>
      tpu.enqueue_dma source(%dma_start3A_821 : memref<80x128xf32, #tpu.memory_space<vmem>>) target(%dma_start3A_817 : memref<80x128xf32, #tpu.memory_space<vmem_shared>>) target_semaphore(%run_scoped3A_809 : memref<!tpu.dma_semaphore, #tpu.memory_space<semaphore_mem>>)
      %dma_wait3A_822 = arith.constant 0 : i32
      %dma_wait3A_823 = arith.constant 0 : i32
      %dma_wait3A_824 = tpu.memref_slice %arg8[%run_scoped3A, %dma_wait3A_822, %dma_wait3A_823] : memref<2x80x128xf32, #tpu.memory_space<vmem>> -> memref<1x80x128xf32, #tpu.memory_space<vmem>>
      %dma_wait3A_825 = tpu.memref_squeeze %dma_wait3A_824 : memref<1x80x128xf32, #tpu.memory_space<vmem>> -> memref<80x128xf32, #tpu.memory_space<vmem>>
      %dma_wait3A_826 = arith.constant 0 : i32
      %dma_wait3A_827 = tpu.memref_slice %arg9[%add3A_10, %dma_wait3A_826] : memref<10240x128xf32, #tpu.memory_space<vmem_shared>> -> memref<80x128xf32, #tpu.memory_space<vmem_shared>>
      %dma_wait3A_828 = arith.constant 0 : i32
      %dma_wait3A_829 = tpu.memref_slice %arg9[%add3A_10, %dma_wait3A_828] : memref<10240x128xf32, #tpu.memory_space<vmem_shared>> -> memref<80x128xf32, #tpu.memory_space<vmem_shared>>
      %dma_wait3A_830 = arith.constant 0 : i32
      %dma_wait3A_831 = arith.constant 0 : i32
      %dma_wait3A_832 = tpu.memref_slice %arg8[%run_scoped3A, %dma_wait3A_830, %dma_wait3A_831] : memref<2x80x128xf32, #tpu.memory_space<vmem>> -> memref<1x80x128xf32, #tpu.memory_space<vmem>>
      %dma_wait3A_833 = tpu.memref_squeeze %dma_wait3A_832 : memref<1x80x128xf32, #tpu.memory_space<vmem>> -> memref<80x128xf32, #tpu.memory_space<vmem>>
      tpu.wait_dma2 semaphore(%run_scoped3A_809 : memref<!tpu.dma_semaphore, #tpu.memory_space<semaphore_mem>>) src(%dma_wait3A_833 : memref<80x128xf32, #tpu.memory_space<vmem>>) dst(%dma_wait3A_829 : memref<80x128xf32, #tpu.memory_space<vmem_shared>>)
      tpu.yield
    }) : () -> ()
    %mul3A_11 = arith.constant 640 : i32
    %mul3A_12 = arith.muli %arg1, %mul3A_11 : i32
    %add3A_13 = arith.constant 80 : i32
    %add3A_14 = arith.addi %mul3A_12, %add3A_13 : i32
    %run_scoped3A_15 = arith.constant 0 : i32
    "tpu.region"() ({
      %run_scoped3A_809 = tpu.sem_alloc : memref<!tpu.dma_semaphore, #tpu.memory_space<semaphore_mem>>
      %dma_start3A_810 = arith.constant 0 : i32
      %dma_start3A_811 = arith.constant 0 : i32
      %dma_start3A_812 = tpu.memref_slice %arg8[%run_scoped3A_15, %dma_start3A_810, %dma_start3A_811] : memref<2x80x128xf32, #tpu.memory_space<vmem>> -> memref<1x80x128xf32, #tpu.memory_space<vmem>>
      %dma_start3A_813 = tpu.memref_squeeze %dma_start3A_812 : memref<1x80x128xf32, #tpu.memory_space<vmem>> -> memref<80x128xf32, #tpu.memory_space<vmem>>
      %dma_start3A_814 = arith.constant 0 : i32
      %dma_start3A_815 = tpu.memref_slice %arg9[%add3A_14, %dma_start3A_814] : memref<10240x128xf32, #tpu.memory_space<vmem_shared>> -> memref<80x128xf32, #tpu.memory_space<vmem_shared>>
      %dma_start3A_816 = arith.constant 0 : i32
      %dma_start3A_817 = tpu.memref_slice %arg9[%add3A_14, %dma_start3A_816] : memref<10240x128xf32, #tpu.memory_space<vmem_shared>> -> memref<80x128xf32, #tpu.memory_space<vmem_shared>>
      %dma_start3A_818 = arith.constant 0 : i32
      %dma_start3A_819 = arith.constant 0 : i32
      %dma_start3A_820 = tpu.memref_slice %arg8[%run_scoped3A_15, %dma_start3A_818, %dma_start3A_819] : memref<2x80x128xf32, #tpu.memory_space<vmem>> -> memref<1x80x128xf32, #tpu.memory_space<vmem>>
      %dma_start3A_821 = tpu.memref_squeeze %dma_start3A_820 : memref<1x80x128xf32, #tpu.memory_space<vmem>> -> memref<80x128xf32, #tpu.memory_space<vmem>>
      tpu.enqueue_dma source(%dma_start3A_821 : memref<80x128xf32, #tpu.memory_space<vmem>>) target(%dma_start3A_817 : memref<80x128xf32, #tpu.memory_space<vmem_shared>>) target_semaphore(%run_scoped3A_809 : memref<!tpu.dma_semaphore, #tpu.memory_space<semaphore_mem>>)
      %dma_wait3A_822 = arith.constant 0 : i32
      %dma_wait3A_823 = arith.constant 0 : i32
      %dma_wait3A_824 = tpu.memref_slice %arg8[%run_scoped3A_15, %dma_wait3A_822, %dma_wait3A_823] : memref<2x80x128xf32, #tpu.memory_space<vmem>> -> memref<1x80x128xf32, #tpu.memory_space<vmem>>
      %dma_wait3A_825 = tpu.memref_squeeze %dma_wait3A_824 : memref<1x80x128xf32, #tpu.memory_space<vmem>> -> memref<80x128xf32, #tpu.memory_space<vmem>>
      %dma_wait3A_826 = arith.constant 0 : i32
      %dma_wait3A_827 = tpu.memref_slice %arg9[%add3A_14, %dma_wait3A_826] : memref<10240x128xf32, #tpu.memory_space<vmem_shared>> -> memref<80x128xf32, #tpu.memory_space<vmem_shared>>
      %dma_wait3A_828 = arith.constant 0 : i32
      %dma_wait3A_829 = tpu.memref_slice %arg9[%add3A_14, %dma_wait3A_828] : memref<10240x128xf32, #tpu.memory_space<vmem_shared>> -> memref<80x128xf32, #tpu.memory_space<vmem_shared>>
      %dma_wait3A_830 = arith.constant 0 : i32
      %dma_wait3A_831 = arith.constant 0 : i32
      %dma_wait3A_832 = tpu.memref_slice %arg8[%run_scoped3A_15, %dma_wait3A_830, %dma_wait3A_831] : memref<2x80x128xf32, #tpu.memory_space<vmem>> -> memref<1x80x128xf32, #tpu.memory_space<vmem>>
      %dma_wait3A_833 = tpu.memref_squeeze %dma_wait3A_832 : memref<1x80x128xf32, #tpu.memory_space<vmem>> -> memref<80x128xf32, #tpu.memory_space<vmem>>
      tpu.wait_dma2 semaphore(%run_scoped3A_809 : memref<!tpu.dma_semaphore, #tpu.memory_space<semaphore_mem>>) src(%dma_wait3A_833 : memref<80x128xf32, #tpu.memory_space<vmem>>) dst(%dma_wait3A_829 : memref<80x128xf32, #tpu.memory_space<vmem_shared>>)
      tpu.yield
    }) : () -> ()
    %mul3A_16 = arith.constant 640 : i32
    %mul3A_17 = arith.muli %arg1, %mul3A_16 : i32
    %add3A_18 = arith.constant 160 : i32
    %add3A_19 = arith.addi %mul3A_17, %add3A_18 : i32
    %run_scoped3A_20 = arith.constant 0 : i32
    "tpu.region"() ({
      %run_scoped3A_809 = tpu.sem_alloc : memref<!tpu.dma_semaphore, #tpu.memory_space<semaphore_mem>>
      %dma_start3A_810 = arith.constant 0 : i32
      %dma_start3A_811 = arith.constant 0 : i32
      %dma_start3A_812 = tpu.memref_slice %arg8[%run_scoped3A_20, %dma_start3A_810, %dma_start3A_811] : memref<2x80x128xf32, #tpu.memory_space<vmem>> -> memref<1x80x128xf32, #tpu.memory_space<vmem>>
      %dma_start3A_813 = tpu.memref_squeeze %dma_start3A_812 : memref<1x80x128xf32, #tpu.memory_space<vmem>> -> memref<80x128xf32, #tpu.memory_space<vmem>>
      %dma_start3A_814 = arith.constant 0 : i32
      %dma_start3A_815 = tpu.memref_slice %arg9[%add3A_19, %dma_start3A_814] : memref<10240x128xf32, #tpu.memory_space<vmem_shared>> -> memref<80x128xf32, #tpu.memory_space<vmem_shared>>
      %dma_start3A_816 = arith.constant 0 : i32
      %dma_start3A_817 = tpu.memref_slice %arg9[%add3A_19, %dma_start3A_816] : memref<10240x128xf32, #tpu.memory_space<vmem_shared>> -> memref<80x128xf32, #tpu.memory_space<vmem_shared>>
      %dma_start3A_818 = arith.constant 0 : i32
      %dma_start3A_819 = arith.constant 0 : i32
      %dma_start3A_820 = tpu.memref_slice %arg8[%run_scoped3A_20, %dma_start3A_818, %dma_start3A_819] : memref<2x80x128xf32, #tpu.memory_space<vmem>> -> memref<1x80x128xf32, #tpu.memory_space<vmem>>
      %dma_start3A_821 = tpu.memref_squeeze %dma_start3A_820 : memref<1x80x128xf32, #tpu.memory_space<vmem>> -> memref<80x128xf32, #tpu.memory_space<vmem>>
      tpu.enqueue_dma source(%dma_start3A_821 : memref<80x128xf32, #tpu.memory_space<vmem>>) target(%dma_start3A_817 : memref<80x128xf32, #tpu.memory_space<vmem_shared>>) target_semaphore(%run_scoped3A_809 : memref<!tpu.dma_semaphore, #tpu.memory_space<semaphore_mem>>)
      %dma_wait3A_822 = arith.constant 0 : i32
      %dma_wait3A_823 = arith.constant 0 : i32
      %dma_wait3A_824 = tpu.memref_slice %arg8[%run_scoped3A_20, %dma_wait3A_822, %dma_wait3A_823] : memref<2x80x128xf32, #tpu.memory_space<vmem>> -> memref<1x80x128xf32, #tpu.memory_space<vmem>>
      %dma_wait3A_825 = tpu.memref_squeeze %dma_wait3A_824 : memref<1x80x128xf32, #tpu.memory_space<vmem>> -> memref<80x128xf32, #tpu.memory_space<vmem>>
      %dma_wait3A_826 = arith.constant 0 : i32
      %dma_wait3A_827 = tpu.memref_slice %arg9[%add3A_19, %dma_wait3A_826] : memref<10240x128xf32, #tpu.memory_space<vmem_shared>> -> memref<80x128xf32, #tpu.memory_space<vmem_shared>>
      %dma_wait3A_828 = arith.constant 0 : i32
      %dma_wait3A_829 = tpu.memref_slice %arg9[%add3A_19, %dma_wait3A_828] : memref<10240x128xf32, #tpu.memory_space<vmem_shared>> -> memref<80x128xf32, #tpu.memory_space<vmem_shared>>
      %dma_wait3A_830 = arith.constant 0 : i32
      %dma_wait3A_831 = arith.constant 0 : i32
      %dma_wait3A_832 = tpu.memref_slice %arg8[%run_scoped3A_20, %dma_wait3A_830, %dma_wait3A_831] : memref<2x80x128xf32, #tpu.memory_space<vmem>> -> memref<1x80x128xf32, #tpu.memory_space<vmem>>
      %dma_wait3A_833 = tpu.memref_squeeze %dma_wait3A_832 : memref<1x80x128xf32, #tpu.memory_space<vmem>> -> memref<80x128xf32, #tpu.memory_space<vmem>>
      tpu.wait_dma2 semaphore(%run_scoped3A_809 : memref<!tpu.dma_semaphore, #tpu.memory_space<semaphore_mem>>) src(%dma_wait3A_833 : memref<80x128xf32, #tpu.memory_space<vmem>>) dst(%dma_wait3A_829 : memref<80x128xf32, #tpu.memory_space<vmem_shared>>)
      tpu.yield
    }) : () -> ()
    %mul3A_21 = arith.constant 640 : i32
    %mul3A_22 = arith.muli %arg1, %mul3A_21 : i32
    %add3A_23 = arith.constant 240 : i32
    %add3A_24 = arith.addi %mul3A_22, %add3A_23 : i32
    %run_scoped3A_25 = arith.constant 0 : i32
    "tpu.region"() ({
      %run_scoped3A_809 = tpu.sem_alloc : memref<!tpu.dma_semaphore, #tpu.memory_space<semaphore_mem>>
      %dma_start3A_810 = arith.constant 0 : i32
      %dma_start3A_811 = arith.constant 0 : i32
      %dma_start3A_812 = tpu.memref_slice %arg8[%run_scoped3A_25, %dma_start3A_810, %dma_start3A_811] : memref<2x80x128xf32, #tpu.memory_space<vmem>> -> memref<1x80x128xf32, #tpu.memory_space<vmem>>
      %dma_start3A_813 = tpu.memref_squeeze %dma_start3A_812 : memref<1x80x128xf32, #tpu.memory_space<vmem>> -> memref<80x128xf32, #tpu.memory_space<vmem>>
      %dma_start3A_814 = arith.constant 0 : i32
      %dma_start3A_815 = tpu.memref_slice %arg9[%add3A_24, %dma_start3A_814] : memref<10240x128xf32, #tpu.memory_space<vmem_shared>> -> memref<80x128xf32, #tpu.memory_space<vmem_shared>>
      %dma_start3A_816 = arith.constant 0 : i32
      %dma_start3A_817 = tpu.memref_slice %arg9[%add3A_24, %dma_start3A_816] : memref<10240x128xf32, #tpu.memory_space<vmem_shared>> -> memref<80x128xf32, #tpu.memory_space<vmem_shared>>
      %dma_start3A_818 = arith.constant 0 : i32
      %dma_start3A_819 = arith.constant 0 : i32
      %dma_start3A_820 = tpu.memref_slice %arg8[%run_scoped3A_25, %dma_start3A_818, %dma_start3A_819] : memref<2x80x128xf32, #tpu.memory_space<vmem>> -> memref<1x80x128xf32, #tpu.memory_space<vmem>>
      %dma_start3A_821 = tpu.memref_squeeze %dma_start3A_820 : memref<1x80x128xf32, #tpu.memory_space<vmem>> -> memref<80x128xf32, #tpu.memory_space<vmem>>
      tpu.enqueue_dma source(%dma_start3A_821 : memref<80x128xf32, #tpu.memory_space<vmem>>) target(%dma_start3A_817 : memref<80x128xf32, #tpu.memory_space<vmem_shared>>) target_semaphore(%run_scoped3A_809 : memref<!tpu.dma_semaphore, #tpu.memory_space<semaphore_mem>>)
      %dma_wait3A_822 = arith.constant 0 : i32
      %dma_wait3A_823 = arith.constant 0 : i32
      %dma_wait3A_824 = tpu.memref_slice %arg8[%run_scoped3A_25, %dma_wait3A_822, %dma_wait3A_823] : memref<2x80x128xf32, #tpu.memory_space<vmem>> -> memref<1x80x128xf32, #tpu.memory_space<vmem>>
      %dma_wait3A_825 = tpu.memref_squeeze %dma_wait3A_824 : memref<1x80x128xf32, #tpu.memory_space<vmem>> -> memref<80x128xf32, #tpu.memory_space<vmem>>
      %dma_wait3A_826 = arith.constant 0 : i32
      %dma_wait3A_827 = tpu.memref_slice %arg9[%add3A_24, %dma_wait3A_826] : memref<10240x128xf32, #tpu.memory_space<vmem_shared>> -> memref<80x128xf32, #tpu.memory_space<vmem_shared>>
      %dma_wait3A_828 = arith.constant 0 : i32
      %dma_wait3A_829 = tpu.memref_slice %arg9[%add3A_24, %dma_wait3A_828] : memref<10240x128xf32, #tpu.memory_space<vmem_shared>> -> memref<80x128xf32, #tpu.memory_space<vmem_shared>>
      %dma_wait3A_830 = arith.constant 0 : i32
      %dma_wait3A_831 = arith.constant 0 : i32
      %dma_wait3A_832 = tpu.memref_slice %arg8[%run_scoped3A_25, %dma_wait3A_830, %dma_wait3A_831] : memref<2x80x128xf32, #tpu.memory_space<vmem>> -> memref<1x80x128xf32, #tpu.memory_space<vmem>>
      %dma_wait3A_833 = tpu.memref_squeeze %dma_wait3A_832 : memref<1x80x128xf32, #tpu.memory_space<vmem>> -> memref<80x128xf32, #tpu.memory_space<vmem>>
      tpu.wait_dma2 semaphore(%run_scoped3A_809 : memref<!tpu.dma_semaphore, #tpu.memory_space<semaphore_mem>>) src(%dma_wait3A_833 : memref<80x128xf32, #tpu.memory_space<vmem>>) dst(%dma_wait3A_829 : memref<80x128xf32, #tpu.memory_space<vmem_shared>>)
      tpu.yield
    }) : () -> ()
    %mul3A_26 = arith.constant 640 : i32
    %mul3A_27 = arith.muli %arg1, %mul3A_26 : i32
    %add3A_28 = arith.constant 320 : i32
    %add3A_29 = arith.addi %mul3A_27, %add3A_28 : i32
    %run_scoped3A_30 = arith.constant 0 : i32
    "tpu.region"() ({
      %run_scoped3A_809 = tpu.sem_alloc : memref<!tpu.dma_semaphore, #tpu.memory_space<semaphore_mem>>
      %dma_start3A_810 = arith.constant 0 : i32
      %dma_start3A_811 = arith.constant 0 : i32
      %dma_start3A_812 = tpu.memref_slice %arg8[%run_scoped3A_30, %dma_start3A_810, %dma_start3A_811] : memref<2x80x128xf32, #tpu.memory_space<vmem>> -> memref<1x80x128xf32, #tpu.memory_space<vmem>>
      %dma_start3A_813 = tpu.memref_squeeze %dma_start3A_812 : memref<1x80x128xf32, #tpu.memory_space<vmem>> -> memref<80x128xf32, #tpu.memory_space<vmem>>
      %dma_start3A_814 = arith.constant 0 : i32
      %dma_start3A_815 = tpu.memref_slice %arg9[%add3A_29, %dma_start3A_814] : memref<10240x128xf32, #tpu.memory_space<vmem_shared>> -> memref<80x128xf32, #tpu.memory_space<vmem_shared>>
      %dma_start3A_816 = arith.constant 0 : i32
      %dma_start3A_817 = tpu.memref_slice %arg9[%add3A_29, %dma_start3A_816] : memref<10240x128xf32, #tpu.memory_space<vmem_shared>> -> memref<80x128xf32, #tpu.memory_space<vmem_shared>>
      %dma_start3A_818 = arith.constant 0 : i32
      %dma_start3A_819 = arith.constant 0 : i32
      %dma_start3A_820 = tpu.memref_slice %arg8[%run_scoped3A_30, %dma_start3A_818, %dma_start3A_819] : memref<2x80x128xf32, #tpu.memory_space<vmem>> -> memref<1x80x128xf32, #tpu.memory_space<vmem>>
      %dma_start3A_821 = tpu.memref_squeeze %dma_start3A_820 : memref<1x80x128xf32, #tpu.memory_space<vmem>> -> memref<80x128xf32, #tpu.memory_space<vmem>>
      tpu.enqueue_dma source(%dma_start3A_821 : memref<80x128xf32, #tpu.memory_space<vmem>>) target(%dma_start3A_817 : memref<80x128xf32, #tpu.memory_space<vmem_shared>>) target_semaphore(%run_scoped3A_809 : memref<!tpu.dma_semaphore, #tpu.memory_space<semaphore_mem>>)
      %dma_wait3A_822 = arith.constant 0 : i32
      %dma_wait3A_823 = arith.constant 0 : i32
      %dma_wait3A_824 = tpu.memref_slice %arg8[%run_scoped3A_30, %dma_wait3A_822, %dma_wait3A_823] : memref<2x80x128xf32, #tpu.memory_space<vmem>> -> memref<1x80x128xf32, #tpu.memory_space<vmem>>
      %dma_wait3A_825 = tpu.memref_squeeze %dma_wait3A_824 : memref<1x80x128xf32, #tpu.memory_space<vmem>> -> memref<80x128xf32, #tpu.memory_space<vmem>>
      %dma_wait3A_826 = arith.constant 0 : i32
      %dma_wait3A_827 = tpu.memref_slice %arg9[%add3A_29, %dma_wait3A_826] : memref<10240x128xf32, #tpu.memory_space<vmem_shared>> -> memref<80x128xf32, #tpu.memory_space<vmem_shared>>
      %dma_wait3A_828 = arith.constant 0 : i32
      %dma_wait3A_829 = tpu.memref_slice %arg9[%add3A_29, %dma_wait3A_828] : memref<10240x128xf32, #tpu.memory_space<vmem_shared>> -> memref<80x128xf32, #tpu.memory_space<vmem_shared>>
      %dma_wait3A_830 = arith.constant 0 : i32
      %dma_wait3A_831 = arith.constant 0 : i32
      %dma_wait3A_832 = tpu.memref_slice %arg8[%run_scoped3A_30, %dma_wait3A_830, %dma_wait3A_831] : memref<2x80x128xf32, #tpu.memory_space<vmem>> -> memref<1x80x128xf32, #tpu.memory_space<vmem>>
      %dma_wait3A_833 = tpu.memref_squeeze %dma_wait3A_832 : memref<1x80x128xf32, #tpu.memory_space<vmem>> -> memref<80x128xf32, #tpu.memory_space<vmem>>
      tpu.wait_dma2 semaphore(%run_scoped3A_809 : memref<!tpu.dma_semaphore, #tpu.memory_space<semaphore_mem>>) src(%dma_wait3A_833 : memref<80x128xf32, #tpu.memory_space<vmem>>) dst(%dma_wait3A_829 : memref<80x128xf32, #tpu.memory_space<vmem_shared>>)
      tpu.yield
    }) : () -> ()
    %mul3A_31 = arith.constant 640 : i32
    %mul3A_32 = arith.muli %arg1, %mul3A_31 : i32
    %add3A_33 = arith.constant 400 : i32
    %add3A_34 = arith.addi %mul3A_32, %add3A_33 : i32
    %run_scoped3A_35 = arith.constant 0 : i32
    "tpu.region"() ({
      %run_scoped3A_809 = tpu.sem_alloc : memref<!tpu.dma_semaphore, #tpu.memory_space<semaphore_mem>>
      %dma_start3A_810 = arith.constant 0 : i32
      %dma_start3A_811 = arith.constant 0 : i32
      %dma_start3A_812 = tpu.memref_slice %arg8[%run_scoped3A_35, %dma_start3A_810, %dma_start3A_811] : memref<2x80x128xf32, #tpu.memory_space<vmem>> -> memref<1x80x128xf32, #tpu.memory_space<vmem>>
      %dma_start3A_813 = tpu.memref_squeeze %dma_start3A_812 : memref<1x80x128xf32, #tpu.memory_space<vmem>> -> memref<80x128xf32, #tpu.memory_space<vmem>>
      %dma_start3A_814 = arith.constant 0 : i32
      %dma_start3A_815 = tpu.memref_slice %arg9[%add3A_34, %dma_start3A_814] : memref<10240x128xf32, #tpu.memory_space<vmem_shared>> -> memref<80x128xf32, #tpu.memory_space<vmem_shared>>
      %dma_start3A_816 = arith.constant 0 : i32
      %dma_start3A_817 = tpu.memref_slice %arg9[%add3A_34, %dma_start3A_816] : memref<10240x128xf32, #tpu.memory_space<vmem_shared>> -> memref<80x128xf32, #tpu.memory_space<vmem_shared>>
      %dma_start3A_818 = arith.constant 0 : i32
      %dma_start3A_819 = arith.constant 0 : i32
      %dma_start3A_820 = tpu.memref_slice %arg8[%run_scoped3A_35, %dma_start3A_818, %dma_start3A_819] : memref<2x80x128xf32, #tpu.memory_space<vmem>> -> memref<1x80x128xf32, #tpu.memory_space<vmem>>
      %dma_start3A_821 = tpu.memref_squeeze %dma_start3A_820 : memref<1x80x128xf32, #tpu.memory_space<vmem>> -> memref<80x128xf32, #tpu.memory_space<vmem>>
      tpu.enqueue_dma source(%dma_start3A_821 : memref<80x128xf32, #tpu.memory_space<vmem>>) target(%dma_start3A_817 : memref<80x128xf32, #tpu.memory_space<vmem_shared>>) target_semaphore(%run_scoped3A_809 : memref<!tpu.dma_semaphore, #tpu.memory_space<semaphore_mem>>)
      %dma_wait3A_822 = arith.constant 0 : i32
      %dma_wait3A_823 = arith.constant 0 : i32
      %dma_wait3A_824 = tpu.memref_slice %arg8[%run_scoped3A_35, %dma_wait3A_822, %dma_wait3A_823] : memref<2x80x128xf32, #tpu.memory_space<vmem>> -> memref<1x80x128xf32, #tpu.memory_space<vmem>>
      %dma_wait3A_825 = tpu.memref_squeeze %dma_wait3A_824 : memref<1x80x128xf32, #tpu.memory_space<vmem>> -> memref<80x128xf32, #tpu.memory_space<vmem>>
      %dma_wait3A_826 = arith.constant 0 : i32
      %dma_wait3A_827 = tpu.memref_slice %arg9[%add3A_34, %dma_wait3A_826] : memref<10240x128xf32, #tpu.memory_space<vmem_shared>> -> memref<80x128xf32, #tpu.memory_space<vmem_shared>>
      %dma_wait3A_828 = arith.constant 0 : i32
      %dma_wait3A_829 = tpu.memref_slice %arg9[%add3A_34, %dma_wait3A_828] : memref<10240x128xf32, #tpu.memory_space<vmem_shared>> -> memref<80x128xf32, #tpu.memory_space<vmem_shared>>
      %dma_wait3A_830 = arith.constant 0 : i32
      %dma_wait3A_831 = arith.constant 0 : i32
      %dma_wait3A_832 = tpu.memref_slice %arg8[%run_scoped3A_35, %dma_wait3A_830, %dma_wait3A_831] : memref<2x80x128xf32, #tpu.memory_space<vmem>> -> memref<1x80x128xf32, #tpu.memory_space<vmem>>
      %dma_wait3A_833 = tpu.memref_squeeze %dma_wait3A_832 : memref<1x80x128xf32, #tpu.memory_space<vmem>> -> memref<80x128xf32, #tpu.memory_space<vmem>>
      tpu.wait_dma2 semaphore(%run_scoped3A_809 : memref<!tpu.dma_semaphore, #tpu.memory_space<semaphore_mem>>) src(%dma_wait3A_833 : memref<80x128xf32, #tpu.memory_space<vmem>>) dst(%dma_wait3A_829 : memref<80x128xf32, #tpu.memory_space<vmem_shared>>)
      tpu.yield
    }) : () -> ()
    %mul3A_36 = arith.constant 640 : i32
    %mul3A_37 = arith.muli %arg1, %mul3A_36 : i32
    %add3A_38 = arith.constant 480 : i32
    %add3A_39 = arith.addi %mul3A_37, %add3A_38 : i32
    %run_scoped3A_40 = arith.constant 0 : i32
    "tpu.region"() ({
      %run_scoped3A_809 = tpu.sem_alloc : memref<!tpu.dma_semaphore, #tpu.memory_space<semaphore_mem>>
      %dma_start3A_810 = arith.constant 0 : i32
      %dma_start3A_811 = arith.constant 0 : i32
      %dma_start3A_812 = tpu.memref_slice %arg8[%run_scoped3A_40, %dma_start3A_810, %dma_start3A_811] : memref<2x80x128xf32, #tpu.memory_space<vmem>> -> memref<1x80x128xf32, #tpu.memory_space<vmem>>
      %dma_start3A_813 = tpu.memref_squeeze %dma_start3A_812 : memref<1x80x128xf32, #tpu.memory_space<vmem>> -> memref<80x128xf32, #tpu.memory_space<vmem>>
      %dma_start3A_814 = arith.constant 0 : i32
      %dma_start3A_815 = tpu.memref_slice %arg9[%add3A_39, %dma_start3A_814] : memref<10240x128xf32, #tpu.memory_space<vmem_shared>> -> memref<80x128xf32, #tpu.memory_space<vmem_shared>>
      %dma_start3A_816 = arith.constant 0 : i32
      %dma_start3A_817 = tpu.memref_slice %arg9[%add3A_39, %dma_start3A_816] : memref<10240x128xf32, #tpu.memory_space<vmem_shared>> -> memref<80x128xf32, #tpu.memory_space<vmem_shared>>
      %dma_start3A_818 = arith.constant 0 : i32
      %dma_start3A_819 = arith.constant 0 : i32
      %dma_start3A_820 = tpu.memref_slice %arg8[%run_scoped3A_40, %dma_start3A_818, %dma_start3A_819] : memref<2x80x128xf32, #tpu.memory_space<vmem>> -> memref<1x80x128xf32, #tpu.memory_space<vmem>>
      %dma_start3A_821 = tpu.memref_squeeze %dma_start3A_820 : memref<1x80x128xf32, #tpu.memory_space<vmem>> -> memref<80x128xf32, #tpu.memory_space<vmem>>
      tpu.enqueue_dma source(%dma_start3A_821 : memref<80x128xf32, #tpu.memory_space<vmem>>) target(%dma_start3A_817 : memref<80x128xf32, #tpu.memory_space<vmem_shared>>) target_semaphore(%run_scoped3A_809 : memref<!tpu.dma_semaphore, #tpu.memory_space<semaphore_mem>>)
      %dma_wait3A_822 = arith.constant 0 : i32
      %dma_wait3A_823 = arith.constant 0 : i32
      %dma_wait3A_824 = tpu.memref_slice %arg8[%run_scoped3A_40, %dma_wait3A_822, %dma_wait3A_823] : memref<2x80x128xf32, #tpu.memory_space<vmem>> -> memref<1x80x128xf32, #tpu.memory_space<vmem>>
      %dma_wait3A_825 = tpu.memref_squeeze %dma_wait3A_824 : memref<1x80x128xf32, #tpu.memory_space<vmem>> -> memref<80x128xf32, #tpu.memory_space<vmem>>
      %dma_wait3A_826 = arith.constant 0 : i32
      %dma_wait3A_827 = tpu.memref_slice %arg9[%add3A_39, %dma_wait3A_826] : memref<10240x128xf32, #tpu.memory_space<vmem_shared>> -> memref<80x128xf32, #tpu.memory_space<vmem_shared>>
      %dma_wait3A_828 = arith.constant 0 : i32
      %dma_wait3A_829 = tpu.memref_slice %arg9[%add3A_39, %dma_wait3A_828] : memref<10240x128xf32, #tpu.memory_space<vmem_shared>> -> memref<80x128xf32, #tpu.memory_space<vmem_shared>>
      %dma_wait3A_830 = arith.constant 0 : i32
      %dma_wait3A_831 = arith.constant 0 : i32
      %dma_wait3A_832 = tpu.memref_slice %arg8[%run_scoped3A_40, %dma_wait3A_830, %dma_wait3A_831] : memref<2x80x128xf32, #tpu.memory_space<vmem>> -> memref<1x80x128xf32, #tpu.memory_space<vmem>>
      %dma_wait3A_833 = tpu.memref_squeeze %dma_wait3A_832 : memref<1x80x128xf32, #tpu.memory_space<vmem>> -> memref<80x128xf32, #tpu.memory_space<vmem>>
      tpu.wait_dma2 semaphore(%run_scoped3A_809 : memref<!tpu.dma_semaphore, #tpu.memory_space<semaphore_mem>>) src(%dma_wait3A_833 : memref<80x128xf32, #tpu.memory_space<vmem>>) dst(%dma_wait3A_829 : memref<80x128xf32, #tpu.memory_space<vmem_shared>>)
      tpu.yield
    }) : () -> ()
    %mul3A_41 = arith.constant 640 : i32
    %mul3A_42 = arith.muli %arg1, %mul3A_41 : i32
    %add3A_43 = arith.constant 560 : i32
    %add3A_44 = arith.addi %mul3A_42, %add3A_43 : i32
    %run_scoped3A_45 = arith.constant 0 : i32
    "tpu.region"() ({
      %run_scoped3A_809 = tpu.sem_alloc : memref<!tpu.dma_semaphore, #tpu.memory_space<semaphore_mem>>
      %dma_start3A_810 = arith.constant 0 : i32
      %dma_start3A_811 = arith.constant 0 : i32
      %dma_start3A_812 = tpu.memref_slice %arg8[%run_scoped3A_45, %dma_start3A_810, %dma_start3A_811] : memref<2x80x128xf32, #tpu.memory_space<vmem>> -> memref<1x80x128xf32, #tpu.memory_space<vmem>>
      %dma_start3A_813 = tpu.memref_squeeze %dma_start3A_812 : memref<1x80x128xf32, #tpu.memory_space<vmem>> -> memref<80x128xf32, #tpu.memory_space<vmem>>
      %dma_start3A_814 = arith.constant 0 : i32
      %dma_start3A_815 = tpu.memref_slice %arg9[%add3A_44, %dma_start3A_814] : memref<10240x128xf32, #tpu.memory_space<vmem_shared>> -> memref<80x128xf32, #tpu.memory_space<vmem_shared>>
      %dma_start3A_816 = arith.constant 0 : i32
      %dma_start3A_817 = tpu.memref_slice %arg9[%add3A_44, %dma_start3A_816] : memref<10240x128xf32, #tpu.memory_space<vmem_shared>> -> memref<80x128xf32, #tpu.memory_space<vmem_shared>>
      %dma_start3A_818 = arith.constant 0 : i32
      %dma_start3A_819 = arith.constant 0 : i32
      %dma_start3A_820 = tpu.memref_slice %arg8[%run_scoped3A_45, %dma_start3A_818, %dma_start3A_819] : memref<2x80x128xf32, #tpu.memory_space<vmem>> -> memref<1x80x128xf32, #tpu.memory_space<vmem>>
      %dma_start3A_821 = tpu.memref_squeeze %dma_start3A_820 : memref<1x80x128xf32, #tpu.memory_space<vmem>> -> memref<80x128xf32, #tpu.memory_space<vmem>>
      tpu.enqueue_dma source(%dma_start3A_821 : memref<80x128xf32, #tpu.memory_space<vmem>>) target(%dma_start3A_817 : memref<80x128xf32, #tpu.memory_space<vmem_shared>>) target_semaphore(%run_scoped3A_809 : memref<!tpu.dma_semaphore, #tpu.memory_space<semaphore_mem>>)
      %dma_wait3A_822 = arith.constant 0 : i32
      %dma_wait3A_823 = arith.constant 0 : i32
      %dma_wait3A_824 = tpu.memref_slice %arg8[%run_scoped3A_45, %dma_wait3A_822, %dma_wait3A_823] : memref<2x80x128xf32, #tpu.memory_space<vmem>> -> memref<1x80x128xf32, #tpu.memory_space<vmem>>
      %dma_wait3A_825 = tpu.memref_squeeze %dma_wait3A_824 : memref<1x80x128xf32, #tpu.memory_space<vmem>> -> memref<80x128xf32, #tpu.memory_space<vmem>>
      %dma_wait3A_826 = arith.constant 0 : i32
      %dma_wait3A_827 = tpu.memref_slice %arg9[%add3A_44, %dma_wait3A_826] : memref<10240x128xf32, #tpu.memory_space<vmem_shared>> -> memref<80x128xf32, #tpu.memory_space<vmem_shared>>
      %dma_wait3A_828 = arith.constant 0 : i32
      %dma_wait3A_829 = tpu.memref_slice %arg9[%add3A_44, %dma_wait3A_828] : memref<10240x128xf32, #tpu.memory_space<vmem_shared>> -> memref<80x128xf32, #tpu.memory_space<vmem_shared>>
      %dma_wait3A_830 = arith.constant 0 : i32
      %dma_wait3A_831 = arith.constant 0 : i32
      %dma_wait3A_832 = tpu.memref_slice %arg8[%run_scoped3A_45, %dma_wait3A_830, %dma_wait3A_831] : memref<2x80x128xf32, #tpu.memory_space<vmem>> -> memref<1x80x128xf32, #tpu.memory_space<vmem>>
      %dma_wait3A_833 = tpu.memref_squeeze %dma_wait3A_832 : memref<1x80x128xf32, #tpu.memory_space<vmem>> -> memref<80x128xf32, #tpu.memory_space<vmem>>
      tpu.wait_dma2 semaphore(%run_scoped3A_809 : memref<!tpu.dma_semaphore, #tpu.memory_space<semaphore_mem>>) src(%dma_wait3A_833 : memref<80x128xf32, #tpu.memory_space<vmem>>) dst(%dma_wait3A_829 : memref<80x128xf32, #tpu.memory_space<vmem_shared>>)
      tpu.yield
    }) : () -> ()
    %barrier3A = arith.constant 0 : index
    tpu.barrier barrier_id(%barrier3A)
    %run_scoped3A_46 = arith.constant 0 : i32
    "tpu.region"() ({
      %run_scoped3A_809 = tpu.sem_alloc : memref<!tpu.dma_semaphore, #tpu.memory_space<semaphore_mem>>
      %dma_start3A_810 = arith.constant 0 : i32
      %dma_start3A_811 = arith.constant 0 : i32
      %dma_start3A_812 = tpu.memref_slice %arg3[%add3A, %run_scoped3A_46, %dma_start3A_810, %dma_start3A_811] : memref<32x5x25x80xi32, #tpu.memory_space<hbm>> -> memref<1x1x25x80xi32, #tpu.memory_space<hbm>>
      %dma_start3A_813 = tpu.memref_squeeze %dma_start3A_812 : memref<1x1x25x80xi32, #tpu.memory_space<hbm>> -> memref<25x80xi32, #tpu.memory_space<hbm>>
      %dma_start3A_814 = arith.constant 0 : i32
      %dma_start3A_815 = arith.constant 0 : i32
      %dma_start3A_816 = tpu.memref_slice %arg3[%add3A, %run_scoped3A_46, %dma_start3A_814, %dma_start3A_815] : memref<32x5x25x80xi32, #tpu.memory_space<hbm>> -> memref<1x1x25x80xi32, #tpu.memory_space<hbm>>
      %dma_start3A_817 = tpu.memref_squeeze %dma_start3A_816 : memref<1x1x25x80xi32, #tpu.memory_space<hbm>> -> memref<25x80xi32, #tpu.memory_space<hbm>>
      tpu.enqueue_dma source(%dma_start3A_817 : memref<25x80xi32, #tpu.memory_space<hbm>>) target(%arg6 : memref<25x80xi32, #tpu.memory_space<vmem>>) target_semaphore(%run_scoped3A_809 : memref<!tpu.dma_semaphore, #tpu.memory_space<semaphore_mem>>)
      %dma_wait3A_818 = arith.constant 0 : i32
      %dma_wait3A_819 = arith.constant 0 : i32
      %dma_wait3A_820 = tpu.memref_slice %arg3[%add3A, %run_scoped3A_46, %dma_wait3A_818, %dma_wait3A_819] : memref<32x5x25x80xi32, #tpu.memory_space<hbm>> -> memref<1x1x25x80xi32, #tpu.memory_space<hbm>>
      %dma_wait3A_821 = tpu.memref_squeeze %dma_wait3A_820 : memref<1x1x25x80xi32, #tpu.memory_space<hbm>> -> memref<25x80xi32, #tpu.memory_space<hbm>>
      %dma_wait3A_822 = arith.constant 0 : i32
      %dma_wait3A_823 = arith.constant 0 : i32
      %dma_wait3A_824 = tpu.memref_slice %arg3[%add3A, %run_scoped3A_46, %dma_wait3A_822, %dma_wait3A_823] : memref<32x5x25x80xi32, #tpu.memory_space<hbm>> -> memref<1x1x25x80xi32, #tpu.memory_space<hbm>>
      %dma_wait3A_825 = tpu.memref_squeeze %dma_wait3A_824 : memref<1x1x25x80xi32, #tpu.memory_space<hbm>> -> memref<25x80xi32, #tpu.memory_space<hbm>>
      tpu.wait_dma2 semaphore(%run_scoped3A_809 : memref<!tpu.dma_semaphore, #tpu.memory_space<semaphore_mem>>) src(%dma_wait3A_825 : memref<25x80xi32, #tpu.memory_space<hbm>>) dst(%arg6 : memref<25x80xi32, #tpu.memory_space<vmem>>)
      tpu.yield
    }) : () -> ()
    %run_scoped3A_47 = arith.constant 0 : i32
    "tpu.region"() ({
      %run_scoped3A_809 = tpu.sem_alloc : memref<!tpu.dma_semaphore, #tpu.memory_space<semaphore_mem>>
      %dma_start3A_810 = arith.constant 0 : i32
      %dma_start3A_811 = arith.constant 0 : i32
      %dma_start3A_812 = tpu.memref_slice %arg4[%add3A, %run_scoped3A_47, %dma_start3A_810, %dma_start3A_811] : memref<32x5x25x80xi32, #tpu.memory_space<hbm>> -> memref<1x1x25x80xi32, #tpu.memory_space<hbm>>
      %dma_start3A_813 = tpu.memref_squeeze %dma_start3A_812 : memref<1x1x25x80xi32, #tpu.memory_space<hbm>> -> memref<25x80xi32, #tpu.memory_space<hbm>>
      %dma_start3A_814 = arith.constant 0 : i32
      %dma_start3A_815 = arith.constant 0 : i32
      %dma_start3A_816 = tpu.memref_slice %arg4[%add3A, %run_scoped3A_47, %dma_start3A_814, %dma_start3A_815] : memref<32x5x25x80xi32, #tpu.memory_space<hbm>> -> memref<1x1x25x80xi32, #tpu.memory_space<hbm>>
      %dma_start3A_817 = tpu.memref_squeeze %dma_start3A_816 : memref<1x1x25x80xi32, #tpu.memory_space<hbm>> -> memref<25x80xi32, #tpu.memory_space<hbm>>
      tpu.enqueue_dma source(%dma_start3A_817 : memref<25x80xi32, #tpu.memory_space<hbm>>) target(%arg7 : memref<25x80xi32, #tpu.memory_space<vmem>>) target_semaphore(%run_scoped3A_809 : memref<!tpu.dma_semaphore, #tpu.memory_space<semaphore_mem>>)
      %dma_wait3A_818 = arith.constant 0 : i32
      %dma_wait3A_819 = arith.constant 0 : i32
      %dma_wait3A_820 = tpu.memref_slice %arg4[%add3A, %run_scoped3A_47, %dma_wait3A_818, %dma_wait3A_819] : memref<32x5x25x80xi32, #tpu.memory_space<hbm>> -> memref<1x1x25x80xi32, #tpu.memory_space<hbm>>
      %dma_wait3A_821 = tpu.memref_squeeze %dma_wait3A_820 : memref<1x1x25x80xi32, #tpu.memory_space<hbm>> -> memref<25x80xi32, #tpu.memory_space<hbm>>
      %dma_wait3A_822 = arith.constant 0 : i32
      %dma_wait3A_823 = arith.constant 0 : i32
      %dma_wait3A_824 = tpu.memref_slice %arg4[%add3A, %run_scoped3A_47, %dma_wait3A_822, %dma_wait3A_823] : memref<32x5x25x80xi32, #tpu.memory_space<hbm>> -> memref<1x1x25x80xi32, #tpu.memory_space<hbm>>
      %dma_wait3A_825 = tpu.memref_squeeze %dma_wait3A_824 : memref<1x1x25x80xi32, #tpu.memory_space<hbm>> -> memref<25x80xi32, #tpu.memory_space<hbm>>
      tpu.wait_dma2 semaphore(%run_scoped3A_809 : memref<!tpu.dma_semaphore, #tpu.memory_space<semaphore_mem>>) src(%dma_wait3A_825 : memref<25x80xi32, #tpu.memory_space<hbm>>) dst(%arg7 : memref<25x80xi32, #tpu.memory_space<vmem>>)
      tpu.yield
    }) : () -> ()
    %dma_start3A = arith.constant 0 : i32
    %dma_start3A_48 = arith.constant 0 : i32
    %dma_start3A_49 = arith.constant 0 : i32
    %dma_start3A_50 = arith.constant 0 : i32
    %dma_start3A_51 = tpu.memref_slice %arg8[%dma_start3A_48, %dma_start3A_49, %dma_start3A_50] : memref<2x80x128xf32, #tpu.memory_space<vmem>> -> memref<1x80x128xf32, #tpu.memory_space<vmem>>
    %dma_start3A_52 = tpu.memref_squeeze %dma_start3A_51 : memref<1x80x128xf32, #tpu.memory_space<vmem>> -> memref<80x128xf32, #tpu.memory_space<vmem>>
    %dma_start3A_53 = arith.constant 0 : i32
    %dma_start3A_54 = tpu.memref_slice %arg6[%dma_start3A, %dma_start3A_53] : memref<25x80xi32, #tpu.memory_space<vmem>> -> memref<1x80xi32, #tpu.memory_space<vmem>>
    %dma_start3A_55 = tpu.memref_squeeze %dma_start3A_54 : memref<1x80xi32, #tpu.memory_space<vmem>> -> memref<80xi32, #tpu.memory_space<vmem>>
    %dma_start3A_56 = arith.constant 0 : i32
    %dma_start3A_57 = arith.constant 0 : i32
    %dma_start3A_58 = tpu.memref_slice %arg2[%dma_start3A_56, %dma_start3A_57] : memref<10000x128xf32, #tpu.memory_space<hbm>> -> memref<10000x128xf32, #tpu.memory_space<hbm>>
    tpu.enqueue_indirect_dma source(%dma_start3A_58 : memref<10000x128xf32, #tpu.memory_space<hbm>>) target(%dma_start3A_52 : memref<80x128xf32, #tpu.memory_space<vmem>>) offsets(%dma_start3A_55 : memref<80xi32, #tpu.memory_space<vmem>>) semaphore(%arg10 : memref<!tpu.dma_semaphore, #tpu.memory_space<semaphore_mem>>)
    %dma_start3A_59 = arith.constant 1 : i32
    %dma_start3A_60 = arith.constant 1 : i32
    %dma_start3A_61 = arith.constant 0 : i32
    %dma_start3A_62 = arith.constant 0 : i32
    %dma_start3A_63 = tpu.memref_slice %arg8[%dma_start3A_60, %dma_start3A_61, %dma_start3A_62] : memref<2x80x128xf32, #tpu.memory_space<vmem>> -> memref<1x80x128xf32, #tpu.memory_space<vmem>>
    %dma_start3A_64 = tpu.memref_squeeze %dma_start3A_63 : memref<1x80x128xf32, #tpu.memory_space<vmem>> -> memref<80x128xf32, #tpu.memory_space<vmem>>
    %dma_start3A_65 = arith.constant 0 : i32
    %dma_start3A_66 = tpu.memref_slice %arg6[%dma_start3A_59, %dma_start3A_65] : memref<25x80xi32, #tpu.memory_space<vmem>> -> memref<1x80xi32, #tpu.memory_space<vmem>>
    %dma_start3A_67 = tpu.memref_squeeze %dma_start3A_66 : memref<1x80xi32, #tpu.memory_space<vmem>> -> memref<80xi32, #tpu.memory_space<vmem>>
    %dma_start3A_68 = arith.constant 0 : i32
    %dma_start3A_69 = arith.constant 0 : i32
    %dma_start3A_70 = tpu.memref_slice %arg2[%dma_start3A_68, %dma_start3A_69] : memref<10000x128xf32, #tpu.memory_space<hbm>> -> memref<10000x128xf32, #tpu.memory_space<hbm>>
    tpu.enqueue_indirect_dma source(%dma_start3A_70 : memref<10000x128xf32, #tpu.memory_space<hbm>>) target(%dma_start3A_64 : memref<80x128xf32, #tpu.memory_space<vmem>>) offsets(%dma_start3A_67 : memref<80xi32, #tpu.memory_space<vmem>>) semaphore(%arg11 : memref<!tpu.dma_semaphore, #tpu.memory_space<semaphore_mem>>)
    %scan3A_71 = arith.constant 0 : i32
    %scan3A_72 = arith.constant 0 : i32
    %scan3A_73 = arith.constant 11 : i32
    %scan3A_74 = arith.addi %scan3A_72, %scan3A_73 : i32
    %scan3A_75 = arith.constant 1 : i32
    scf.for %scan3A_809 = %scan3A_72 to %scan3A_74 step %scan3A_75  : i32 {
      %mul3A_810 = arith.constant 2 : i32
      %mul3A_811 = arith.muli %scan3A_809, %mul3A_810 : i32
      %add3A_812 = arith.constant 0 : i32
      %add3A_813 = arith.addi %mul3A_811, %add3A_812 : i32
      %dma_wait3A_814 = arith.constant 0 : i32
      %dma_wait3A_815 = arith.constant 0 : i32
      %dma_wait3A_816 = arith.constant 0 : i32
      %dma_wait3A_817 = tpu.memref_slice %arg8[%dma_wait3A_814, %dma_wait3A_815, %dma_wait3A_816] : memref<2x80x128xf32, #tpu.memory_space<vmem>> -> memref<1x80x128xf32, #tpu.memory_space<vmem>>
      %dma_wait3A_818 = tpu.memref_squeeze %dma_wait3A_817 : memref<1x80x128xf32, #tpu.memory_space<vmem>> -> memref<80x128xf32, #tpu.memory_space<vmem>>
      %dma_wait3A_819 = arith.constant 0 : i32
      %dma_wait3A_820 = tpu.memref_slice %arg6[%add3A_813, %dma_wait3A_819] : memref<25x80xi32, #tpu.memory_space<vmem>> -> memref<1x80xi32, #tpu.memory_space<vmem>>
      %dma_wait3A_821 = tpu.memref_squeeze %dma_wait3A_820 : memref<1x80xi32, #tpu.memory_space<vmem>> -> memref<80xi32, #tpu.memory_space<vmem>>
      %dma_wait3A_822 = arith.constant 0 : i32
      %dma_wait3A_823 = arith.constant 0 : i32
      %dma_wait3A_824 = tpu.memref_slice %arg2[%dma_wait3A_822, %dma_wait3A_823] : memref<10000x128xf32, #tpu.memory_space<hbm>> -> memref<10000x128xf32, #tpu.memory_space<hbm>>
      tpu.wait_indirect_dma semaphore(%arg10 : memref<!tpu.dma_semaphore, #tpu.memory_space<semaphore_mem>>) src(%dma_wait3A_824 : memref<10000x128xf32, #tpu.memory_space<hbm>>) dst(%dma_wait3A_818 : memref<80x128xf32, #tpu.memory_space<vmem>>)
      %add3A_825 = arith.constant 0 : i32
      %add3A_826 = arith.addi %mul3A_811, %add3A_825 : i32
      %dma_start3A_827 = arith.constant 0 : i32
      %dma_start3A_828 = arith.constant 0 : i32
      %dma_start3A_829 = arith.constant 0 : i32
      %dma_start3A_830 = tpu.memref_slice %arg8[%dma_start3A_827, %dma_start3A_828, %dma_start3A_829] : memref<2x80x128xf32, #tpu.memory_space<vmem>> -> memref<1x80x128xf32, #tpu.memory_space<vmem>>
      %dma_start3A_831 = tpu.memref_squeeze %dma_start3A_830 : memref<1x80x128xf32, #tpu.memory_space<vmem>> -> memref<80x128xf32, #tpu.memory_space<vmem>>
      %dma_start3A_832 = arith.constant 0 : i32
      %dma_start3A_833 = tpu.memref_slice %arg7[%add3A_826, %dma_start3A_832] : memref<25x80xi32, #tpu.memory_space<vmem>> -> memref<1x80xi32, #tpu.memory_space<vmem>>
      %dma_start3A_834 = tpu.memref_squeeze %dma_start3A_833 : memref<1x80xi32, #tpu.memory_space<vmem>> -> memref<80xi32, #tpu.memory_space<vmem>>
      %dma_start3A_835 = arith.constant 0 : i32
      %dma_start3A_836 = arith.constant 0 : i32
      %dma_start3A_837 = tpu.memref_slice %arg9[%dma_start3A_835, %dma_start3A_836] : memref<10240x128xf32, #tpu.memory_space<vmem_shared>> -> memref<10240x128xf32, #tpu.memory_space<vmem_shared>>
      tpu.enqueue_indirect_dma source(%dma_start3A_831 : memref<80x128xf32, #tpu.memory_space<vmem>>) target(%dma_start3A_837 : memref<10240x128xf32, #tpu.memory_space<vmem_shared>>) offsets(%dma_start3A_834 : memref<80xi32, #tpu.memory_space<vmem>>) semaphore(%arg12 : memref<!tpu.dma_semaphore, #tpu.memory_space<semaphore_mem>>) {add = true}
      %dma_wait3A_838 = arith.constant 0 : i32
      %dma_wait3A_839 = arith.constant 0 : i32
      %dma_wait3A_840 = arith.constant 0 : i32
      %dma_wait3A_841 = tpu.memref_slice %arg8[%dma_wait3A_838, %dma_wait3A_839, %dma_wait3A_840] : memref<2x80x128xf32, #tpu.memory_space<vmem>> -> memref<1x80x128xf32, #tpu.memory_space<vmem>>
      %dma_wait3A_842 = tpu.memref_squeeze %dma_wait3A_841 : memref<1x80x128xf32, #tpu.memory_space<vmem>> -> memref<80x128xf32, #tpu.memory_space<vmem>>
      %dma_wait3A_843 = arith.constant 0 : i32
      %dma_wait3A_844 = tpu.memref_slice %arg7[%add3A_826, %dma_wait3A_843] : memref<25x80xi32, #tpu.memory_space<vmem>> -> memref<1x80xi32, #tpu.memory_space<vmem>>
      %dma_wait3A_845 = tpu.memref_squeeze %dma_wait3A_844 : memref<1x80xi32, #tpu.memory_space<vmem>> -> memref<80xi32, #tpu.memory_space<vmem>>
      %dma_wait3A_846 = arith.constant 0 : i32
      %dma_wait3A_847 = arith.constant 0 : i32
      %dma_wait3A_848 = tpu.memref_slice %arg9[%dma_wait3A_846, %dma_wait3A_847] : memref<10240x128xf32, #tpu.memory_space<vmem_shared>> -> memref<10240x128xf32, #tpu.memory_space<vmem_shared>>
      tpu.wait_indirect_dma semaphore(%arg12 : memref<!tpu.dma_semaphore, #tpu.memory_space<semaphore_mem>>) src(%dma_wait3A_842 : memref<80x128xf32, #tpu.memory_space<vmem>>) dst(%dma_wait3A_848 : memref<10240x128xf32, #tpu.memory_space<vmem_shared>>)
      %add3A_849 = arith.constant 0 : i32
      %add3A_850 = arith.addi %mul3A_811, %add3A_849 : i32
      %add3A_851 = arith.constant 2 : i32
      %add3A_852 = arith.addi %add3A_850, %add3A_851 : i32
      %dma_start3A_853 = arith.constant 0 : i32
      %dma_start3A_854 = arith.constant 0 : i32
      %dma_start3A_855 = arith.constant 0 : i32
      %dma_start3A_856 = tpu.memref_slice %arg8[%dma_start3A_853, %dma_start3A_854, %dma_start3A_855] : memref<2x80x128xf32, #tpu.memory_space<vmem>> -> memref<1x80x128xf32, #tpu.memory_space<vmem>>
      %dma_start3A_857 = tpu.memref_squeeze %dma_start3A_856 : memref<1x80x128xf32, #tpu.memory_space<vmem>> -> memref<80x128xf32, #tpu.memory_space<vmem>>
      %dma_start3A_858 = arith.constant 0 : i32
      %dma_start3A_859 = tpu.memref_slice %arg6[%add3A_852, %dma_start3A_858] : memref<25x80xi32, #tpu.memory_space<vmem>> -> memref<1x80xi32, #tpu.memory_space<vmem>>
      %dma_start3A_860 = tpu.memref_squeeze %dma_start3A_859 : memref<1x80xi32, #tpu.memory_space<vmem>> -> memref<80xi32, #tpu.memory_space<vmem>>
      %dma_start3A_861 = arith.constant 0 : i32
      %dma_start3A_862 = arith.constant 0 : i32
      %dma_start3A_863 = tpu.memref_slice %arg2[%dma_start3A_861, %dma_start3A_862] : memref<10000x128xf32, #tpu.memory_space<hbm>> -> memref<10000x128xf32, #tpu.memory_space<hbm>>
      tpu.enqueue_indirect_dma source(%dma_start3A_863 : memref<10000x128xf32, #tpu.memory_space<hbm>>) target(%dma_start3A_857 : memref<80x128xf32, #tpu.memory_space<vmem>>) offsets(%dma_start3A_860 : memref<80xi32, #tpu.memory_space<vmem>>) semaphore(%arg10 : memref<!tpu.dma_semaphore, #tpu.memory_space<semaphore_mem>>)
      %add3A_864 = arith.constant 1 : i32
      %add3A_865 = arith.addi %mul3A_811, %add3A_864 : i32
      %dma_wait3A_866 = arith.constant 1 : i32
      %dma_wait3A_867 = arith.constant 0 : i32
      %dma_wait3A_868 = arith.constant 0 : i32
      %dma_wait3A_869 = tpu.memref_slice %arg8[%dma_wait3A_866, %dma_wait3A_867, %dma_wait3A_868] : memref<2x80x128xf32, #tpu.memory_space<vmem>> -> memref<1x80x128xf32, #tpu.memory_space<vmem>>
      %dma_wait3A_870 = tpu.memref_squeeze %dma_wait3A_869 : memref<1x80x128xf32, #tpu.memory_space<vmem>> -> memref<80x128xf32, #tpu.memory_space<vmem>>
      %dma_wait3A_871 = arith.constant 0 : i32
      %dma_wait3A_872 = tpu.memref_slice %arg6[%add3A_865, %dma_wait3A_871] : memref<25x80xi32, #tpu.memory_space<vmem>> -> memref<1x80xi32, #tpu.memory_space<vmem>>
      %dma_wait3A_873 = tpu.memref_squeeze %dma_wait3A_872 : memref<1x80xi32, #tpu.memory_space<vmem>> -> memref<80xi32, #tpu.memory_space<vmem>>
      %dma_wait3A_874 = arith.constant 0 : i32
      %dma_wait3A_875 = arith.constant 0 : i32
      %dma_wait3A_876 = tpu.memref_slice %arg2[%dma_wait3A_874, %dma_wait3A_875] : memref<10000x128xf32, #tpu.memory_space<hbm>> -> memref<10000x128xf32, #tpu.memory_space<hbm>>
      tpu.wait_indirect_dma semaphore(%arg11 : memref<!tpu.dma_semaphore, #tpu.memory_space<semaphore_mem>>) src(%dma_wait3A_876 : memref<10000x128xf32, #tpu.memory_space<hbm>>) dst(%dma_wait3A_870 : memref<80x128xf32, #tpu.memory_space<vmem>>)
      %add3A_877 = arith.constant 1 : i32
      %add3A_878 = arith.addi %mul3A_811, %add3A_877 : i32
      %dma_start3A_879 = arith.constant 1 : i32
      %dma_start3A_880 = arith.constant 0 : i32
      %dma_start3A_881 = arith.constant 0 : i32
      %dma_start3A_882 = tpu.memref_slice %arg8[%dma_start3A_879, %dma_start3A_880, %dma_start3A_881] : memref<2x80x128xf32, #tpu.memory_space<vmem>> -> memref<1x80x128xf32, #tpu.memory_space<vmem>>
      %dma_start3A_883 = tpu.memref_squeeze %dma_start3A_882 : memref<1x80x128xf32, #tpu.memory_space<vmem>> -> memref<80x128xf32, #tpu.memory_space<vmem>>
      %dma_start3A_884 = arith.constant 0 : i32
      %dma_start3A_885 = tpu.memref_slice %arg7[%add3A_878, %dma_start3A_884] : memref<25x80xi32, #tpu.memory_space<vmem>> -> memref<1x80xi32, #tpu.memory_space<vmem>>
      %dma_start3A_886 = tpu.memref_squeeze %dma_start3A_885 : memref<1x80xi32, #tpu.memory_space<vmem>> -> memref<80xi32, #tpu.memory_space<vmem>>
      %dma_start3A_887 = arith.constant 0 : i32
      %dma_start3A_888 = arith.constant 0 : i32
      %dma_start3A_889 = tpu.memref_slice %arg9[%dma_start3A_887, %dma_start3A_888] : memref<10240x128xf32, #tpu.memory_space<vmem_shared>> -> memref<10240x128xf32, #tpu.memory_space<vmem_shared>>
      tpu.enqueue_indirect_dma source(%dma_start3A_883 : memref<80x128xf32, #tpu.memory_space<vmem>>) target(%dma_start3A_889 : memref<10240x128xf32, #tpu.memory_space<vmem_shared>>) offsets(%dma_start3A_886 : memref<80xi32, #tpu.memory_space<vmem>>) semaphore(%arg12 : memref<!tpu.dma_semaphore, #tpu.memory_space<semaphore_mem>>) {add = true}
      %dma_wait3A_890 = arith.constant 1 : i32
      %dma_wait3A_891 = arith.constant 0 : i32
      %dma_wait3A_892 = arith.constant 0 : i32
      %dma_wait3A_893 = tpu.memref_slice %arg8[%dma_wait3A_890, %dma_wait3A_891, %dma_wait3A_892] : memref<2x80x128xf32, #tpu.memory_space<vmem>> -> memref<1x80x128xf32, #tpu.memory_space<vmem>>
      %dma_wait3A_894 = tpu.memref_squeeze %dma_wait3A_893 : memref<1x80x128xf32, #tpu.memory_space<vmem>> -> memref<80x128xf32, #tpu.memory_space<vmem>>
      %dma_wait3A_895 = arith.constant 0 : i32
      %dma_wait3A_896 = tpu.memref_slice %arg7[%add3A_878, %dma_wait3A_895] : memref<25x80xi32, #tpu.memory_space<vmem>> -> memref<1x80xi32, #tpu.memory_space<vmem>>
      %dma_wait3A_897 = tpu.memref_squeeze %dma_wait3A_896 : memref<1x80xi32, #tpu.memory_space<vmem>> -> memref<80xi32, #tpu.memory_space<vmem>>
      %dma_wait3A_898 = arith.constant 0 : i32
      %dma_wait3A_899 = arith.constant 0 : i32
      %dma_wait3A_900 = tpu.memref_slice %arg9[%dma_wait3A_898, %dma_wait3A_899] : memref<10240x128xf32, #tpu.memory_space<vmem_shared>> -> memref<10240x128xf32, #tpu.memory_space<vmem_shared>>
      tpu.wait_indirect_dma semaphore(%arg12 : memref<!tpu.dma_semaphore, #tpu.memory_space<semaphore_mem>>) src(%dma_wait3A_894 : memref<80x128xf32, #tpu.memory_space<vmem>>) dst(%dma_wait3A_900 : memref<10240x128xf32, #tpu.memory_space<vmem_shared>>)
      %add3A_901 = arith.constant 1 : i32
      %add3A_902 = arith.addi %mul3A_811, %add3A_901 : i32
      %add3A_903 = arith.constant 2 : i32
      %add3A_904 = arith.addi %add3A_902, %add3A_903 : i32
      %dma_start3A_905 = arith.constant 1 : i32
      %dma_start3A_906 = arith.constant 0 : i32
      %dma_start3A_907 = arith.constant 0 : i32
      %dma_start3A_908 = tpu.memref_slice %arg8[%dma_start3A_905, %dma_start3A_906, %dma_start3A_907] : memref<2x80x128xf32, #tpu.memory_space<vmem>> -> memref<1x80x128xf32, #tpu.memory_space<vmem>>
      %dma_start3A_909 = tpu.memref_squeeze %dma_start3A_908 : memref<1x80x128xf32, #tpu.memory_space<vmem>> -> memref<80x128xf32, #tpu.memory_space<vmem>>
      %dma_start3A_910 = arith.constant 0 : i32
      %dma_start3A_911 = tpu.memref_slice %arg6[%add3A_904, %dma_start3A_910] : memref<25x80xi32, #tpu.memory_space<vmem>> -> memref<1x80xi32, #tpu.memory_space<vmem>>
      %dma_start3A_912 = tpu.memref_squeeze %dma_start3A_911 : memref<1x80xi32, #tpu.memory_space<vmem>> -> memref<80xi32, #tpu.memory_space<vmem>>
      %dma_start3A_913 = arith.constant 0 : i32
      %dma_start3A_914 = arith.constant 0 : i32
      %dma_start3A_915 = tpu.memref_slice %arg2[%dma_start3A_913, %dma_start3A_914] : memref<10000x128xf32, #tpu.memory_space<hbm>> -> memref<10000x128xf32, #tpu.memory_space<hbm>>
      tpu.enqueue_indirect_dma source(%dma_start3A_915 : memref<10000x128xf32, #tpu.memory_space<hbm>>) target(%dma_start3A_909 : memref<80x128xf32, #tpu.memory_space<vmem>>) offsets(%dma_start3A_912 : memref<80xi32, #tpu.memory_space<vmem>>) semaphore(%arg11 : memref<!tpu.dma_semaphore, #tpu.memory_space<semaphore_mem>>)
    }
    %scan3A_76 = arith.constant 11 : i32
    %dma_wait3A = arith.constant 22 : i32
    %dma_wait3A_77 = arith.constant 0 : i32
    %dma_wait3A_78 = arith.constant 0 : i32
    %dma_wait3A_79 = arith.constant 0 : i32
    %dma_wait3A_80 = tpu.memref_slice %arg8[%dma_wait3A_77, %dma_wait3A_78, %dma_wait3A_79] : memref<2x80x128xf32, #tpu.memory_space<vmem>> -> memref<1x80x128xf32, #tpu.memory_space<vmem>>
    %dma_wait3A_81 = tpu.memref_squeeze %dma_wait3A_80 : memref<1x80x128xf32, #tpu.memory_space<vmem>> -> memref<80x128xf32, #tpu.memory_space<vmem>>
    %dma_wait3A_82 = arith.constant 0 : i32
    %dma_wait3A_83 = tpu.memref_slice %arg6[%dma_wait3A, %dma_wait3A_82] : memref<25x80xi32, #tpu.memory_space<vmem>> -> memref<1x80xi32, #tpu.memory_space<vmem>>
    %dma_wait3A_84 = tpu.memref_squeeze %dma_wait3A_83 : memref<1x80xi32, #tpu.memory_space<vmem>> -> memref<80xi32, #tpu.memory_space<vmem>>
    %dma_wait3A_85 = arith.constant 0 : i32
    %dma_wait3A_86 = arith.constant 0 : i32
    %dma_wait3A_87 = tpu.memref_slice %arg2[%dma_wait3A_85, %dma_wait3A_86] : memref<10000x128xf32, #tpu.memory_space<hbm>> -> memref<10000x128xf32, #tpu.memory_space<hbm>>
    tpu.wait_indirect_dma semaphore(%arg10 : memref<!tpu.dma_semaphore, #tpu.memory_space<semaphore_mem>>) src(%dma_wait3A_87 : memref<10000x128xf32, #tpu.memory_space<hbm>>) dst(%dma_wait3A_81 : memref<80x128xf32, #tpu.memory_space<vmem>>)
    %dma_start3A_88 = arith.constant 0 : i32
    %dma_start3A_89 = arith.constant 22 : i32
    %dma_start3A_90 = arith.constant 0 : i32
    %dma_start3A_91 = arith.constant 0 : i32
    %dma_start3A_92 = tpu.memref_slice %arg8[%dma_start3A_88, %dma_start3A_90, %dma_start3A_91] : memref<2x80x128xf32, #tpu.memory_space<vmem>> -> memref<1x80x128xf32, #tpu.memory_space<vmem>>
    %dma_start3A_93 = tpu.memref_squeeze %dma_start3A_92 : memref<1x80x128xf32, #tpu.memory_space<vmem>> -> memref<80x128xf32, #tpu.memory_space<vmem>>
    %dma_start3A_94 = arith.constant 0 : i32
    %dma_start3A_95 = tpu.memref_slice %arg7[%dma_start3A_89, %dma_start3A_94] : memref<25x80xi32, #tpu.memory_space<vmem>> -> memref<1x80xi32, #tpu.memory_space<vmem>>
    %dma_start3A_96 = tpu.memref_squeeze %dma_start3A_95 : memref<1x80xi32, #tpu.memory_space<vmem>> -> memref<80xi32, #tpu.memory_space<vmem>>
    %dma_start3A_97 = arith.constant 0 : i32
    %dma_start3A_98 = arith.constant 0 : i32
    %dma_start3A_99 = tpu.memref_slice %arg9[%dma_start3A_97, %dma_start3A_98] : memref<10240x128xf32, #tpu.memory_space<vmem_shared>> -> memref<10240x128xf32, #tpu.memory_space<vmem_shared>>
    tpu.enqueue_indirect_dma source(%dma_start3A_93 : memref<80x128xf32, #tpu.memory_space<vmem>>) target(%dma_start3A_99 : memref<10240x128xf32, #tpu.memory_space<vmem_shared>>) offsets(%dma_start3A_96 : memref<80xi32, #tpu.memory_space<vmem>>) semaphore(%arg12 : memref<!tpu.dma_semaphore, #tpu.memory_space<semaphore_mem>>) {add = true}
    %dma_wait3A_100 = arith.constant 0 : i32
    %dma_wait3A_101 = arith.constant 22 : i32
    %dma_wait3A_102 = arith.constant 0 : i32
    %dma_wait3A_103 = arith.constant 0 : i32
    %dma_wait3A_104 = tpu.memref_slice %arg8[%dma_wait3A_100, %dma_wait3A_102, %dma_wait3A_103] : memref<2x80x128xf32, #tpu.memory_space<vmem>> -> memref<1x80x128xf32, #tpu.memory_space<vmem>>
    %dma_wait3A_105 = tpu.memref_squeeze %dma_wait3A_104 : memref<1x80x128xf32, #tpu.memory_space<vmem>> -> memref<80x128xf32, #tpu.memory_space<vmem>>
    %dma_wait3A_106 = arith.constant 0 : i32
    %dma_wait3A_107 = tpu.memref_slice %arg7[%dma_wait3A_101, %dma_wait3A_106] : memref<25x80xi32, #tpu.memory_space<vmem>> -> memref<1x80xi32, #tpu.memory_space<vmem>>
    %dma_wait3A_108 = tpu.memref_squeeze %dma_wait3A_107 : memref<1x80xi32, #tpu.memory_space<vmem>> -> memref<80xi32, #tpu.memory_space<vmem>>
    %dma_wait3A_109 = arith.constant 0 : i32
    %dma_wait3A_110 = arith.constant 0 : i32
    %dma_wait3A_111 = tpu.memref_slice %arg9[%dma_wait3A_109, %dma_wait3A_110] : memref<10240x128xf32, #tpu.memory_space<vmem_shared>> -> memref<10240x128xf32, #tpu.memory_space<vmem_shared>>
    tpu.wait_indirect_dma semaphore(%arg12 : memref<!tpu.dma_semaphore, #tpu.memory_space<semaphore_mem>>) src(%dma_wait3A_105 : memref<80x128xf32, #tpu.memory_space<vmem>>) dst(%dma_wait3A_111 : memref<10240x128xf32, #tpu.memory_space<vmem_shared>>)
    %dma_start3A_112 = arith.constant 24 : i32
    %dma_start3A_113 = arith.constant 0 : i32
    %dma_start3A_114 = arith.constant 0 : i32
    %dma_start3A_115 = arith.constant 0 : i32
    %dma_start3A_116 = tpu.memref_slice %arg8[%dma_start3A_113, %dma_start3A_114, %dma_start3A_115] : memref<2x80x128xf32, #tpu.memory_space<vmem>> -> memref<1x80x128xf32, #tpu.memory_space<vmem>>
    %dma_start3A_117 = tpu.memref_squeeze %dma_start3A_116 : memref<1x80x128xf32, #tpu.memory_space<vmem>> -> memref<80x128xf32, #tpu.memory_space<vmem>>
    %dma_start3A_118 = arith.constant 0 : i32
    %dma_start3A_119 = tpu.memref_slice %arg6[%dma_start3A_112, %dma_start3A_118] : memref<25x80xi32, #tpu.memory_space<vmem>> -> memref<1x80xi32, #tpu.memory_space<vmem>>
    %dma_start3A_120 = tpu.memref_squeeze %dma_start3A_119 : memref<1x80xi32, #tpu.memory_space<vmem>> -> memref<80xi32, #tpu.memory_space<vmem>>
    %dma_start3A_121 = arith.constant 0 : i32
    %dma_start3A_122 = arith.constant 0 : i32
    %dma_start3A_123 = tpu.memref_slice %arg2[%dma_start3A_121, %dma_start3A_122] : memref<10000x128xf32, #tpu.memory_space<hbm>> -> memref<10000x128xf32, #tpu.memory_space<hbm>>
    tpu.enqueue_indirect_dma source(%dma_start3A_123 : memref<10000x128xf32, #tpu.memory_space<hbm>>) target(%dma_start3A_117 : memref<80x128xf32, #tpu.memory_space<vmem>>) offsets(%dma_start3A_120 : memref<80xi32, #tpu.memory_space<vmem>>) semaphore(%arg10 : memref<!tpu.dma_semaphore, #tpu.memory_space<semaphore_mem>>)
    %dma_wait3A_124 = arith.constant 23 : i32
    %dma_wait3A_125 = arith.constant 1 : i32
    %dma_wait3A_126 = arith.constant 0 : i32
    %dma_wait3A_127 = arith.constant 0 : i32
    %dma_wait3A_128 = tpu.memref_slice %arg8[%dma_wait3A_125, %dma_wait3A_126, %dma_wait3A_127] : memref<2x80x128xf32, #tpu.memory_space<vmem>> -> memref<1x80x128xf32, #tpu.memory_space<vmem>>
    %dma_wait3A_129 = tpu.memref_squeeze %dma_wait3A_128 : memref<1x80x128xf32, #tpu.memory_space<vmem>> -> memref<80x128xf32, #tpu.memory_space<vmem>>
    %dma_wait3A_130 = arith.constant 0 : i32
    %dma_wait3A_131 = tpu.memref_slice %arg6[%dma_wait3A_124, %dma_wait3A_130] : memref<25x80xi32, #tpu.memory_space<vmem>> -> memref<1x80xi32, #tpu.memory_space<vmem>>
    %dma_wait3A_132 = tpu.memref_squeeze %dma_wait3A_131 : memref<1x80xi32, #tpu.memory_space<vmem>> -> memref<80xi32, #tpu.memory_space<vmem>>
    %dma_wait3A_133 = arith.constant 0 : i32
    %dma_wait3A_134 = arith.constant 0 : i32
    %dma_wait3A_135 = tpu.memref_slice %arg2[%dma_wait3A_133, %dma_wait3A_134] : memref<10000x128xf32, #tpu.memory_space<hbm>> -> memref<10000x128xf32, #tpu.memory_space<hbm>>
    tpu.wait_indirect_dma semaphore(%arg11 : memref<!tpu.dma_semaphore, #tpu.memory_space<semaphore_mem>>) src(%dma_wait3A_135 : memref<10000x128xf32, #tpu.memory_space<hbm>>) dst(%dma_wait3A_129 : memref<80x128xf32, #tpu.memory_space<vmem>>)
    %dma_start3A_136 = arith.constant 1 : i32
    %dma_start3A_137 = arith.constant 23 : i32
    %dma_start3A_138 = arith.constant 0 : i32
    %dma_start3A_139 = arith.constant 0 : i32
    %dma_start3A_140 = tpu.memref_slice %arg8[%dma_start3A_136, %dma_start3A_138, %dma_start3A_139] : memref<2x80x128xf32, #tpu.memory_space<vmem>> -> memref<1x80x128xf32, #tpu.memory_space<vmem>>
    %dma_start3A_141 = tpu.memref_squeeze %dma_start3A_140 : memref<1x80x128xf32, #tpu.memory_space<vmem>> -> memref<80x128xf32, #tpu.memory_space<vmem>>
    %dma_start3A_142 = arith.constant 0 : i32
    %dma_start3A_143 = tpu.memref_slice %arg7[%dma_start3A_137, %dma_start3A_142] : memref<25x80xi32, #tpu.memory_space<vmem>> -> memref<1x80xi32, #tpu.memory_space<vmem>>
    %dma_start3A_144 = tpu.memref_squeeze %dma_start3A_143 : memref<1x80xi32, #tpu.memory_space<vmem>> -> memref<80xi32, #tpu.memory_space<vmem>>
    %dma_start3A_145 = arith.constant 0 : i32
    %dma_start3A_146 = arith.constant 0 : i32
    %dma_start3A_147 = tpu.memref_slice %arg9[%dma_start3A_145, %dma_start3A_146] : memref<10240x128xf32, #tpu.memory_space<vmem_shared>> -> memref<10240x128xf32, #tpu.memory_space<vmem_shared>>
    tpu.enqueue_indirect_dma source(%dma_start3A_141 : memref<80x128xf32, #tpu.memory_space<vmem>>) target(%dma_start3A_147 : memref<10240x128xf32, #tpu.memory_space<vmem_shared>>) offsets(%dma_start3A_144 : memref<80xi32, #tpu.memory_space<vmem>>) semaphore(%arg12 : memref<!tpu.dma_semaphore, #tpu.memory_space<semaphore_mem>>) {add = true}
    %dma_wait3A_148 = arith.constant 1 : i32
    %dma_wait3A_149 = arith.constant 23 : i32
    %dma_wait3A_150 = arith.constant 0 : i32
    %dma_wait3A_151 = arith.constant 0 : i32
    %dma_wait3A_152 = tpu.memref_slice %arg8[%dma_wait3A_148, %dma_wait3A_150, %dma_wait3A_151] : memref<2x80x128xf32, #tpu.memory_space<vmem>> -> memref<1x80x128xf32, #tpu.memory_space<vmem>>
    %dma_wait3A_153 = tpu.memref_squeeze %dma_wait3A_152 : memref<1x80x128xf32, #tpu.memory_space<vmem>> -> memref<80x128xf32, #tpu.memory_space<vmem>>
    %dma_wait3A_154 = arith.constant 0 : i32
    %dma_wait3A_155 = tpu.memref_slice %arg7[%dma_wait3A_149, %dma_wait3A_154] : memref<25x80xi32, #tpu.memory_space<vmem>> -> memref<1x80xi32, #tpu.memory_space<vmem>>
    %dma_wait3A_156 = tpu.memref_squeeze %dma_wait3A_155 : memref<1x80xi32, #tpu.memory_space<vmem>> -> memref<80xi32, #tpu.memory_space<vmem>>
    %dma_wait3A_157 = arith.constant 0 : i32
    %dma_wait3A_158 = arith.constant 0 : i32
    %dma_wait3A_159 = tpu.memref_slice %arg9[%dma_wait3A_157, %dma_wait3A_158] : memref<10240x128xf32, #tpu.memory_space<vmem_shared>> -> memref<10240x128xf32, #tpu.memory_space<vmem_shared>>
    tpu.wait_indirect_dma semaphore(%arg12 : memref<!tpu.dma_semaphore, #tpu.memory_space<semaphore_mem>>) src(%dma_wait3A_153 : memref<80x128xf32, #tpu.memory_space<vmem>>) dst(%dma_wait3A_159 : memref<10240x128xf32, #tpu.memory_space<vmem_shared>>)
    %dma_wait3A_160 = arith.constant 24 : i32
    %dma_wait3A_161 = arith.constant 0 : i32
    %dma_wait3A_162 = arith.constant 0 : i32
    %dma_wait3A_163 = arith.constant 0 : i32
    %dma_wait3A_164 = tpu.memref_slice %arg8[%dma_wait3A_161, %dma_wait3A_162, %dma_wait3A_163] : memref<2x80x128xf32, #tpu.memory_space<vmem>> -> memref<1x80x128xf32, #tpu.memory_space<vmem>>
    %dma_wait3A_165 = tpu.memref_squeeze %dma_wait3A_164 : memref<1x80x128xf32, #tpu.memory_space<vmem>> -> memref<80x128xf32, #tpu.memory_space<vmem>>
    %dma_wait3A_166 = arith.constant 0 : i32
    %dma_wait3A_167 = tpu.memref_slice %arg6[%dma_wait3A_160, %dma_wait3A_166] : memref<25x80xi32, #tpu.memory_space<vmem>> -> memref<1x80xi32, #tpu.memory_space<vmem>>
    %dma_wait3A_168 = tpu.memref_squeeze %dma_wait3A_167 : memref<1x80xi32, #tpu.memory_space<vmem>> -> memref<80xi32, #tpu.memory_space<vmem>>
    %dma_wait3A_169 = arith.constant 0 : i32
    %dma_wait3A_170 = arith.constant 0 : i32
    %dma_wait3A_171 = tpu.memref_slice %arg2[%dma_wait3A_169, %dma_wait3A_170] : memref<10000x128xf32, #tpu.memory_space<hbm>> -> memref<10000x128xf32, #tpu.memory_space<hbm>>
    tpu.wait_indirect_dma semaphore(%arg10 : memref<!tpu.dma_semaphore, #tpu.memory_space<semaphore_mem>>) src(%dma_wait3A_171 : memref<10000x128xf32, #tpu.memory_space<hbm>>) dst(%dma_wait3A_165 : memref<80x128xf32, #tpu.memory_space<vmem>>)
    %dma_start3A_172 = arith.constant 0 : i32
    %dma_start3A_173 = arith.constant 24 : i32
    %dma_start3A_174 = arith.constant 0 : i32
    %dma_start3A_175 = arith.constant 0 : i32
    %dma_start3A_176 = tpu.memref_slice %arg8[%dma_start3A_172, %dma_start3A_174, %dma_start3A_175] : memref<2x80x128xf32, #tpu.memory_space<vmem>> -> memref<1x80x128xf32, #tpu.memory_space<vmem>>
    %dma_start3A_177 = tpu.memref_squeeze %dma_start3A_176 : memref<1x80x128xf32, #tpu.memory_space<vmem>> -> memref<80x128xf32, #tpu.memory_space<vmem>>
    %dma_start3A_178 = arith.constant 0 : i32
    %dma_start3A_179 = tpu.memref_slice %arg7[%dma_start3A_173, %dma_start3A_178] : memref<25x80xi32, #tpu.memory_space<vmem>> -> memref<1x80xi32, #tpu.memory_space<vmem>>
    %dma_start3A_180 = tpu.memref_squeeze %dma_start3A_179 : memref<1x80xi32, #tpu.memory_space<vmem>> -> memref<80xi32, #tpu.memory_space<vmem>>
    %dma_start3A_181 = arith.constant 0 : i32
    %dma_start3A_182 = arith.constant 0 : i32
    %dma_start3A_183 = tpu.memref_slice %arg9[%dma_start3A_181, %dma_start3A_182] : memref<10240x128xf32, #tpu.memory_space<vmem_shared>> -> memref<10240x128xf32, #tpu.memory_space<vmem_shared>>
    tpu.enqueue_indirect_dma source(%dma_start3A_177 : memref<80x128xf32, #tpu.memory_space<vmem>>) target(%dma_start3A_183 : memref<10240x128xf32, #tpu.memory_space<vmem_shared>>) offsets(%dma_start3A_180 : memref<80xi32, #tpu.memory_space<vmem>>) semaphore(%arg12 : memref<!tpu.dma_semaphore, #tpu.memory_space<semaphore_mem>>) {add = true}
    %dma_wait3A_184 = arith.constant 0 : i32
    %dma_wait3A_185 = arith.constant 24 : i32
    %dma_wait3A_186 = arith.constant 0 : i32
    %dma_wait3A_187 = arith.constant 0 : i32
    %dma_wait3A_188 = tpu.memref_slice %arg8[%dma_wait3A_184, %dma_wait3A_186, %dma_wait3A_187] : memref<2x80x128xf32, #tpu.memory_space<vmem>> -> memref<1x80x128xf32, #tpu.memory_space<vmem>>
    %dma_wait3A_189 = tpu.memref_squeeze %dma_wait3A_188 : memref<1x80x128xf32, #tpu.memory_space<vmem>> -> memref<80x128xf32, #tpu.memory_space<vmem>>
    %dma_wait3A_190 = arith.constant 0 : i32
    %dma_wait3A_191 = tpu.memref_slice %arg7[%dma_wait3A_185, %dma_wait3A_190] : memref<25x80xi32, #tpu.memory_space<vmem>> -> memref<1x80xi32, #tpu.memory_space<vmem>>
    %dma_wait3A_192 = tpu.memref_squeeze %dma_wait3A_191 : memref<1x80xi32, #tpu.memory_space<vmem>> -> memref<80xi32, #tpu.memory_space<vmem>>
    %dma_wait3A_193 = arith.constant 0 : i32
    %dma_wait3A_194 = arith.constant 0 : i32
    %dma_wait3A_195 = tpu.memref_slice %arg9[%dma_wait3A_193, %dma_wait3A_194] : memref<10240x128xf32, #tpu.memory_space<vmem_shared>> -> memref<10240x128xf32, #tpu.memory_space<vmem_shared>>
    tpu.wait_indirect_dma semaphore(%arg12 : memref<!tpu.dma_semaphore, #tpu.memory_space<semaphore_mem>>) src(%dma_wait3A_189 : memref<80x128xf32, #tpu.memory_space<vmem>>) dst(%dma_wait3A_195 : memref<10240x128xf32, #tpu.memory_space<vmem_shared>>)
    %run_scoped3A_196 = arith.constant 1 : i32
    "tpu.region"() ({
      %run_scoped3A_809 = tpu.sem_alloc : memref<!tpu.dma_semaphore, #tpu.memory_space<semaphore_mem>>
      %dma_start3A_810 = arith.constant 0 : i32
      %dma_start3A_811 = arith.constant 0 : i32
      %dma_start3A_812 = tpu.memref_slice %arg3[%add3A, %run_scoped3A_196, %dma_start3A_810, %dma_start3A_811] : memref<32x5x25x80xi32, #tpu.memory_space<hbm>> -> memref<1x1x25x80xi32, #tpu.memory_space<hbm>>
      %dma_start3A_813 = tpu.memref_squeeze %dma_start3A_812 : memref<1x1x25x80xi32, #tpu.memory_space<hbm>> -> memref<25x80xi32, #tpu.memory_space<hbm>>
      %dma_start3A_814 = arith.constant 0 : i32
      %dma_start3A_815 = arith.constant 0 : i32
      %dma_start3A_816 = tpu.memref_slice %arg3[%add3A, %run_scoped3A_196, %dma_start3A_814, %dma_start3A_815] : memref<32x5x25x80xi32, #tpu.memory_space<hbm>> -> memref<1x1x25x80xi32, #tpu.memory_space<hbm>>
      %dma_start3A_817 = tpu.memref_squeeze %dma_start3A_816 : memref<1x1x25x80xi32, #tpu.memory_space<hbm>> -> memref<25x80xi32, #tpu.memory_space<hbm>>
      tpu.enqueue_dma source(%dma_start3A_817 : memref<25x80xi32, #tpu.memory_space<hbm>>) target(%arg6 : memref<25x80xi32, #tpu.memory_space<vmem>>) target_semaphore(%run_scoped3A_809 : memref<!tpu.dma_semaphore, #tpu.memory_space<semaphore_mem>>)
      %dma_wait3A_818 = arith.constant 0 : i32
      %dma_wait3A_819 = arith.constant 0 : i32
      %dma_wait3A_820 = tpu.memref_slice %arg3[%add3A, %run_scoped3A_196, %dma_wait3A_818, %dma_wait3A_819] : memref<32x5x25x80xi32, #tpu.memory_space<hbm>> -> memref<1x1x25x80xi32, #tpu.memory_space<hbm>>
      %dma_wait3A_821 = tpu.memref_squeeze %dma_wait3A_820 : memref<1x1x25x80xi32, #tpu.memory_space<hbm>> -> memref<25x80xi32, #tpu.memory_space<hbm>>
      %dma_wait3A_822 = arith.constant 0 : i32
      %dma_wait3A_823 = arith.constant 0 : i32
      %dma_wait3A_824 = tpu.memref_slice %arg3[%add3A, %run_scoped3A_196, %dma_wait3A_822, %dma_wait3A_823] : memref<32x5x25x80xi32, #tpu.memory_space<hbm>> -> memref<1x1x25x80xi32, #tpu.memory_space<hbm>>
      %dma_wait3A_825 = tpu.memref_squeeze %dma_wait3A_824 : memref<1x1x25x80xi32, #tpu.memory_space<hbm>> -> memref<25x80xi32, #tpu.memory_space<hbm>>
      tpu.wait_dma2 semaphore(%run_scoped3A_809 : memref<!tpu.dma_semaphore, #tpu.memory_space<semaphore_mem>>) src(%dma_wait3A_825 : memref<25x80xi32, #tpu.memory_space<hbm>>) dst(%arg6 : memref<25x80xi32, #tpu.memory_space<vmem>>)
      tpu.yield
    }) : () -> ()
    %run_scoped3A_197 = arith.constant 1 : i32
    "tpu.region"() ({
      %run_scoped3A_809 = tpu.sem_alloc : memref<!tpu.dma_semaphore, #tpu.memory_space<semaphore_mem>>
      %dma_start3A_810 = arith.constant 0 : i32
      %dma_start3A_811 = arith.constant 0 : i32
      %dma_start3A_812 = tpu.memref_slice %arg4[%add3A, %run_scoped3A_197, %dma_start3A_810, %dma_start3A_811] : memref<32x5x25x80xi32, #tpu.memory_space<hbm>> -> memref<1x1x25x80xi32, #tpu.memory_space<hbm>>
      %dma_start3A_813 = tpu.memref_squeeze %dma_start3A_812 : memref<1x1x25x80xi32, #tpu.memory_space<hbm>> -> memref<25x80xi32, #tpu.memory_space<hbm>>
      %dma_start3A_814 = arith.constant 0 : i32
      %dma_start3A_815 = arith.constant 0 : i32
      %dma_start3A_816 = tpu.memref_slice %arg4[%add3A, %run_scoped3A_197, %dma_start3A_814, %dma_start3A_815] : memref<32x5x25x80xi32, #tpu.memory_space<hbm>> -> memref<1x1x25x80xi32, #tpu.memory_space<hbm>>
      %dma_start3A_817 = tpu.memref_squeeze %dma_start3A_816 : memref<1x1x25x80xi32, #tpu.memory_space<hbm>> -> memref<25x80xi32, #tpu.memory_space<hbm>>
      tpu.enqueue_dma source(%dma_start3A_817 : memref<25x80xi32, #tpu.memory_space<hbm>>) target(%arg7 : memref<25x80xi32, #tpu.memory_space<vmem>>) target_semaphore(%run_scoped3A_809 : memref<!tpu.dma_semaphore, #tpu.memory_space<semaphore_mem>>)
      %dma_wait3A_818 = arith.constant 0 : i32
      %dma_wait3A_819 = arith.constant 0 : i32
      %dma_wait3A_820 = tpu.memref_slice %arg4[%add3A, %run_scoped3A_197, %dma_wait3A_818, %dma_wait3A_819] : memref<32x5x25x80xi32, #tpu.memory_space<hbm>> -> memref<1x1x25x80xi32, #tpu.memory_space<hbm>>
      %dma_wait3A_821 = tpu.memref_squeeze %dma_wait3A_820 : memref<1x1x25x80xi32, #tpu.memory_space<hbm>> -> memref<25x80xi32, #tpu.memory_space<hbm>>
      %dma_wait3A_822 = arith.constant 0 : i32
      %dma_wait3A_823 = arith.constant 0 : i32
      %dma_wait3A_824 = tpu.memref_slice %arg4[%add3A, %run_scoped3A_197, %dma_wait3A_822, %dma_wait3A_823] : memref<32x5x25x80xi32, #tpu.memory_space<hbm>> -> memref<1x1x25x80xi32, #tpu.memory_space<hbm>>
      %dma_wait3A_825 = tpu.memref_squeeze %dma_wait3A_824 : memref<1x1x25x80xi32, #tpu.memory_space<hbm>> -> memref<25x80xi32, #tpu.memory_space<hbm>>
      tpu.wait_dma2 semaphore(%run_scoped3A_809 : memref<!tpu.dma_semaphore, #tpu.memory_space<semaphore_mem>>) src(%dma_wait3A_825 : memref<25x80xi32, #tpu.memory_space<hbm>>) dst(%arg7 : memref<25x80xi32, #tpu.memory_space<vmem>>)
      tpu.yield
    }) : () -> ()
    %dma_start3A_198 = arith.constant 0 : i32
    %dma_start3A_199 = arith.constant 0 : i32
    %dma_start3A_200 = arith.constant 0 : i32
    %dma_start3A_201 = arith.constant 0 : i32
    %dma_start3A_202 = tpu.memref_slice %arg8[%dma_start3A_199, %dma_start3A_200, %dma_start3A_201] : memref<2x80x128xf32, #tpu.memory_space<vmem>> -> memref<1x80x128xf32, #tpu.memory_space<vmem>>
    %dma_start3A_203 = tpu.memref_squeeze %dma_start3A_202 : memref<1x80x128xf32, #tpu.memory_space<vmem>> -> memref<80x128xf32, #tpu.memory_space<vmem>>
    %dma_start3A_204 = arith.constant 0 : i32
    %dma_start3A_205 = tpu.memref_slice %arg6[%dma_start3A_198, %dma_start3A_204] : memref<25x80xi32, #tpu.memory_space<vmem>> -> memref<1x80xi32, #tpu.memory_space<vmem>>
    %dma_start3A_206 = tpu.memref_squeeze %dma_start3A_205 : memref<1x80xi32, #tpu.memory_space<vmem>> -> memref<80xi32, #tpu.memory_space<vmem>>
    %dma_start3A_207 = arith.constant 0 : i32
    %dma_start3A_208 = arith.constant 0 : i32
    %dma_start3A_209 = tpu.memref_slice %arg2[%dma_start3A_207, %dma_start3A_208] : memref<10000x128xf32, #tpu.memory_space<hbm>> -> memref<10000x128xf32, #tpu.memory_space<hbm>>
    tpu.enqueue_indirect_dma source(%dma_start3A_209 : memref<10000x128xf32, #tpu.memory_space<hbm>>) target(%dma_start3A_203 : memref<80x128xf32, #tpu.memory_space<vmem>>) offsets(%dma_start3A_206 : memref<80xi32, #tpu.memory_space<vmem>>) semaphore(%arg10 : memref<!tpu.dma_semaphore, #tpu.memory_space<semaphore_mem>>)
    %dma_start3A_210 = arith.constant 1 : i32
    %dma_start3A_211 = arith.constant 1 : i32
    %dma_start3A_212 = arith.constant 0 : i32
    %dma_start3A_213 = arith.constant 0 : i32
    %dma_start3A_214 = tpu.memref_slice %arg8[%dma_start3A_211, %dma_start3A_212, %dma_start3A_213] : memref<2x80x128xf32, #tpu.memory_space<vmem>> -> memref<1x80x128xf32, #tpu.memory_space<vmem>>
    %dma_start3A_215 = tpu.memref_squeeze %dma_start3A_214 : memref<1x80x128xf32, #tpu.memory_space<vmem>> -> memref<80x128xf32, #tpu.memory_space<vmem>>
    %dma_start3A_216 = arith.constant 0 : i32
    %dma_start3A_217 = tpu.memref_slice %arg6[%dma_start3A_210, %dma_start3A_216] : memref<25x80xi32, #tpu.memory_space<vmem>> -> memref<1x80xi32, #tpu.memory_space<vmem>>
    %dma_start3A_218 = tpu.memref_squeeze %dma_start3A_217 : memref<1x80xi32, #tpu.memory_space<vmem>> -> memref<80xi32, #tpu.memory_space<vmem>>
    %dma_start3A_219 = arith.constant 0 : i32
    %dma_start3A_220 = arith.constant 0 : i32
    %dma_start3A_221 = tpu.memref_slice %arg2[%dma_start3A_219, %dma_start3A_220] : memref<10000x128xf32, #tpu.memory_space<hbm>> -> memref<10000x128xf32, #tpu.memory_space<hbm>>
    tpu.enqueue_indirect_dma source(%dma_start3A_221 : memref<10000x128xf32, #tpu.memory_space<hbm>>) target(%dma_start3A_215 : memref<80x128xf32, #tpu.memory_space<vmem>>) offsets(%dma_start3A_218 : memref<80xi32, #tpu.memory_space<vmem>>) semaphore(%arg11 : memref<!tpu.dma_semaphore, #tpu.memory_space<semaphore_mem>>)
    %scan3A_222 = arith.constant 0 : i32
    %scan3A_223 = arith.constant 0 : i32
    %scan3A_224 = arith.constant 11 : i32
    %scan3A_225 = arith.addi %scan3A_223, %scan3A_224 : i32
    %scan3A_226 = arith.constant 1 : i32
    scf.for %scan3A_809 = %scan3A_223 to %scan3A_225 step %scan3A_226  : i32 {
      %mul3A_810 = arith.constant 2 : i32
      %mul3A_811 = arith.muli %scan3A_809, %mul3A_810 : i32
      %add3A_812 = arith.constant 0 : i32
      %add3A_813 = arith.addi %mul3A_811, %add3A_812 : i32
      %dma_wait3A_814 = arith.constant 0 : i32
      %dma_wait3A_815 = arith.constant 0 : i32
      %dma_wait3A_816 = arith.constant 0 : i32
      %dma_wait3A_817 = tpu.memref_slice %arg8[%dma_wait3A_814, %dma_wait3A_815, %dma_wait3A_816] : memref<2x80x128xf32, #tpu.memory_space<vmem>> -> memref<1x80x128xf32, #tpu.memory_space<vmem>>
      %dma_wait3A_818 = tpu.memref_squeeze %dma_wait3A_817 : memref<1x80x128xf32, #tpu.memory_space<vmem>> -> memref<80x128xf32, #tpu.memory_space<vmem>>
      %dma_wait3A_819 = arith.constant 0 : i32
      %dma_wait3A_820 = tpu.memref_slice %arg6[%add3A_813, %dma_wait3A_819] : memref<25x80xi32, #tpu.memory_space<vmem>> -> memref<1x80xi32, #tpu.memory_space<vmem>>
      %dma_wait3A_821 = tpu.memref_squeeze %dma_wait3A_820 : memref<1x80xi32, #tpu.memory_space<vmem>> -> memref<80xi32, #tpu.memory_space<vmem>>
      %dma_wait3A_822 = arith.constant 0 : i32
      %dma_wait3A_823 = arith.constant 0 : i32
      %dma_wait3A_824 = tpu.memref_slice %arg2[%dma_wait3A_822, %dma_wait3A_823] : memref<10000x128xf32, #tpu.memory_space<hbm>> -> memref<10000x128xf32, #tpu.memory_space<hbm>>
      tpu.wait_indirect_dma semaphore(%arg10 : memref<!tpu.dma_semaphore, #tpu.memory_space<semaphore_mem>>) src(%dma_wait3A_824 : memref<10000x128xf32, #tpu.memory_space<hbm>>) dst(%dma_wait3A_818 : memref<80x128xf32, #tpu.memory_space<vmem>>)
      %add3A_825 = arith.constant 0 : i32
      %add3A_826 = arith.addi %mul3A_811, %add3A_825 : i32
      %dma_start3A_827 = arith.constant 0 : i32
      %dma_start3A_828 = arith.constant 0 : i32
      %dma_start3A_829 = arith.constant 0 : i32
      %dma_start3A_830 = tpu.memref_slice %arg8[%dma_start3A_827, %dma_start3A_828, %dma_start3A_829] : memref<2x80x128xf32, #tpu.memory_space<vmem>> -> memref<1x80x128xf32, #tpu.memory_space<vmem>>
      %dma_start3A_831 = tpu.memref_squeeze %dma_start3A_830 : memref<1x80x128xf32, #tpu.memory_space<vmem>> -> memref<80x128xf32, #tpu.memory_space<vmem>>
      %dma_start3A_832 = arith.constant 0 : i32
      %dma_start3A_833 = tpu.memref_slice %arg7[%add3A_826, %dma_start3A_832] : memref<25x80xi32, #tpu.memory_space<vmem>> -> memref<1x80xi32, #tpu.memory_space<vmem>>
      %dma_start3A_834 = tpu.memref_squeeze %dma_start3A_833 : memref<1x80xi32, #tpu.memory_space<vmem>> -> memref<80xi32, #tpu.memory_space<vmem>>
      %dma_start3A_835 = arith.constant 0 : i32
      %dma_start3A_836 = arith.constant 0 : i32
      %dma_start3A_837 = tpu.memref_slice %arg9[%dma_start3A_835, %dma_start3A_836] : memref<10240x128xf32, #tpu.memory_space<vmem_shared>> -> memref<10240x128xf32, #tpu.memory_space<vmem_shared>>
      tpu.enqueue_indirect_dma source(%dma_start3A_831 : memref<80x128xf32, #tpu.memory_space<vmem>>) target(%dma_start3A_837 : memref<10240x128xf32, #tpu.memory_space<vmem_shared>>) offsets(%dma_start3A_834 : memref<80xi32, #tpu.memory_space<vmem>>) semaphore(%arg12 : memref<!tpu.dma_semaphore, #tpu.memory_space<semaphore_mem>>) {add = true}
      %dma_wait3A_838 = arith.constant 0 : i32
      %dma_wait3A_839 = arith.constant 0 : i32
      %dma_wait3A_840 = arith.constant 0 : i32
      %dma_wait3A_841 = tpu.memref_slice %arg8[%dma_wait3A_838, %dma_wait3A_839, %dma_wait3A_840] : memref<2x80x128xf32, #tpu.memory_space<vmem>> -> memref<1x80x128xf32, #tpu.memory_space<vmem>>
      %dma_wait3A_842 = tpu.memref_squeeze %dma_wait3A_841 : memref<1x80x128xf32, #tpu.memory_space<vmem>> -> memref<80x128xf32, #tpu.memory_space<vmem>>
      %dma_wait3A_843 = arith.constant 0 : i32
      %dma_wait3A_844 = tpu.memref_slice %arg7[%add3A_826, %dma_wait3A_843] : memref<25x80xi32, #tpu.memory_space<vmem>> -> memref<1x80xi32, #tpu.memory_space<vmem>>
      %dma_wait3A_845 = tpu.memref_squeeze %dma_wait3A_844 : memref<1x80xi32, #tpu.memory_space<vmem>> -> memref<80xi32, #tpu.memory_space<vmem>>
      %dma_wait3A_846 = arith.constant 0 : i32
      %dma_wait3A_847 = arith.constant 0 : i32
      %dma_wait3A_848 = tpu.memref_slice %arg9[%dma_wait3A_846, %dma_wait3A_847] : memref<10240x128xf32, #tpu.memory_space<vmem_shared>> -> memref<10240x128xf32, #tpu.memory_space<vmem_shared>>
      tpu.wait_indirect_dma semaphore(%arg12 : memref<!tpu.dma_semaphore, #tpu.memory_space<semaphore_mem>>) src(%dma_wait3A_842 : memref<80x128xf32, #tpu.memory_space<vmem>>) dst(%dma_wait3A_848 : memref<10240x128xf32, #tpu.memory_space<vmem_shared>>)
      %add3A_849 = arith.constant 0 : i32
      %add3A_850 = arith.addi %mul3A_811, %add3A_849 : i32
      %add3A_851 = arith.constant 2 : i32
      %add3A_852 = arith.addi %add3A_850, %add3A_851 : i32
      %dma_start3A_853 = arith.constant 0 : i32
      %dma_start3A_854 = arith.constant 0 : i32
      %dma_start3A_855 = arith.constant 0 : i32
      %dma_start3A_856 = tpu.memref_slice %arg8[%dma_start3A_853, %dma_start3A_854, %dma_start3A_855] : memref<2x80x128xf32, #tpu.memory_space<vmem>> -> memref<1x80x128xf32, #tpu.memory_space<vmem>>
      %dma_start3A_857 = tpu.memref_squeeze %dma_start3A_856 : memref<1x80x128xf32, #tpu.memory_space<vmem>> -> memref<80x128xf32, #tpu.memory_space<vmem>>
      %dma_start3A_858 = arith.constant 0 : i32
      %dma_start3A_859 = tpu.memref_slice %arg6[%add3A_852, %dma_start3A_858] : memref<25x80xi32, #tpu.memory_space<vmem>> -> memref<1x80xi32, #tpu.memory_space<vmem>>
      %dma_start3A_860 = tpu.memref_squeeze %dma_start3A_859 : memref<1x80xi32, #tpu.memory_space<vmem>> -> memref<80xi32, #tpu.memory_space<vmem>>
      %dma_start3A_861 = arith.constant 0 : i32
      %dma_start3A_862 = arith.constant 0 : i32
      %dma_start3A_863 = tpu.memref_slice %arg2[%dma_start3A_861, %dma_start3A_862] : memref<10000x128xf32, #tpu.memory_space<hbm>> -> memref<10000x128xf32, #tpu.memory_space<hbm>>
      tpu.enqueue_indirect_dma source(%dma_start3A_863 : memref<10000x128xf32, #tpu.memory_space<hbm>>) target(%dma_start3A_857 : memref<80x128xf32, #tpu.memory_space<vmem>>) offsets(%dma_start3A_860 : memref<80xi32, #tpu.memory_space<vmem>>) semaphore(%arg10 : memref<!tpu.dma_semaphore, #tpu.memory_space<semaphore_mem>>)
      %add3A_864 = arith.constant 1 : i32
      %add3A_865 = arith.addi %mul3A_811, %add3A_864 : i32
      %dma_wait3A_866 = arith.constant 1 : i32
      %dma_wait3A_867 = arith.constant 0 : i32
      %dma_wait3A_868 = arith.constant 0 : i32
      %dma_wait3A_869 = tpu.memref_slice %arg8[%dma_wait3A_866, %dma_wait3A_867, %dma_wait3A_868] : memref<2x80x128xf32, #tpu.memory_space<vmem>> -> memref<1x80x128xf32, #tpu.memory_space<vmem>>
      %dma_wait3A_870 = tpu.memref_squeeze %dma_wait3A_869 : memref<1x80x128xf32, #tpu.memory_space<vmem>> -> memref<80x128xf32, #tpu.memory_space<vmem>>
      %dma_wait3A_871 = arith.constant 0 : i32
      %dma_wait3A_872 = tpu.memref_slice %arg6[%add3A_865, %dma_wait3A_871] : memref<25x80xi32, #tpu.memory_space<vmem>> -> memref<1x80xi32, #tpu.memory_space<vmem>>
      %dma_wait3A_873 = tpu.memref_squeeze %dma_wait3A_872 : memref<1x80xi32, #tpu.memory_space<vmem>> -> memref<80xi32, #tpu.memory_space<vmem>>
      %dma_wait3A_874 = arith.constant 0 : i32
      %dma_wait3A_875 = arith.constant 0 : i32
      %dma_wait3A_876 = tpu.memref_slice %arg2[%dma_wait3A_874, %dma_wait3A_875] : memref<10000x128xf32, #tpu.memory_space<hbm>> -> memref<10000x128xf32, #tpu.memory_space<hbm>>
      tpu.wait_indirect_dma semaphore(%arg11 : memref<!tpu.dma_semaphore, #tpu.memory_space<semaphore_mem>>) src(%dma_wait3A_876 : memref<10000x128xf32, #tpu.memory_space<hbm>>) dst(%dma_wait3A_870 : memref<80x128xf32, #tpu.memory_space<vmem>>)
      %add3A_877 = arith.constant 1 : i32
      %add3A_878 = arith.addi %mul3A_811, %add3A_877 : i32
      %dma_start3A_879 = arith.constant 1 : i32
      %dma_start3A_880 = arith.constant 0 : i32
      %dma_start3A_881 = arith.constant 0 : i32
      %dma_start3A_882 = tpu.memref_slice %arg8[%dma_start3A_879, %dma_start3A_880, %dma_start3A_881] : memref<2x80x128xf32, #tpu.memory_space<vmem>> -> memref<1x80x128xf32, #tpu.memory_space<vmem>>
      %dma_start3A_883 = tpu.memref_squeeze %dma_start3A_882 : memref<1x80x128xf32, #tpu.memory_space<vmem>> -> memref<80x128xf32, #tpu.memory_space<vmem>>
      %dma_start3A_884 = arith.constant 0 : i32
      %dma_start3A_885 = tpu.memref_slice %arg7[%add3A_878, %dma_start3A_884] : memref<25x80xi32, #tpu.memory_space<vmem>> -> memref<1x80xi32, #tpu.memory_space<vmem>>
      %dma_start3A_886 = tpu.memref_squeeze %dma_start3A_885 : memref<1x80xi32, #tpu.memory_space<vmem>> -> memref<80xi32, #tpu.memory_space<vmem>>
      %dma_start3A_887 = arith.constant 0 : i32
      %dma_start3A_888 = arith.constant 0 : i32
      %dma_start3A_889 = tpu.memref_slice %arg9[%dma_start3A_887, %dma_start3A_888] : memref<10240x128xf32, #tpu.memory_space<vmem_shared>> -> memref<10240x128xf32, #tpu.memory_space<vmem_shared>>
      tpu.enqueue_indirect_dma source(%dma_start3A_883 : memref<80x128xf32, #tpu.memory_space<vmem>>) target(%dma_start3A_889 : memref<10240x128xf32, #tpu.memory_space<vmem_shared>>) offsets(%dma_start3A_886 : memref<80xi32, #tpu.memory_space<vmem>>) semaphore(%arg12 : memref<!tpu.dma_semaphore, #tpu.memory_space<semaphore_mem>>) {add = true}
      %dma_wait3A_890 = arith.constant 1 : i32
      %dma_wait3A_891 = arith.constant 0 : i32
      %dma_wait3A_892 = arith.constant 0 : i32
      %dma_wait3A_893 = tpu.memref_slice %arg8[%dma_wait3A_890, %dma_wait3A_891, %dma_wait3A_892] : memref<2x80x128xf32, #tpu.memory_space<vmem>> -> memref<1x80x128xf32, #tpu.memory_space<vmem>>
      %dma_wait3A_894 = tpu.memref_squeeze %dma_wait3A_893 : memref<1x80x128xf32, #tpu.memory_space<vmem>> -> memref<80x128xf32, #tpu.memory_space<vmem>>
      %dma_wait3A_895 = arith.constant 0 : i32
      %dma_wait3A_896 = tpu.memref_slice %arg7[%add3A_878, %dma_wait3A_895] : memref<25x80xi32, #tpu.memory_space<vmem>> -> memref<1x80xi32, #tpu.memory_space<vmem>>
      %dma_wait3A_897 = tpu.memref_squeeze %dma_wait3A_896 : memref<1x80xi32, #tpu.memory_space<vmem>> -> memref<80xi32, #tpu.memory_space<vmem>>
      %dma_wait3A_898 = arith.constant 0 : i32
      %dma_wait3A_899 = arith.constant 0 : i32
      %dma_wait3A_900 = tpu.memref_slice %arg9[%dma_wait3A_898, %dma_wait3A_899] : memref<10240x128xf32, #tpu.memory_space<vmem_shared>> -> memref<10240x128xf32, #tpu.memory_space<vmem_shared>>
      tpu.wait_indirect_dma semaphore(%arg12 : memref<!tpu.dma_semaphore, #tpu.memory_space<semaphore_mem>>) src(%dma_wait3A_894 : memref<80x128xf32, #tpu.memory_space<vmem>>) dst(%dma_wait3A_900 : memref<10240x128xf32, #tpu.memory_space<vmem_shared>>)
      %add3A_901 = arith.constant 1 : i32
      %add3A_902 = arith.addi %mul3A_811, %add3A_901 : i32
      %add3A_903 = arith.constant 2 : i32
      %add3A_904 = arith.addi %add3A_902, %add3A_903 : i32
      %dma_start3A_905 = arith.constant 1 : i32
      %dma_start3A_906 = arith.constant 0 : i32
      %dma_start3A_907 = arith.constant 0 : i32
      %dma_start3A_908 = tpu.memref_slice %arg8[%dma_start3A_905, %dma_start3A_906, %dma_start3A_907] : memref<2x80x128xf32, #tpu.memory_space<vmem>> -> memref<1x80x128xf32, #tpu.memory_space<vmem>>
      %dma_start3A_909 = tpu.memref_squeeze %dma_start3A_908 : memref<1x80x128xf32, #tpu.memory_space<vmem>> -> memref<80x128xf32, #tpu.memory_space<vmem>>
      %dma_start3A_910 = arith.constant 0 : i32
      %dma_start3A_911 = tpu.memref_slice %arg6[%add3A_904, %dma_start3A_910] : memref<25x80xi32, #tpu.memory_space<vmem>> -> memref<1x80xi32, #tpu.memory_space<vmem>>
      %dma_start3A_912 = tpu.memref_squeeze %dma_start3A_911 : memref<1x80xi32, #tpu.memory_space<vmem>> -> memref<80xi32, #tpu.memory_space<vmem>>
      %dma_start3A_913 = arith.constant 0 : i32
      %dma_start3A_914 = arith.constant 0 : i32
      %dma_start3A_915 = tpu.memref_slice %arg2[%dma_start3A_913, %dma_start3A_914] : memref<10000x128xf32, #tpu.memory_space<hbm>> -> memref<10000x128xf32, #tpu.memory_space<hbm>>
      tpu.enqueue_indirect_dma source(%dma_start3A_915 : memref<10000x128xf32, #tpu.memory_space<hbm>>) target(%dma_start3A_909 : memref<80x128xf32, #tpu.memory_space<vmem>>) offsets(%dma_start3A_912 : memref<80xi32, #tpu.memory_space<vmem>>) semaphore(%arg11 : memref<!tpu.dma_semaphore, #tpu.memory_space<semaphore_mem>>)
    }
    %scan3A_227 = arith.constant 11 : i32
    %dma_wait3A_228 = arith.constant 22 : i32
    %dma_wait3A_229 = arith.constant 0 : i32
    %dma_wait3A_230 = arith.constant 0 : i32
    %dma_wait3A_231 = arith.constant 0 : i32
    %dma_wait3A_232 = tpu.memref_slice %arg8[%dma_wait3A_229, %dma_wait3A_230, %dma_wait3A_231] : memref<2x80x128xf32, #tpu.memory_space<vmem>> -> memref<1x80x128xf32, #tpu.memory_space<vmem>>
    %dma_wait3A_233 = tpu.memref_squeeze %dma_wait3A_232 : memref<1x80x128xf32, #tpu.memory_space<vmem>> -> memref<80x128xf32, #tpu.memory_space<vmem>>
    %dma_wait3A_234 = arith.constant 0 : i32
    %dma_wait3A_235 = tpu.memref_slice %arg6[%dma_wait3A_228, %dma_wait3A_234] : memref<25x80xi32, #tpu.memory_space<vmem>> -> memref<1x80xi32, #tpu.memory_space<vmem>>
    %dma_wait3A_236 = tpu.memref_squeeze %dma_wait3A_235 : memref<1x80xi32, #tpu.memory_space<vmem>> -> memref<80xi32, #tpu.memory_space<vmem>>
    %dma_wait3A_237 = arith.constant 0 : i32
    %dma_wait3A_238 = arith.constant 0 : i32
    %dma_wait3A_239 = tpu.memref_slice %arg2[%dma_wait3A_237, %dma_wait3A_238] : memref<10000x128xf32, #tpu.memory_space<hbm>> -> memref<10000x128xf32, #tpu.memory_space<hbm>>
    tpu.wait_indirect_dma semaphore(%arg10 : memref<!tpu.dma_semaphore, #tpu.memory_space<semaphore_mem>>) src(%dma_wait3A_239 : memref<10000x128xf32, #tpu.memory_space<hbm>>) dst(%dma_wait3A_233 : memref<80x128xf32, #tpu.memory_space<vmem>>)
    %dma_start3A_240 = arith.constant 0 : i32
    %dma_start3A_241 = arith.constant 22 : i32
    %dma_start3A_242 = arith.constant 0 : i32
    %dma_start3A_243 = arith.constant 0 : i32
    %dma_start3A_244 = tpu.memref_slice %arg8[%dma_start3A_240, %dma_start3A_242, %dma_start3A_243] : memref<2x80x128xf32, #tpu.memory_space<vmem>> -> memref<1x80x128xf32, #tpu.memory_space<vmem>>
    %dma_start3A_245 = tpu.memref_squeeze %dma_start3A_244 : memref<1x80x128xf32, #tpu.memory_space<vmem>> -> memref<80x128xf32, #tpu.memory_space<vmem>>
    %dma_start3A_246 = arith.constant 0 : i32
    %dma_start3A_247 = tpu.memref_slice %arg7[%dma_start3A_241, %dma_start3A_246] : memref<25x80xi32, #tpu.memory_space<vmem>> -> memref<1x80xi32, #tpu.memory_space<vmem>>
    %dma_start3A_248 = tpu.memref_squeeze %dma_start3A_247 : memref<1x80xi32, #tpu.memory_space<vmem>> -> memref<80xi32, #tpu.memory_space<vmem>>
    %dma_start3A_249 = arith.constant 0 : i32
    %dma_start3A_250 = arith.constant 0 : i32
    %dma_start3A_251 = tpu.memref_slice %arg9[%dma_start3A_249, %dma_start3A_250] : memref<10240x128xf32, #tpu.memory_space<vmem_shared>> -> memref<10240x128xf32, #tpu.memory_space<vmem_shared>>
    tpu.enqueue_indirect_dma source(%dma_start3A_245 : memref<80x128xf32, #tpu.memory_space<vmem>>) target(%dma_start3A_251 : memref<10240x128xf32, #tpu.memory_space<vmem_shared>>) offsets(%dma_start3A_248 : memref<80xi32, #tpu.memory_space<vmem>>) semaphore(%arg12 : memref<!tpu.dma_semaphore, #tpu.memory_space<semaphore_mem>>) {add = true}
    %dma_wait3A_252 = arith.constant 0 : i32
    %dma_wait3A_253 = arith.constant 22 : i32
    %dma_wait3A_254 = arith.constant 0 : i32
    %dma_wait3A_255 = arith.constant 0 : i32
    %dma_wait3A_256 = tpu.memref_slice %arg8[%dma_wait3A_252, %dma_wait3A_254, %dma_wait3A_255] : memref<2x80x128xf32, #tpu.memory_space<vmem>> -> memref<1x80x128xf32, #tpu.memory_space<vmem>>
    %dma_wait3A_257 = tpu.memref_squeeze %dma_wait3A_256 : memref<1x80x128xf32, #tpu.memory_space<vmem>> -> memref<80x128xf32, #tpu.memory_space<vmem>>
    %dma_wait3A_258 = arith.constant 0 : i32
    %dma_wait3A_259 = tpu.memref_slice %arg7[%dma_wait3A_253, %dma_wait3A_258] : memref<25x80xi32, #tpu.memory_space<vmem>> -> memref<1x80xi32, #tpu.memory_space<vmem>>
    %dma_wait3A_260 = tpu.memref_squeeze %dma_wait3A_259 : memref<1x80xi32, #tpu.memory_space<vmem>> -> memref<80xi32, #tpu.memory_space<vmem>>
    %dma_wait3A_261 = arith.constant 0 : i32
    %dma_wait3A_262 = arith.constant 0 : i32
    %dma_wait3A_263 = tpu.memref_slice %arg9[%dma_wait3A_261, %dma_wait3A_262] : memref<10240x128xf32, #tpu.memory_space<vmem_shared>> -> memref<10240x128xf32, #tpu.memory_space<vmem_shared>>
    tpu.wait_indirect_dma semaphore(%arg12 : memref<!tpu.dma_semaphore, #tpu.memory_space<semaphore_mem>>) src(%dma_wait3A_257 : memref<80x128xf32, #tpu.memory_space<vmem>>) dst(%dma_wait3A_263 : memref<10240x128xf32, #tpu.memory_space<vmem_shared>>)
    %dma_start3A_264 = arith.constant 24 : i32
    %dma_start3A_265 = arith.constant 0 : i32
    %dma_start3A_266 = arith.constant 0 : i32
    %dma_start3A_267 = arith.constant 0 : i32
    %dma_start3A_268 = tpu.memref_slice %arg8[%dma_start3A_265, %dma_start3A_266, %dma_start3A_267] : memref<2x80x128xf32, #tpu.memory_space<vmem>> -> memref<1x80x128xf32, #tpu.memory_space<vmem>>
    %dma_start3A_269 = tpu.memref_squeeze %dma_start3A_268 : memref<1x80x128xf32, #tpu.memory_space<vmem>> -> memref<80x128xf32, #tpu.memory_space<vmem>>
    %dma_start3A_270 = arith.constant 0 : i32
    %dma_start3A_271 = tpu.memref_slice %arg6[%dma_start3A_264, %dma_start3A_270] : memref<25x80xi32, #tpu.memory_space<vmem>> -> memref<1x80xi32, #tpu.memory_space<vmem>>
    %dma_start3A_272 = tpu.memref_squeeze %dma_start3A_271 : memref<1x80xi32, #tpu.memory_space<vmem>> -> memref<80xi32, #tpu.memory_space<vmem>>
    %dma_start3A_273 = arith.constant 0 : i32
    %dma_start3A_274 = arith.constant 0 : i32
    %dma_start3A_275 = tpu.memref_slice %arg2[%dma_start3A_273, %dma_start3A_274] : memref<10000x128xf32, #tpu.memory_space<hbm>> -> memref<10000x128xf32, #tpu.memory_space<hbm>>
    tpu.enqueue_indirect_dma source(%dma_start3A_275 : memref<10000x128xf32, #tpu.memory_space<hbm>>) target(%dma_start3A_269 : memref<80x128xf32, #tpu.memory_space<vmem>>) offsets(%dma_start3A_272 : memref<80xi32, #tpu.memory_space<vmem>>) semaphore(%arg10 : memref<!tpu.dma_semaphore, #tpu.memory_space<semaphore_mem>>)
    %dma_wait3A_276 = arith.constant 23 : i32
    %dma_wait3A_277 = arith.constant 1 : i32
    %dma_wait3A_278 = arith.constant 0 : i32
    %dma_wait3A_279 = arith.constant 0 : i32
    %dma_wait3A_280 = tpu.memref_slice %arg8[%dma_wait3A_277, %dma_wait3A_278, %dma_wait3A_279] : memref<2x80x128xf32, #tpu.memory_space<vmem>> -> memref<1x80x128xf32, #tpu.memory_space<vmem>>
    %dma_wait3A_281 = tpu.memref_squeeze %dma_wait3A_280 : memref<1x80x128xf32, #tpu.memory_space<vmem>> -> memref<80x128xf32, #tpu.memory_space<vmem>>
    %dma_wait3A_282 = arith.constant 0 : i32
    %dma_wait3A_283 = tpu.memref_slice %arg6[%dma_wait3A_276, %dma_wait3A_282] : memref<25x80xi32, #tpu.memory_space<vmem>> -> memref<1x80xi32, #tpu.memory_space<vmem>>
    %dma_wait3A_284 = tpu.memref_squeeze %dma_wait3A_283 : memref<1x80xi32, #tpu.memory_space<vmem>> -> memref<80xi32, #tpu.memory_space<vmem>>
    %dma_wait3A_285 = arith.constant 0 : i32
    %dma_wait3A_286 = arith.constant 0 : i32
    %dma_wait3A_287 = tpu.memref_slice %arg2[%dma_wait3A_285, %dma_wait3A_286] : memref<10000x128xf32, #tpu.memory_space<hbm>> -> memref<10000x128xf32, #tpu.memory_space<hbm>>
    tpu.wait_indirect_dma semaphore(%arg11 : memref<!tpu.dma_semaphore, #tpu.memory_space<semaphore_mem>>) src(%dma_wait3A_287 : memref<10000x128xf32, #tpu.memory_space<hbm>>) dst(%dma_wait3A_281 : memref<80x128xf32, #tpu.memory_space<vmem>>)
    %dma_start3A_288 = arith.constant 1 : i32
    %dma_start3A_289 = arith.constant 23 : i32
    %dma_start3A_290 = arith.constant 0 : i32
    %dma_start3A_291 = arith.constant 0 : i32
    %dma_start3A_292 = tpu.memref_slice %arg8[%dma_start3A_288, %dma_start3A_290, %dma_start3A_291] : memref<2x80x128xf32, #tpu.memory_space<vmem>> -> memref<1x80x128xf32, #tpu.memory_space<vmem>>
    %dma_start3A_293 = tpu.memref_squeeze %dma_start3A_292 : memref<1x80x128xf32, #tpu.memory_space<vmem>> -> memref<80x128xf32, #tpu.memory_space<vmem>>
    %dma_start3A_294 = arith.constant 0 : i32
    %dma_start3A_295 = tpu.memref_slice %arg7[%dma_start3A_289, %dma_start3A_294] : memref<25x80xi32, #tpu.memory_space<vmem>> -> memref<1x80xi32, #tpu.memory_space<vmem>>
    %dma_start3A_296 = tpu.memref_squeeze %dma_start3A_295 : memref<1x80xi32, #tpu.memory_space<vmem>> -> memref<80xi32, #tpu.memory_space<vmem>>
    %dma_start3A_297 = arith.constant 0 : i32
    %dma_start3A_298 = arith.constant 0 : i32
    %dma_start3A_299 = tpu.memref_slice %arg9[%dma_start3A_297, %dma_start3A_298] : memref<10240x128xf32, #tpu.memory_space<vmem_shared>> -> memref<10240x128xf32, #tpu.memory_space<vmem_shared>>
    tpu.enqueue_indirect_dma source(%dma_start3A_293 : memref<80x128xf32, #tpu.memory_space<vmem>>) target(%dma_start3A_299 : memref<10240x128xf32, #tpu.memory_space<vmem_shared>>) offsets(%dma_start3A_296 : memref<80xi32, #tpu.memory_space<vmem>>) semaphore(%arg12 : memref<!tpu.dma_semaphore, #tpu.memory_space<semaphore_mem>>) {add = true}
    %dma_wait3A_300 = arith.constant 1 : i32
    %dma_wait3A_301 = arith.constant 23 : i32
    %dma_wait3A_302 = arith.constant 0 : i32
    %dma_wait3A_303 = arith.constant 0 : i32
    %dma_wait3A_304 = tpu.memref_slice %arg8[%dma_wait3A_300, %dma_wait3A_302, %dma_wait3A_303] : memref<2x80x128xf32, #tpu.memory_space<vmem>> -> memref<1x80x128xf32, #tpu.memory_space<vmem>>
    %dma_wait3A_305 = tpu.memref_squeeze %dma_wait3A_304 : memref<1x80x128xf32, #tpu.memory_space<vmem>> -> memref<80x128xf32, #tpu.memory_space<vmem>>
    %dma_wait3A_306 = arith.constant 0 : i32
    %dma_wait3A_307 = tpu.memref_slice %arg7[%dma_wait3A_301, %dma_wait3A_306] : memref<25x80xi32, #tpu.memory_space<vmem>> -> memref<1x80xi32, #tpu.memory_space<vmem>>
    %dma_wait3A_308 = tpu.memref_squeeze %dma_wait3A_307 : memref<1x80xi32, #tpu.memory_space<vmem>> -> memref<80xi32, #tpu.memory_space<vmem>>
    %dma_wait3A_309 = arith.constant 0 : i32
    %dma_wait3A_310 = arith.constant 0 : i32
    %dma_wait3A_311 = tpu.memref_slice %arg9[%dma_wait3A_309, %dma_wait3A_310] : memref<10240x128xf32, #tpu.memory_space<vmem_shared>> -> memref<10240x128xf32, #tpu.memory_space<vmem_shared>>
    tpu.wait_indirect_dma semaphore(%arg12 : memref<!tpu.dma_semaphore, #tpu.memory_space<semaphore_mem>>) src(%dma_wait3A_305 : memref<80x128xf32, #tpu.memory_space<vmem>>) dst(%dma_wait3A_311 : memref<10240x128xf32, #tpu.memory_space<vmem_shared>>)
    %dma_wait3A_312 = arith.constant 24 : i32
    %dma_wait3A_313 = arith.constant 0 : i32
    %dma_wait3A_314 = arith.constant 0 : i32
    %dma_wait3A_315 = arith.constant 0 : i32
    %dma_wait3A_316 = tpu.memref_slice %arg8[%dma_wait3A_313, %dma_wait3A_314, %dma_wait3A_315] : memref<2x80x128xf32, #tpu.memory_space<vmem>> -> memref<1x80x128xf32, #tpu.memory_space<vmem>>
    %dma_wait3A_317 = tpu.memref_squeeze %dma_wait3A_316 : memref<1x80x128xf32, #tpu.memory_space<vmem>> -> memref<80x128xf32, #tpu.memory_space<vmem>>
    %dma_wait3A_318 = arith.constant 0 : i32
    %dma_wait3A_319 = tpu.memref_slice %arg6[%dma_wait3A_312, %dma_wait3A_318] : memref<25x80xi32, #tpu.memory_space<vmem>> -> memref<1x80xi32, #tpu.memory_space<vmem>>
    %dma_wait3A_320 = tpu.memref_squeeze %dma_wait3A_319 : memref<1x80xi32, #tpu.memory_space<vmem>> -> memref<80xi32, #tpu.memory_space<vmem>>
    %dma_wait3A_321 = arith.constant 0 : i32
    %dma_wait3A_322 = arith.constant 0 : i32
    %dma_wait3A_323 = tpu.memref_slice %arg2[%dma_wait3A_321, %dma_wait3A_322] : memref<10000x128xf32, #tpu.memory_space<hbm>> -> memref<10000x128xf32, #tpu.memory_space<hbm>>
    tpu.wait_indirect_dma semaphore(%arg10 : memref<!tpu.dma_semaphore, #tpu.memory_space<semaphore_mem>>) src(%dma_wait3A_323 : memref<10000x128xf32, #tpu.memory_space<hbm>>) dst(%dma_wait3A_317 : memref<80x128xf32, #tpu.memory_space<vmem>>)
    %dma_start3A_324 = arith.constant 0 : i32
    %dma_start3A_325 = arith.constant 24 : i32
    %dma_start3A_326 = arith.constant 0 : i32
    %dma_start3A_327 = arith.constant 0 : i32
    %dma_start3A_328 = tpu.memref_slice %arg8[%dma_start3A_324, %dma_start3A_326, %dma_start3A_327] : memref<2x80x128xf32, #tpu.memory_space<vmem>> -> memref<1x80x128xf32, #tpu.memory_space<vmem>>
    %dma_start3A_329 = tpu.memref_squeeze %dma_start3A_328 : memref<1x80x128xf32, #tpu.memory_space<vmem>> -> memref<80x128xf32, #tpu.memory_space<vmem>>
    %dma_start3A_330 = arith.constant 0 : i32
    %dma_start3A_331 = tpu.memref_slice %arg7[%dma_start3A_325, %dma_start3A_330] : memref<25x80xi32, #tpu.memory_space<vmem>> -> memref<1x80xi32, #tpu.memory_space<vmem>>
    %dma_start3A_332 = tpu.memref_squeeze %dma_start3A_331 : memref<1x80xi32, #tpu.memory_space<vmem>> -> memref<80xi32, #tpu.memory_space<vmem>>
    %dma_start3A_333 = arith.constant 0 : i32
    %dma_start3A_334 = arith.constant 0 : i32
    %dma_start3A_335 = tpu.memref_slice %arg9[%dma_start3A_333, %dma_start3A_334] : memref<10240x128xf32, #tpu.memory_space<vmem_shared>> -> memref<10240x128xf32, #tpu.memory_space<vmem_shared>>
    tpu.enqueue_indirect_dma source(%dma_start3A_329 : memref<80x128xf32, #tpu.memory_space<vmem>>) target(%dma_start3A_335 : memref<10240x128xf32, #tpu.memory_space<vmem_shared>>) offsets(%dma_start3A_332 : memref<80xi32, #tpu.memory_space<vmem>>) semaphore(%arg12 : memref<!tpu.dma_semaphore, #tpu.memory_space<semaphore_mem>>) {add = true}
    %dma_wait3A_336 = arith.constant 0 : i32
    %dma_wait3A_337 = arith.constant 24 : i32
    %dma_wait3A_338 = arith.constant 0 : i32
    %dma_wait3A_339 = arith.constant 0 : i32
    %dma_wait3A_340 = tpu.memref_slice %arg8[%dma_wait3A_336, %dma_wait3A_338, %dma_wait3A_339] : memref<2x80x128xf32, #tpu.memory_space<vmem>> -> memref<1x80x128xf32, #tpu.memory_space<vmem>>
    %dma_wait3A_341 = tpu.memref_squeeze %dma_wait3A_340 : memref<1x80x128xf32, #tpu.memory_space<vmem>> -> memref<80x128xf32, #tpu.memory_space<vmem>>
    %dma_wait3A_342 = arith.constant 0 : i32
    %dma_wait3A_343 = tpu.memref_slice %arg7[%dma_wait3A_337, %dma_wait3A_342] : memref<25x80xi32, #tpu.memory_space<vmem>> -> memref<1x80xi32, #tpu.memory_space<vmem>>
    %dma_wait3A_344 = tpu.memref_squeeze %dma_wait3A_343 : memref<1x80xi32, #tpu.memory_space<vmem>> -> memref<80xi32, #tpu.memory_space<vmem>>
    %dma_wait3A_345 = arith.constant 0 : i32
    %dma_wait3A_346 = arith.constant 0 : i32
    %dma_wait3A_347 = tpu.memref_slice %arg9[%dma_wait3A_345, %dma_wait3A_346] : memref<10240x128xf32, #tpu.memory_space<vmem_shared>> -> memref<10240x128xf32, #tpu.memory_space<vmem_shared>>
    tpu.wait_indirect_dma semaphore(%arg12 : memref<!tpu.dma_semaphore, #tpu.memory_space<semaphore_mem>>) src(%dma_wait3A_341 : memref<80x128xf32, #tpu.memory_space<vmem>>) dst(%dma_wait3A_347 : memref<10240x128xf32, #tpu.memory_space<vmem_shared>>)
    %run_scoped3A_348 = arith.constant 2 : i32
    "tpu.region"() ({
      %run_scoped3A_809 = tpu.sem_alloc : memref<!tpu.dma_semaphore, #tpu.memory_space<semaphore_mem>>
      %dma_start3A_810 = arith.constant 0 : i32
      %dma_start3A_811 = arith.constant 0 : i32
      %dma_start3A_812 = tpu.memref_slice %arg3[%add3A, %run_scoped3A_348, %dma_start3A_810, %dma_start3A_811] : memref<32x5x25x80xi32, #tpu.memory_space<hbm>> -> memref<1x1x25x80xi32, #tpu.memory_space<hbm>>
      %dma_start3A_813 = tpu.memref_squeeze %dma_start3A_812 : memref<1x1x25x80xi32, #tpu.memory_space<hbm>> -> memref<25x80xi32, #tpu.memory_space<hbm>>
      %dma_start3A_814 = arith.constant 0 : i32
      %dma_start3A_815 = arith.constant 0 : i32
      %dma_start3A_816 = tpu.memref_slice %arg3[%add3A, %run_scoped3A_348, %dma_start3A_814, %dma_start3A_815] : memref<32x5x25x80xi32, #tpu.memory_space<hbm>> -> memref<1x1x25x80xi32, #tpu.memory_space<hbm>>
      %dma_start3A_817 = tpu.memref_squeeze %dma_start3A_816 : memref<1x1x25x80xi32, #tpu.memory_space<hbm>> -> memref<25x80xi32, #tpu.memory_space<hbm>>
      tpu.enqueue_dma source(%dma_start3A_817 : memref<25x80xi32, #tpu.memory_space<hbm>>) target(%arg6 : memref<25x80xi32, #tpu.memory_space<vmem>>) target_semaphore(%run_scoped3A_809 : memref<!tpu.dma_semaphore, #tpu.memory_space<semaphore_mem>>)
      %dma_wait3A_818 = arith.constant 0 : i32
      %dma_wait3A_819 = arith.constant 0 : i32
      %dma_wait3A_820 = tpu.memref_slice %arg3[%add3A, %run_scoped3A_348, %dma_wait3A_818, %dma_wait3A_819] : memref<32x5x25x80xi32, #tpu.memory_space<hbm>> -> memref<1x1x25x80xi32, #tpu.memory_space<hbm>>
      %dma_wait3A_821 = tpu.memref_squeeze %dma_wait3A_820 : memref<1x1x25x80xi32, #tpu.memory_space<hbm>> -> memref<25x80xi32, #tpu.memory_space<hbm>>
      %dma_wait3A_822 = arith.constant 0 : i32
      %dma_wait3A_823 = arith.constant 0 : i32
      %dma_wait3A_824 = tpu.memref_slice %arg3[%add3A, %run_scoped3A_348, %dma_wait3A_822, %dma_wait3A_823] : memref<32x5x25x80xi32, #tpu.memory_space<hbm>> -> memref<1x1x25x80xi32, #tpu.memory_space<hbm>>
      %dma_wait3A_825 = tpu.memref_squeeze %dma_wait3A_824 : memref<1x1x25x80xi32, #tpu.memory_space<hbm>> -> memref<25x80xi32, #tpu.memory_space<hbm>>
      tpu.wait_dma2 semaphore(%run_scoped3A_809 : memref<!tpu.dma_semaphore, #tpu.memory_space<semaphore_mem>>) src(%dma_wait3A_825 : memref<25x80xi32, #tpu.memory_space<hbm>>) dst(%arg6 : memref<25x80xi32, #tpu.memory_space<vmem>>)
      tpu.yield
    }) : () -> ()
    %run_scoped3A_349 = arith.constant 2 : i32
    "tpu.region"() ({
      %run_scoped3A_809 = tpu.sem_alloc : memref<!tpu.dma_semaphore, #tpu.memory_space<semaphore_mem>>
      %dma_start3A_810 = arith.constant 0 : i32
      %dma_start3A_811 = arith.constant 0 : i32
      %dma_start3A_812 = tpu.memref_slice %arg4[%add3A, %run_scoped3A_349, %dma_start3A_810, %dma_start3A_811] : memref<32x5x25x80xi32, #tpu.memory_space<hbm>> -> memref<1x1x25x80xi32, #tpu.memory_space<hbm>>
      %dma_start3A_813 = tpu.memref_squeeze %dma_start3A_812 : memref<1x1x25x80xi32, #tpu.memory_space<hbm>> -> memref<25x80xi32, #tpu.memory_space<hbm>>
      %dma_start3A_814 = arith.constant 0 : i32
      %dma_start3A_815 = arith.constant 0 : i32
      %dma_start3A_816 = tpu.memref_slice %arg4[%add3A, %run_scoped3A_349, %dma_start3A_814, %dma_start3A_815] : memref<32x5x25x80xi32, #tpu.memory_space<hbm>> -> memref<1x1x25x80xi32, #tpu.memory_space<hbm>>
      %dma_start3A_817 = tpu.memref_squeeze %dma_start3A_816 : memref<1x1x25x80xi32, #tpu.memory_space<hbm>> -> memref<25x80xi32, #tpu.memory_space<hbm>>
      tpu.enqueue_dma source(%dma_start3A_817 : memref<25x80xi32, #tpu.memory_space<hbm>>) target(%arg7 : memref<25x80xi32, #tpu.memory_space<vmem>>) target_semaphore(%run_scoped3A_809 : memref<!tpu.dma_semaphore, #tpu.memory_space<semaphore_mem>>)
      %dma_wait3A_818 = arith.constant 0 : i32
      %dma_wait3A_819 = arith.constant 0 : i32
      %dma_wait3A_820 = tpu.memref_slice %arg4[%add3A, %run_scoped3A_349, %dma_wait3A_818, %dma_wait3A_819] : memref<32x5x25x80xi32, #tpu.memory_space<hbm>> -> memref<1x1x25x80xi32, #tpu.memory_space<hbm>>
      %dma_wait3A_821 = tpu.memref_squeeze %dma_wait3A_820 : memref<1x1x25x80xi32, #tpu.memory_space<hbm>> -> memref<25x80xi32, #tpu.memory_space<hbm>>
      %dma_wait3A_822 = arith.constant 0 : i32
      %dma_wait3A_823 = arith.constant 0 : i32
      %dma_wait3A_824 = tpu.memref_slice %arg4[%add3A, %run_scoped3A_349, %dma_wait3A_822, %dma_wait3A_823] : memref<32x5x25x80xi32, #tpu.memory_space<hbm>> -> memref<1x1x25x80xi32, #tpu.memory_space<hbm>>
      %dma_wait3A_825 = tpu.memref_squeeze %dma_wait3A_824 : memref<1x1x25x80xi32, #tpu.memory_space<hbm>> -> memref<25x80xi32, #tpu.memory_space<hbm>>
      tpu.wait_dma2 semaphore(%run_scoped3A_809 : memref<!tpu.dma_semaphore, #tpu.memory_space<semaphore_mem>>) src(%dma_wait3A_825 : memref<25x80xi32, #tpu.memory_space<hbm>>) dst(%arg7 : memref<25x80xi32, #tpu.memory_space<vmem>>)
      tpu.yield
    }) : () -> ()
    %dma_start3A_350 = arith.constant 0 : i32
    %dma_start3A_351 = arith.constant 0 : i32
    %dma_start3A_352 = arith.constant 0 : i32
    %dma_start3A_353 = arith.constant 0 : i32
    %dma_start3A_354 = tpu.memref_slice %arg8[%dma_start3A_351, %dma_start3A_352, %dma_start3A_353] : memref<2x80x128xf32, #tpu.memory_space<vmem>> -> memref<1x80x128xf32, #tpu.memory_space<vmem>>
    %dma_start3A_355 = tpu.memref_squeeze %dma_start3A_354 : memref<1x80x128xf32, #tpu.memory_space<vmem>> -> memref<80x128xf32, #tpu.memory_space<vmem>>
    %dma_start3A_356 = arith.constant 0 : i32
    %dma_start3A_357 = tpu.memref_slice %arg6[%dma_start3A_350, %dma_start3A_356] : memref<25x80xi32, #tpu.memory_space<vmem>> -> memref<1x80xi32, #tpu.memory_space<vmem>>
    %dma_start3A_358 = tpu.memref_squeeze %dma_start3A_357 : memref<1x80xi32, #tpu.memory_space<vmem>> -> memref<80xi32, #tpu.memory_space<vmem>>
    %dma_start3A_359 = arith.constant 0 : i32
    %dma_start3A_360 = arith.constant 0 : i32
    %dma_start3A_361 = tpu.memref_slice %arg2[%dma_start3A_359, %dma_start3A_360] : memref<10000x128xf32, #tpu.memory_space<hbm>> -> memref<10000x128xf32, #tpu.memory_space<hbm>>
    tpu.enqueue_indirect_dma source(%dma_start3A_361 : memref<10000x128xf32, #tpu.memory_space<hbm>>) target(%dma_start3A_355 : memref<80x128xf32, #tpu.memory_space<vmem>>) offsets(%dma_start3A_358 : memref<80xi32, #tpu.memory_space<vmem>>) semaphore(%arg10 : memref<!tpu.dma_semaphore, #tpu.memory_space<semaphore_mem>>)
    %dma_start3A_362 = arith.constant 1 : i32
    %dma_start3A_363 = arith.constant 1 : i32
    %dma_start3A_364 = arith.constant 0 : i32
    %dma_start3A_365 = arith.constant 0 : i32
    %dma_start3A_366 = tpu.memref_slice %arg8[%dma_start3A_363, %dma_start3A_364, %dma_start3A_365] : memref<2x80x128xf32, #tpu.memory_space<vmem>> -> memref<1x80x128xf32, #tpu.memory_space<vmem>>
    %dma_start3A_367 = tpu.memref_squeeze %dma_start3A_366 : memref<1x80x128xf32, #tpu.memory_space<vmem>> -> memref<80x128xf32, #tpu.memory_space<vmem>>
    %dma_start3A_368 = arith.constant 0 : i32
    %dma_start3A_369 = tpu.memref_slice %arg6[%dma_start3A_362, %dma_start3A_368] : memref<25x80xi32, #tpu.memory_space<vmem>> -> memref<1x80xi32, #tpu.memory_space<vmem>>
    %dma_start3A_370 = tpu.memref_squeeze %dma_start3A_369 : memref<1x80xi32, #tpu.memory_space<vmem>> -> memref<80xi32, #tpu.memory_space<vmem>>
    %dma_start3A_371 = arith.constant 0 : i32
    %dma_start3A_372 = arith.constant 0 : i32
    %dma_start3A_373 = tpu.memref_slice %arg2[%dma_start3A_371, %dma_start3A_372] : memref<10000x128xf32, #tpu.memory_space<hbm>> -> memref<10000x128xf32, #tpu.memory_space<hbm>>
    tpu.enqueue_indirect_dma source(%dma_start3A_373 : memref<10000x128xf32, #tpu.memory_space<hbm>>) target(%dma_start3A_367 : memref<80x128xf32, #tpu.memory_space<vmem>>) offsets(%dma_start3A_370 : memref<80xi32, #tpu.memory_space<vmem>>) semaphore(%arg11 : memref<!tpu.dma_semaphore, #tpu.memory_space<semaphore_mem>>)
    %scan3A_374 = arith.constant 0 : i32
    %scan3A_375 = arith.constant 0 : i32
    %scan3A_376 = arith.constant 11 : i32
    %scan3A_377 = arith.addi %scan3A_375, %scan3A_376 : i32
    %scan3A_378 = arith.constant 1 : i32
    scf.for %scan3A_809 = %scan3A_375 to %scan3A_377 step %scan3A_378  : i32 {
      %mul3A_810 = arith.constant 2 : i32
      %mul3A_811 = arith.muli %scan3A_809, %mul3A_810 : i32
      %add3A_812 = arith.constant 0 : i32
      %add3A_813 = arith.addi %mul3A_811, %add3A_812 : i32
      %dma_wait3A_814 = arith.constant 0 : i32
      %dma_wait3A_815 = arith.constant 0 : i32
      %dma_wait3A_816 = arith.constant 0 : i32
      %dma_wait3A_817 = tpu.memref_slice %arg8[%dma_wait3A_814, %dma_wait3A_815, %dma_wait3A_816] : memref<2x80x128xf32, #tpu.memory_space<vmem>> -> memref<1x80x128xf32, #tpu.memory_space<vmem>>
      %dma_wait3A_818 = tpu.memref_squeeze %dma_wait3A_817 : memref<1x80x128xf32, #tpu.memory_space<vmem>> -> memref<80x128xf32, #tpu.memory_space<vmem>>
      %dma_wait3A_819 = arith.constant 0 : i32
      %dma_wait3A_820 = tpu.memref_slice %arg6[%add3A_813, %dma_wait3A_819] : memref<25x80xi32, #tpu.memory_space<vmem>> -> memref<1x80xi32, #tpu.memory_space<vmem>>
      %dma_wait3A_821 = tpu.memref_squeeze %dma_wait3A_820 : memref<1x80xi32, #tpu.memory_space<vmem>> -> memref<80xi32, #tpu.memory_space<vmem>>
      %dma_wait3A_822 = arith.constant 0 : i32
      %dma_wait3A_823 = arith.constant 0 : i32
      %dma_wait3A_824 = tpu.memref_slice %arg2[%dma_wait3A_822, %dma_wait3A_823] : memref<10000x128xf32, #tpu.memory_space<hbm>> -> memref<10000x128xf32, #tpu.memory_space<hbm>>
      tpu.wait_indirect_dma semaphore(%arg10 : memref<!tpu.dma_semaphore, #tpu.memory_space<semaphore_mem>>) src(%dma_wait3A_824 : memref<10000x128xf32, #tpu.memory_space<hbm>>) dst(%dma_wait3A_818 : memref<80x128xf32, #tpu.memory_space<vmem>>)
      %add3A_825 = arith.constant 0 : i32
      %add3A_826 = arith.addi %mul3A_811, %add3A_825 : i32
      %dma_start3A_827 = arith.constant 0 : i32
      %dma_start3A_828 = arith.constant 0 : i32
      %dma_start3A_829 = arith.constant 0 : i32
      %dma_start3A_830 = tpu.memref_slice %arg8[%dma_start3A_827, %dma_start3A_828, %dma_start3A_829] : memref<2x80x128xf32, #tpu.memory_space<vmem>> -> memref<1x80x128xf32, #tpu.memory_space<vmem>>
      %dma_start3A_831 = tpu.memref_squeeze %dma_start3A_830 : memref<1x80x128xf32, #tpu.memory_space<vmem>> -> memref<80x128xf32, #tpu.memory_space<vmem>>
      %dma_start3A_832 = arith.constant 0 : i32
      %dma_start3A_833 = tpu.memref_slice %arg7[%add3A_826, %dma_start3A_832] : memref<25x80xi32, #tpu.memory_space<vmem>> -> memref<1x80xi32, #tpu.memory_space<vmem>>
      %dma_start3A_834 = tpu.memref_squeeze %dma_start3A_833 : memref<1x80xi32, #tpu.memory_space<vmem>> -> memref<80xi32, #tpu.memory_space<vmem>>
      %dma_start3A_835 = arith.constant 0 : i32
      %dma_start3A_836 = arith.constant 0 : i32
      %dma_start3A_837 = tpu.memref_slice %arg9[%dma_start3A_835, %dma_start3A_836] : memref<10240x128xf32, #tpu.memory_space<vmem_shared>> -> memref<10240x128xf32, #tpu.memory_space<vmem_shared>>
      tpu.enqueue_indirect_dma source(%dma_start3A_831 : memref<80x128xf32, #tpu.memory_space<vmem>>) target(%dma_start3A_837 : memref<10240x128xf32, #tpu.memory_space<vmem_shared>>) offsets(%dma_start3A_834 : memref<80xi32, #tpu.memory_space<vmem>>) semaphore(%arg12 : memref<!tpu.dma_semaphore, #tpu.memory_space<semaphore_mem>>) {add = true}
      %dma_wait3A_838 = arith.constant 0 : i32
      %dma_wait3A_839 = arith.constant 0 : i32
      %dma_wait3A_840 = arith.constant 0 : i32
      %dma_wait3A_841 = tpu.memref_slice %arg8[%dma_wait3A_838, %dma_wait3A_839, %dma_wait3A_840] : memref<2x80x128xf32, #tpu.memory_space<vmem>> -> memref<1x80x128xf32, #tpu.memory_space<vmem>>
      %dma_wait3A_842 = tpu.memref_squeeze %dma_wait3A_841 : memref<1x80x128xf32, #tpu.memory_space<vmem>> -> memref<80x128xf32, #tpu.memory_space<vmem>>
      %dma_wait3A_843 = arith.constant 0 : i32
      %dma_wait3A_844 = tpu.memref_slice %arg7[%add3A_826, %dma_wait3A_843] : memref<25x80xi32, #tpu.memory_space<vmem>> -> memref<1x80xi32, #tpu.memory_space<vmem>>
      %dma_wait3A_845 = tpu.memref_squeeze %dma_wait3A_844 : memref<1x80xi32, #tpu.memory_space<vmem>> -> memref<80xi32, #tpu.memory_space<vmem>>
      %dma_wait3A_846 = arith.constant 0 : i32
      %dma_wait3A_847 = arith.constant 0 : i32
      %dma_wait3A_848 = tpu.memref_slice %arg9[%dma_wait3A_846, %dma_wait3A_847] : memref<10240x128xf32, #tpu.memory_space<vmem_shared>> -> memref<10240x128xf32, #tpu.memory_space<vmem_shared>>
      tpu.wait_indirect_dma semaphore(%arg12 : memref<!tpu.dma_semaphore, #tpu.memory_space<semaphore_mem>>) src(%dma_wait3A_842 : memref<80x128xf32, #tpu.memory_space<vmem>>) dst(%dma_wait3A_848 : memref<10240x128xf32, #tpu.memory_space<vmem_shared>>)
      %add3A_849 = arith.constant 0 : i32
      %add3A_850 = arith.addi %mul3A_811, %add3A_849 : i32
      %add3A_851 = arith.constant 2 : i32
      %add3A_852 = arith.addi %add3A_850, %add3A_851 : i32
      %dma_start3A_853 = arith.constant 0 : i32
      %dma_start3A_854 = arith.constant 0 : i32
      %dma_start3A_855 = arith.constant 0 : i32
      %dma_start3A_856 = tpu.memref_slice %arg8[%dma_start3A_853, %dma_start3A_854, %dma_start3A_855] : memref<2x80x128xf32, #tpu.memory_space<vmem>> -> memref<1x80x128xf32, #tpu.memory_space<vmem>>
      %dma_start3A_857 = tpu.memref_squeeze %dma_start3A_856 : memref<1x80x128xf32, #tpu.memory_space<vmem>> -> memref<80x128xf32, #tpu.memory_space<vmem>>
      %dma_start3A_858 = arith.constant 0 : i32
      %dma_start3A_859 = tpu.memref_slice %arg6[%add3A_852, %dma_start3A_858] : memref<25x80xi32, #tpu.memory_space<vmem>> -> memref<1x80xi32, #tpu.memory_space<vmem>>
      %dma_start3A_860 = tpu.memref_squeeze %dma_start3A_859 : memref<1x80xi32, #tpu.memory_space<vmem>> -> memref<80xi32, #tpu.memory_space<vmem>>
      %dma_start3A_861 = arith.constant 0 : i32
      %dma_start3A_862 = arith.constant 0 : i32
      %dma_start3A_863 = tpu.memref_slice %arg2[%dma_start3A_861, %dma_start3A_862] : memref<10000x128xf32, #tpu.memory_space<hbm>> -> memref<10000x128xf32, #tpu.memory_space<hbm>>
      tpu.enqueue_indirect_dma source(%dma_start3A_863 : memref<10000x128xf32, #tpu.memory_space<hbm>>) target(%dma_start3A_857 : memref<80x128xf32, #tpu.memory_space<vmem>>) offsets(%dma_start3A_860 : memref<80xi32, #tpu.memory_space<vmem>>) semaphore(%arg10 : memref<!tpu.dma_semaphore, #tpu.memory_space<semaphore_mem>>)
      %add3A_864 = arith.constant 1 : i32
      %add3A_865 = arith.addi %mul3A_811, %add3A_864 : i32
      %dma_wait3A_866 = arith.constant 1 : i32
      %dma_wait3A_867 = arith.constant 0 : i32
      %dma_wait3A_868 = arith.constant 0 : i32
      %dma_wait3A_869 = tpu.memref_slice %arg8[%dma_wait3A_866, %dma_wait3A_867, %dma_wait3A_868] : memref<2x80x128xf32, #tpu.memory_space<vmem>> -> memref<1x80x128xf32, #tpu.memory_space<vmem>>
      %dma_wait3A_870 = tpu.memref_squeeze %dma_wait3A_869 : memref<1x80x128xf32, #tpu.memory_space<vmem>> -> memref<80x128xf32, #tpu.memory_space<vmem>>
      %dma_wait3A_871 = arith.constant 0 : i32
      %dma_wait3A_872 = tpu.memref_slice %arg6[%add3A_865, %dma_wait3A_871] : memref<25x80xi32, #tpu.memory_space<vmem>> -> memref<1x80xi32, #tpu.memory_space<vmem>>
      %dma_wait3A_873 = tpu.memref_squeeze %dma_wait3A_872 : memref<1x80xi32, #tpu.memory_space<vmem>> -> memref<80xi32, #tpu.memory_space<vmem>>
      %dma_wait3A_874 = arith.constant 0 : i32
      %dma_wait3A_875 = arith.constant 0 : i32
      %dma_wait3A_876 = tpu.memref_slice %arg2[%dma_wait3A_874, %dma_wait3A_875] : memref<10000x128xf32, #tpu.memory_space<hbm>> -> memref<10000x128xf32, #tpu.memory_space<hbm>>
      tpu.wait_indirect_dma semaphore(%arg11 : memref<!tpu.dma_semaphore, #tpu.memory_space<semaphore_mem>>) src(%dma_wait3A_876 : memref<10000x128xf32, #tpu.memory_space<hbm>>) dst(%dma_wait3A_870 : memref<80x128xf32, #tpu.memory_space<vmem>>)
      %add3A_877 = arith.constant 1 : i32
      %add3A_878 = arith.addi %mul3A_811, %add3A_877 : i32
      %dma_start3A_879 = arith.constant 1 : i32
      %dma_start3A_880 = arith.constant 0 : i32
      %dma_start3A_881 = arith.constant 0 : i32
      %dma_start3A_882 = tpu.memref_slice %arg8[%dma_start3A_879, %dma_start3A_880, %dma_start3A_881] : memref<2x80x128xf32, #tpu.memory_space<vmem>> -> memref<1x80x128xf32, #tpu.memory_space<vmem>>
      %dma_start3A_883 = tpu.memref_squeeze %dma_start3A_882 : memref<1x80x128xf32, #tpu.memory_space<vmem>> -> memref<80x128xf32, #tpu.memory_space<vmem>>
      %dma_start3A_884 = arith.constant 0 : i32
      %dma_start3A_885 = tpu.memref_slice %arg7[%add3A_878, %dma_start3A_884] : memref<25x80xi32, #tpu.memory_space<vmem>> -> memref<1x80xi32, #tpu.memory_space<vmem>>
      %dma_start3A_886 = tpu.memref_squeeze %dma_start3A_885 : memref<1x80xi32, #tpu.memory_space<vmem>> -> memref<80xi32, #tpu.memory_space<vmem>>
      %dma_start3A_887 = arith.constant 0 : i32
      %dma_start3A_888 = arith.constant 0 : i32
      %dma_start3A_889 = tpu.memref_slice %arg9[%dma_start3A_887, %dma_start3A_888] : memref<10240x128xf32, #tpu.memory_space<vmem_shared>> -> memref<10240x128xf32, #tpu.memory_space<vmem_shared>>
      tpu.enqueue_indirect_dma source(%dma_start3A_883 : memref<80x128xf32, #tpu.memory_space<vmem>>) target(%dma_start3A_889 : memref<10240x128xf32, #tpu.memory_space<vmem_shared>>) offsets(%dma_start3A_886 : memref<80xi32, #tpu.memory_space<vmem>>) semaphore(%arg12 : memref<!tpu.dma_semaphore, #tpu.memory_space<semaphore_mem>>) {add = true}
      %dma_wait3A_890 = arith.constant 1 : i32
      %dma_wait3A_891 = arith.constant 0 : i32
      %dma_wait3A_892 = arith.constant 0 : i32
      %dma_wait3A_893 = tpu.memref_slice %arg8[%dma_wait3A_890, %dma_wait3A_891, %dma_wait3A_892] : memref<2x80x128xf32, #tpu.memory_space<vmem>> -> memref<1x80x128xf32, #tpu.memory_space<vmem>>
      %dma_wait3A_894 = tpu.memref_squeeze %dma_wait3A_893 : memref<1x80x128xf32, #tpu.memory_space<vmem>> -> memref<80x128xf32, #tpu.memory_space<vmem>>
      %dma_wait3A_895 = arith.constant 0 : i32
      %dma_wait3A_896 = tpu.memref_slice %arg7[%add3A_878, %dma_wait3A_895] : memref<25x80xi32, #tpu.memory_space<vmem>> -> memref<1x80xi32, #tpu.memory_space<vmem>>
      %dma_wait3A_897 = tpu.memref_squeeze %dma_wait3A_896 : memref<1x80xi32, #tpu.memory_space<vmem>> -> memref<80xi32, #tpu.memory_space<vmem>>
      %dma_wait3A_898 = arith.constant 0 : i32
      %dma_wait3A_899 = arith.constant 0 : i32
      %dma_wait3A_900 = tpu.memref_slice %arg9[%dma_wait3A_898, %dma_wait3A_899] : memref<10240x128xf32, #tpu.memory_space<vmem_shared>> -> memref<10240x128xf32, #tpu.memory_space<vmem_shared>>
      tpu.wait_indirect_dma semaphore(%arg12 : memref<!tpu.dma_semaphore, #tpu.memory_space<semaphore_mem>>) src(%dma_wait3A_894 : memref<80x128xf32, #tpu.memory_space<vmem>>) dst(%dma_wait3A_900 : memref<10240x128xf32, #tpu.memory_space<vmem_shared>>)
      %add3A_901 = arith.constant 1 : i32
      %add3A_902 = arith.addi %mul3A_811, %add3A_901 : i32
      %add3A_903 = arith.constant 2 : i32
      %add3A_904 = arith.addi %add3A_902, %add3A_903 : i32
      %dma_start3A_905 = arith.constant 1 : i32
      %dma_start3A_906 = arith.constant 0 : i32
      %dma_start3A_907 = arith.constant 0 : i32
      %dma_start3A_908 = tpu.memref_slice %arg8[%dma_start3A_905, %dma_start3A_906, %dma_start3A_907] : memref<2x80x128xf32, #tpu.memory_space<vmem>> -> memref<1x80x128xf32, #tpu.memory_space<vmem>>
      %dma_start3A_909 = tpu.memref_squeeze %dma_start3A_908 : memref<1x80x128xf32, #tpu.memory_space<vmem>> -> memref<80x128xf32, #tpu.memory_space<vmem>>
      %dma_start3A_910 = arith.constant 0 : i32
      %dma_start3A_911 = tpu.memref_slice %arg6[%add3A_904, %dma_start3A_910] : memref<25x80xi32, #tpu.memory_space<vmem>> -> memref<1x80xi32, #tpu.memory_space<vmem>>
      %dma_start3A_912 = tpu.memref_squeeze %dma_start3A_911 : memref<1x80xi32, #tpu.memory_space<vmem>> -> memref<80xi32, #tpu.memory_space<vmem>>
      %dma_start3A_913 = arith.constant 0 : i32
      %dma_start3A_914 = arith.constant 0 : i32
      %dma_start3A_915 = tpu.memref_slice %arg2[%dma_start3A_913, %dma_start3A_914] : memref<10000x128xf32, #tpu.memory_space<hbm>> -> memref<10000x128xf32, #tpu.memory_space<hbm>>
      tpu.enqueue_indirect_dma source(%dma_start3A_915 : memref<10000x128xf32, #tpu.memory_space<hbm>>) target(%dma_start3A_909 : memref<80x128xf32, #tpu.memory_space<vmem>>) offsets(%dma_start3A_912 : memref<80xi32, #tpu.memory_space<vmem>>) semaphore(%arg11 : memref<!tpu.dma_semaphore, #tpu.memory_space<semaphore_mem>>)
    }
    %scan3A_379 = arith.constant 11 : i32
    %dma_wait3A_380 = arith.constant 22 : i32
    %dma_wait3A_381 = arith.constant 0 : i32
    %dma_wait3A_382 = arith.constant 0 : i32
    %dma_wait3A_383 = arith.constant 0 : i32
    %dma_wait3A_384 = tpu.memref_slice %arg8[%dma_wait3A_381, %dma_wait3A_382, %dma_wait3A_383] : memref<2x80x128xf32, #tpu.memory_space<vmem>> -> memref<1x80x128xf32, #tpu.memory_space<vmem>>
    %dma_wait3A_385 = tpu.memref_squeeze %dma_wait3A_384 : memref<1x80x128xf32, #tpu.memory_space<vmem>> -> memref<80x128xf32, #tpu.memory_space<vmem>>
    %dma_wait3A_386 = arith.constant 0 : i32
    %dma_wait3A_387 = tpu.memref_slice %arg6[%dma_wait3A_380, %dma_wait3A_386] : memref<25x80xi32, #tpu.memory_space<vmem>> -> memref<1x80xi32, #tpu.memory_space<vmem>>
    %dma_wait3A_388 = tpu.memref_squeeze %dma_wait3A_387 : memref<1x80xi32, #tpu.memory_space<vmem>> -> memref<80xi32, #tpu.memory_space<vmem>>
    %dma_wait3A_389 = arith.constant 0 : i32
    %dma_wait3A_390 = arith.constant 0 : i32
    %dma_wait3A_391 = tpu.memref_slice %arg2[%dma_wait3A_389, %dma_wait3A_390] : memref<10000x128xf32, #tpu.memory_space<hbm>> -> memref<10000x128xf32, #tpu.memory_space<hbm>>
    tpu.wait_indirect_dma semaphore(%arg10 : memref<!tpu.dma_semaphore, #tpu.memory_space<semaphore_mem>>) src(%dma_wait3A_391 : memref<10000x128xf32, #tpu.memory_space<hbm>>) dst(%dma_wait3A_385 : memref<80x128xf32, #tpu.memory_space<vmem>>)
    %dma_start3A_392 = arith.constant 0 : i32
    %dma_start3A_393 = arith.constant 22 : i32
    %dma_start3A_394 = arith.constant 0 : i32
    %dma_start3A_395 = arith.constant 0 : i32
    %dma_start3A_396 = tpu.memref_slice %arg8[%dma_start3A_392, %dma_start3A_394, %dma_start3A_395] : memref<2x80x128xf32, #tpu.memory_space<vmem>> -> memref<1x80x128xf32, #tpu.memory_space<vmem>>
    %dma_start3A_397 = tpu.memref_squeeze %dma_start3A_396 : memref<1x80x128xf32, #tpu.memory_space<vmem>> -> memref<80x128xf32, #tpu.memory_space<vmem>>
    %dma_start3A_398 = arith.constant 0 : i32
    %dma_start3A_399 = tpu.memref_slice %arg7[%dma_start3A_393, %dma_start3A_398] : memref<25x80xi32, #tpu.memory_space<vmem>> -> memref<1x80xi32, #tpu.memory_space<vmem>>
    %dma_start3A_400 = tpu.memref_squeeze %dma_start3A_399 : memref<1x80xi32, #tpu.memory_space<vmem>> -> memref<80xi32, #tpu.memory_space<vmem>>
    %dma_start3A_401 = arith.constant 0 : i32
    %dma_start3A_402 = arith.constant 0 : i32
    %dma_start3A_403 = tpu.memref_slice %arg9[%dma_start3A_401, %dma_start3A_402] : memref<10240x128xf32, #tpu.memory_space<vmem_shared>> -> memref<10240x128xf32, #tpu.memory_space<vmem_shared>>
    tpu.enqueue_indirect_dma source(%dma_start3A_397 : memref<80x128xf32, #tpu.memory_space<vmem>>) target(%dma_start3A_403 : memref<10240x128xf32, #tpu.memory_space<vmem_shared>>) offsets(%dma_start3A_400 : memref<80xi32, #tpu.memory_space<vmem>>) semaphore(%arg12 : memref<!tpu.dma_semaphore, #tpu.memory_space<semaphore_mem>>) {add = true}
    %dma_wait3A_404 = arith.constant 0 : i32
    %dma_wait3A_405 = arith.constant 22 : i32
    %dma_wait3A_406 = arith.constant 0 : i32
    %dma_wait3A_407 = arith.constant 0 : i32
    %dma_wait3A_408 = tpu.memref_slice %arg8[%dma_wait3A_404, %dma_wait3A_406, %dma_wait3A_407] : memref<2x80x128xf32, #tpu.memory_space<vmem>> -> memref<1x80x128xf32, #tpu.memory_space<vmem>>
    %dma_wait3A_409 = tpu.memref_squeeze %dma_wait3A_408 : memref<1x80x128xf32, #tpu.memory_space<vmem>> -> memref<80x128xf32, #tpu.memory_space<vmem>>
    %dma_wait3A_410 = arith.constant 0 : i32
    %dma_wait3A_411 = tpu.memref_slice %arg7[%dma_wait3A_405, %dma_wait3A_410] : memref<25x80xi32, #tpu.memory_space<vmem>> -> memref<1x80xi32, #tpu.memory_space<vmem>>
    %dma_wait3A_412 = tpu.memref_squeeze %dma_wait3A_411 : memref<1x80xi32, #tpu.memory_space<vmem>> -> memref<80xi32, #tpu.memory_space<vmem>>
    %dma_wait3A_413 = arith.constant 0 : i32
    %dma_wait3A_414 = arith.constant 0 : i32
    %dma_wait3A_415 = tpu.memref_slice %arg9[%dma_wait3A_413, %dma_wait3A_414] : memref<10240x128xf32, #tpu.memory_space<vmem_shared>> -> memref<10240x128xf32, #tpu.memory_space<vmem_shared>>
    tpu.wait_indirect_dma semaphore(%arg12 : memref<!tpu.dma_semaphore, #tpu.memory_space<semaphore_mem>>) src(%dma_wait3A_409 : memref<80x128xf32, #tpu.memory_space<vmem>>) dst(%dma_wait3A_415 : memref<10240x128xf32, #tpu.memory_space<vmem_shared>>)
    %dma_start3A_416 = arith.constant 24 : i32
    %dma_start3A_417 = arith.constant 0 : i32
    %dma_start3A_418 = arith.constant 0 : i32
    %dma_start3A_419 = arith.constant 0 : i32
    %dma_start3A_420 = tpu.memref_slice %arg8[%dma_start3A_417, %dma_start3A_418, %dma_start3A_419] : memref<2x80x128xf32, #tpu.memory_space<vmem>> -> memref<1x80x128xf32, #tpu.memory_space<vmem>>
    %dma_start3A_421 = tpu.memref_squeeze %dma_start3A_420 : memref<1x80x128xf32, #tpu.memory_space<vmem>> -> memref<80x128xf32, #tpu.memory_space<vmem>>
    %dma_start3A_422 = arith.constant 0 : i32
    %dma_start3A_423 = tpu.memref_slice %arg6[%dma_start3A_416, %dma_start3A_422] : memref<25x80xi32, #tpu.memory_space<vmem>> -> memref<1x80xi32, #tpu.memory_space<vmem>>
    %dma_start3A_424 = tpu.memref_squeeze %dma_start3A_423 : memref<1x80xi32, #tpu.memory_space<vmem>> -> memref<80xi32, #tpu.memory_space<vmem>>
    %dma_start3A_425 = arith.constant 0 : i32
    %dma_start3A_426 = arith.constant 0 : i32
    %dma_start3A_427 = tpu.memref_slice %arg2[%dma_start3A_425, %dma_start3A_426] : memref<10000x128xf32, #tpu.memory_space<hbm>> -> memref<10000x128xf32, #tpu.memory_space<hbm>>
    tpu.enqueue_indirect_dma source(%dma_start3A_427 : memref<10000x128xf32, #tpu.memory_space<hbm>>) target(%dma_start3A_421 : memref<80x128xf32, #tpu.memory_space<vmem>>) offsets(%dma_start3A_424 : memref<80xi32, #tpu.memory_space<vmem>>) semaphore(%arg10 : memref<!tpu.dma_semaphore, #tpu.memory_space<semaphore_mem>>)
    %dma_wait3A_428 = arith.constant 23 : i32
    %dma_wait3A_429 = arith.constant 1 : i32
    %dma_wait3A_430 = arith.constant 0 : i32
    %dma_wait3A_431 = arith.constant 0 : i32
    %dma_wait3A_432 = tpu.memref_slice %arg8[%dma_wait3A_429, %dma_wait3A_430, %dma_wait3A_431] : memref<2x80x128xf32, #tpu.memory_space<vmem>> -> memref<1x80x128xf32, #tpu.memory_space<vmem>>
    %dma_wait3A_433 = tpu.memref_squeeze %dma_wait3A_432 : memref<1x80x128xf32, #tpu.memory_space<vmem>> -> memref<80x128xf32, #tpu.memory_space<vmem>>
    %dma_wait3A_434 = arith.constant 0 : i32
    %dma_wait3A_435 = tpu.memref_slice %arg6[%dma_wait3A_428, %dma_wait3A_434] : memref<25x80xi32, #tpu.memory_space<vmem>> -> memref<1x80xi32, #tpu.memory_space<vmem>>
    %dma_wait3A_436 = tpu.memref_squeeze %dma_wait3A_435 : memref<1x80xi32, #tpu.memory_space<vmem>> -> memref<80xi32, #tpu.memory_space<vmem>>
    %dma_wait3A_437 = arith.constant 0 : i32
    %dma_wait3A_438 = arith.constant 0 : i32
    %dma_wait3A_439 = tpu.memref_slice %arg2[%dma_wait3A_437, %dma_wait3A_438] : memref<10000x128xf32, #tpu.memory_space<hbm>> -> memref<10000x128xf32, #tpu.memory_space<hbm>>
    tpu.wait_indirect_dma semaphore(%arg11 : memref<!tpu.dma_semaphore, #tpu.memory_space<semaphore_mem>>) src(%dma_wait3A_439 : memref<10000x128xf32, #tpu.memory_space<hbm>>) dst(%dma_wait3A_433 : memref<80x128xf32, #tpu.memory_space<vmem>>)
    %dma_start3A_440 = arith.constant 1 : i32
    %dma_start3A_441 = arith.constant 23 : i32
    %dma_start3A_442 = arith.constant 0 : i32
    %dma_start3A_443 = arith.constant 0 : i32
    %dma_start3A_444 = tpu.memref_slice %arg8[%dma_start3A_440, %dma_start3A_442, %dma_start3A_443] : memref<2x80x128xf32, #tpu.memory_space<vmem>> -> memref<1x80x128xf32, #tpu.memory_space<vmem>>
    %dma_start3A_445 = tpu.memref_squeeze %dma_start3A_444 : memref<1x80x128xf32, #tpu.memory_space<vmem>> -> memref<80x128xf32, #tpu.memory_space<vmem>>
    %dma_start3A_446 = arith.constant 0 : i32
    %dma_start3A_447 = tpu.memref_slice %arg7[%dma_start3A_441, %dma_start3A_446] : memref<25x80xi32, #tpu.memory_space<vmem>> -> memref<1x80xi32, #tpu.memory_space<vmem>>
    %dma_start3A_448 = tpu.memref_squeeze %dma_start3A_447 : memref<1x80xi32, #tpu.memory_space<vmem>> -> memref<80xi32, #tpu.memory_space<vmem>>
    %dma_start3A_449 = arith.constant 0 : i32
    %dma_start3A_450 = arith.constant 0 : i32
    %dma_start3A_451 = tpu.memref_slice %arg9[%dma_start3A_449, %dma_start3A_450] : memref<10240x128xf32, #tpu.memory_space<vmem_shared>> -> memref<10240x128xf32, #tpu.memory_space<vmem_shared>>
    tpu.enqueue_indirect_dma source(%dma_start3A_445 : memref<80x128xf32, #tpu.memory_space<vmem>>) target(%dma_start3A_451 : memref<10240x128xf32, #tpu.memory_space<vmem_shared>>) offsets(%dma_start3A_448 : memref<80xi32, #tpu.memory_space<vmem>>) semaphore(%arg12 : memref<!tpu.dma_semaphore, #tpu.memory_space<semaphore_mem>>) {add = true}
    %dma_wait3A_452 = arith.constant 1 : i32
    %dma_wait3A_453 = arith.constant 23 : i32
    %dma_wait3A_454 = arith.constant 0 : i32
    %dma_wait3A_455 = arith.constant 0 : i32
    %dma_wait3A_456 = tpu.memref_slice %arg8[%dma_wait3A_452, %dma_wait3A_454, %dma_wait3A_455] : memref<2x80x128xf32, #tpu.memory_space<vmem>> -> memref<1x80x128xf32, #tpu.memory_space<vmem>>
    %dma_wait3A_457 = tpu.memref_squeeze %dma_wait3A_456 : memref<1x80x128xf32, #tpu.memory_space<vmem>> -> memref<80x128xf32, #tpu.memory_space<vmem>>
    %dma_wait3A_458 = arith.constant 0 : i32
    %dma_wait3A_459 = tpu.memref_slice %arg7[%dma_wait3A_453, %dma_wait3A_458] : memref<25x80xi32, #tpu.memory_space<vmem>> -> memref<1x80xi32, #tpu.memory_space<vmem>>
    %dma_wait3A_460 = tpu.memref_squeeze %dma_wait3A_459 : memref<1x80xi32, #tpu.memory_space<vmem>> -> memref<80xi32, #tpu.memory_space<vmem>>
    %dma_wait3A_461 = arith.constant 0 : i32
    %dma_wait3A_462 = arith.constant 0 : i32
    %dma_wait3A_463 = tpu.memref_slice %arg9[%dma_wait3A_461, %dma_wait3A_462] : memref<10240x128xf32, #tpu.memory_space<vmem_shared>> -> memref<10240x128xf32, #tpu.memory_space<vmem_shared>>
    tpu.wait_indirect_dma semaphore(%arg12 : memref<!tpu.dma_semaphore, #tpu.memory_space<semaphore_mem>>) src(%dma_wait3A_457 : memref<80x128xf32, #tpu.memory_space<vmem>>) dst(%dma_wait3A_463 : memref<10240x128xf32, #tpu.memory_space<vmem_shared>>)
    %dma_wait3A_464 = arith.constant 24 : i32
    %dma_wait3A_465 = arith.constant 0 : i32
    %dma_wait3A_466 = arith.constant 0 : i32
    %dma_wait3A_467 = arith.constant 0 : i32
    %dma_wait3A_468 = tpu.memref_slice %arg8[%dma_wait3A_465, %dma_wait3A_466, %dma_wait3A_467] : memref<2x80x128xf32, #tpu.memory_space<vmem>> -> memref<1x80x128xf32, #tpu.memory_space<vmem>>
    %dma_wait3A_469 = tpu.memref_squeeze %dma_wait3A_468 : memref<1x80x128xf32, #tpu.memory_space<vmem>> -> memref<80x128xf32, #tpu.memory_space<vmem>>
    %dma_wait3A_470 = arith.constant 0 : i32
    %dma_wait3A_471 = tpu.memref_slice %arg6[%dma_wait3A_464, %dma_wait3A_470] : memref<25x80xi32, #tpu.memory_space<vmem>> -> memref<1x80xi32, #tpu.memory_space<vmem>>
    %dma_wait3A_472 = tpu.memref_squeeze %dma_wait3A_471 : memref<1x80xi32, #tpu.memory_space<vmem>> -> memref<80xi32, #tpu.memory_space<vmem>>
    %dma_wait3A_473 = arith.constant 0 : i32
    %dma_wait3A_474 = arith.constant 0 : i32
    %dma_wait3A_475 = tpu.memref_slice %arg2[%dma_wait3A_473, %dma_wait3A_474] : memref<10000x128xf32, #tpu.memory_space<hbm>> -> memref<10000x128xf32, #tpu.memory_space<hbm>>
    tpu.wait_indirect_dma semaphore(%arg10 : memref<!tpu.dma_semaphore, #tpu.memory_space<semaphore_mem>>) src(%dma_wait3A_475 : memref<10000x128xf32, #tpu.memory_space<hbm>>) dst(%dma_wait3A_469 : memref<80x128xf32, #tpu.memory_space<vmem>>)
    %dma_start3A_476 = arith.constant 0 : i32
    %dma_start3A_477 = arith.constant 24 : i32
    %dma_start3A_478 = arith.constant 0 : i32
    %dma_start3A_479 = arith.constant 0 : i32
    %dma_start3A_480 = tpu.memref_slice %arg8[%dma_start3A_476, %dma_start3A_478, %dma_start3A_479] : memref<2x80x128xf32, #tpu.memory_space<vmem>> -> memref<1x80x128xf32, #tpu.memory_space<vmem>>
    %dma_start3A_481 = tpu.memref_squeeze %dma_start3A_480 : memref<1x80x128xf32, #tpu.memory_space<vmem>> -> memref<80x128xf32, #tpu.memory_space<vmem>>
    %dma_start3A_482 = arith.constant 0 : i32
    %dma_start3A_483 = tpu.memref_slice %arg7[%dma_start3A_477, %dma_start3A_482] : memref<25x80xi32, #tpu.memory_space<vmem>> -> memref<1x80xi32, #tpu.memory_space<vmem>>
    %dma_start3A_484 = tpu.memref_squeeze %dma_start3A_483 : memref<1x80xi32, #tpu.memory_space<vmem>> -> memref<80xi32, #tpu.memory_space<vmem>>
    %dma_start3A_485 = arith.constant 0 : i32
    %dma_start3A_486 = arith.constant 0 : i32
    %dma_start3A_487 = tpu.memref_slice %arg9[%dma_start3A_485, %dma_start3A_486] : memref<10240x128xf32, #tpu.memory_space<vmem_shared>> -> memref<10240x128xf32, #tpu.memory_space<vmem_shared>>
    tpu.enqueue_indirect_dma source(%dma_start3A_481 : memref<80x128xf32, #tpu.memory_space<vmem>>) target(%dma_start3A_487 : memref<10240x128xf32, #tpu.memory_space<vmem_shared>>) offsets(%dma_start3A_484 : memref<80xi32, #tpu.memory_space<vmem>>) semaphore(%arg12 : memref<!tpu.dma_semaphore, #tpu.memory_space<semaphore_mem>>) {add = true}
    %dma_wait3A_488 = arith.constant 0 : i32
    %dma_wait3A_489 = arith.constant 24 : i32
    %dma_wait3A_490 = arith.constant 0 : i32
    %dma_wait3A_491 = arith.constant 0 : i32
    %dma_wait3A_492 = tpu.memref_slice %arg8[%dma_wait3A_488, %dma_wait3A_490, %dma_wait3A_491] : memref<2x80x128xf32, #tpu.memory_space<vmem>> -> memref<1x80x128xf32, #tpu.memory_space<vmem>>
    %dma_wait3A_493 = tpu.memref_squeeze %dma_wait3A_492 : memref<1x80x128xf32, #tpu.memory_space<vmem>> -> memref<80x128xf32, #tpu.memory_space<vmem>>
    %dma_wait3A_494 = arith.constant 0 : i32
    %dma_wait3A_495 = tpu.memref_slice %arg7[%dma_wait3A_489, %dma_wait3A_494] : memref<25x80xi32, #tpu.memory_space<vmem>> -> memref<1x80xi32, #tpu.memory_space<vmem>>
    %dma_wait3A_496 = tpu.memref_squeeze %dma_wait3A_495 : memref<1x80xi32, #tpu.memory_space<vmem>> -> memref<80xi32, #tpu.memory_space<vmem>>
    %dma_wait3A_497 = arith.constant 0 : i32
    %dma_wait3A_498 = arith.constant 0 : i32
    %dma_wait3A_499 = tpu.memref_slice %arg9[%dma_wait3A_497, %dma_wait3A_498] : memref<10240x128xf32, #tpu.memory_space<vmem_shared>> -> memref<10240x128xf32, #tpu.memory_space<vmem_shared>>
    tpu.wait_indirect_dma semaphore(%arg12 : memref<!tpu.dma_semaphore, #tpu.memory_space<semaphore_mem>>) src(%dma_wait3A_493 : memref<80x128xf32, #tpu.memory_space<vmem>>) dst(%dma_wait3A_499 : memref<10240x128xf32, #tpu.memory_space<vmem_shared>>)
    %run_scoped3A_500 = arith.constant 3 : i32
    "tpu.region"() ({
      %run_scoped3A_809 = tpu.sem_alloc : memref<!tpu.dma_semaphore, #tpu.memory_space<semaphore_mem>>
      %dma_start3A_810 = arith.constant 0 : i32
      %dma_start3A_811 = arith.constant 0 : i32
      %dma_start3A_812 = tpu.memref_slice %arg3[%add3A, %run_scoped3A_500, %dma_start3A_810, %dma_start3A_811] : memref<32x5x25x80xi32, #tpu.memory_space<hbm>> -> memref<1x1x25x80xi32, #tpu.memory_space<hbm>>
      %dma_start3A_813 = tpu.memref_squeeze %dma_start3A_812 : memref<1x1x25x80xi32, #tpu.memory_space<hbm>> -> memref<25x80xi32, #tpu.memory_space<hbm>>
      %dma_start3A_814 = arith.constant 0 : i32
      %dma_start3A_815 = arith.constant 0 : i32
      %dma_start3A_816 = tpu.memref_slice %arg3[%add3A, %run_scoped3A_500, %dma_start3A_814, %dma_start3A_815] : memref<32x5x25x80xi32, #tpu.memory_space<hbm>> -> memref<1x1x25x80xi32, #tpu.memory_space<hbm>>
      %dma_start3A_817 = tpu.memref_squeeze %dma_start3A_816 : memref<1x1x25x80xi32, #tpu.memory_space<hbm>> -> memref<25x80xi32, #tpu.memory_space<hbm>>
      tpu.enqueue_dma source(%dma_start3A_817 : memref<25x80xi32, #tpu.memory_space<hbm>>) target(%arg6 : memref<25x80xi32, #tpu.memory_space<vmem>>) target_semaphore(%run_scoped3A_809 : memref<!tpu.dma_semaphore, #tpu.memory_space<semaphore_mem>>)
      %dma_wait3A_818 = arith.constant 0 : i32
      %dma_wait3A_819 = arith.constant 0 : i32
      %dma_wait3A_820 = tpu.memref_slice %arg3[%add3A, %run_scoped3A_500, %dma_wait3A_818, %dma_wait3A_819] : memref<32x5x25x80xi32, #tpu.memory_space<hbm>> -> memref<1x1x25x80xi32, #tpu.memory_space<hbm>>
      %dma_wait3A_821 = tpu.memref_squeeze %dma_wait3A_820 : memref<1x1x25x80xi32, #tpu.memory_space<hbm>> -> memref<25x80xi32, #tpu.memory_space<hbm>>
      %dma_wait3A_822 = arith.constant 0 : i32
      %dma_wait3A_823 = arith.constant 0 : i32
      %dma_wait3A_824 = tpu.memref_slice %arg3[%add3A, %run_scoped3A_500, %dma_wait3A_822, %dma_wait3A_823] : memref<32x5x25x80xi32, #tpu.memory_space<hbm>> -> memref<1x1x25x80xi32, #tpu.memory_space<hbm>>
      %dma_wait3A_825 = tpu.memref_squeeze %dma_wait3A_824 : memref<1x1x25x80xi32, #tpu.memory_space<hbm>> -> memref<25x80xi32, #tpu.memory_space<hbm>>
      tpu.wait_dma2 semaphore(%run_scoped3A_809 : memref<!tpu.dma_semaphore, #tpu.memory_space<semaphore_mem>>) src(%dma_wait3A_825 : memref<25x80xi32, #tpu.memory_space<hbm>>) dst(%arg6 : memref<25x80xi32, #tpu.memory_space<vmem>>)
      tpu.yield
    }) : () -> ()
    %run_scoped3A_501 = arith.constant 3 : i32
    "tpu.region"() ({
      %run_scoped3A_809 = tpu.sem_alloc : memref<!tpu.dma_semaphore, #tpu.memory_space<semaphore_mem>>
      %dma_start3A_810 = arith.constant 0 : i32
      %dma_start3A_811 = arith.constant 0 : i32
      %dma_start3A_812 = tpu.memref_slice %arg4[%add3A, %run_scoped3A_501, %dma_start3A_810, %dma_start3A_811] : memref<32x5x25x80xi32, #tpu.memory_space<hbm>> -> memref<1x1x25x80xi32, #tpu.memory_space<hbm>>
      %dma_start3A_813 = tpu.memref_squeeze %dma_start3A_812 : memref<1x1x25x80xi32, #tpu.memory_space<hbm>> -> memref<25x80xi32, #tpu.memory_space<hbm>>
      %dma_start3A_814 = arith.constant 0 : i32
      %dma_start3A_815 = arith.constant 0 : i32
      %dma_start3A_816 = tpu.memref_slice %arg4[%add3A, %run_scoped3A_501, %dma_start3A_814, %dma_start3A_815] : memref<32x5x25x80xi32, #tpu.memory_space<hbm>> -> memref<1x1x25x80xi32, #tpu.memory_space<hbm>>
      %dma_start3A_817 = tpu.memref_squeeze %dma_start3A_816 : memref<1x1x25x80xi32, #tpu.memory_space<hbm>> -> memref<25x80xi32, #tpu.memory_space<hbm>>
      tpu.enqueue_dma source(%dma_start3A_817 : memref<25x80xi32, #tpu.memory_space<hbm>>) target(%arg7 : memref<25x80xi32, #tpu.memory_space<vmem>>) target_semaphore(%run_scoped3A_809 : memref<!tpu.dma_semaphore, #tpu.memory_space<semaphore_mem>>)
      %dma_wait3A_818 = arith.constant 0 : i32
      %dma_wait3A_819 = arith.constant 0 : i32
      %dma_wait3A_820 = tpu.memref_slice %arg4[%add3A, %run_scoped3A_501, %dma_wait3A_818, %dma_wait3A_819] : memref<32x5x25x80xi32, #tpu.memory_space<hbm>> -> memref<1x1x25x80xi32, #tpu.memory_space<hbm>>
      %dma_wait3A_821 = tpu.memref_squeeze %dma_wait3A_820 : memref<1x1x25x80xi32, #tpu.memory_space<hbm>> -> memref<25x80xi32, #tpu.memory_space<hbm>>
      %dma_wait3A_822 = arith.constant 0 : i32
      %dma_wait3A_823 = arith.constant 0 : i32
      %dma_wait3A_824 = tpu.memref_slice %arg4[%add3A, %run_scoped3A_501, %dma_wait3A_822, %dma_wait3A_823] : memref<32x5x25x80xi32, #tpu.memory_space<hbm>> -> memref<1x1x25x80xi32, #tpu.memory_space<hbm>>
      %dma_wait3A_825 = tpu.memref_squeeze %dma_wait3A_824 : memref<1x1x25x80xi32, #tpu.memory_space<hbm>> -> memref<25x80xi32, #tpu.memory_space<hbm>>
      tpu.wait_dma2 semaphore(%run_scoped3A_809 : memref<!tpu.dma_semaphore, #tpu.memory_space<semaphore_mem>>) src(%dma_wait3A_825 : memref<25x80xi32, #tpu.memory_space<hbm>>) dst(%arg7 : memref<25x80xi32, #tpu.memory_space<vmem>>)
      tpu.yield
    }) : () -> ()
    %dma_start3A_502 = arith.constant 0 : i32
    %dma_start3A_503 = arith.constant 0 : i32
    %dma_start3A_504 = arith.constant 0 : i32
    %dma_start3A_505 = arith.constant 0 : i32
    %dma_start3A_506 = tpu.memref_slice %arg8[%dma_start3A_503, %dma_start3A_504, %dma_start3A_505] : memref<2x80x128xf32, #tpu.memory_space<vmem>> -> memref<1x80x128xf32, #tpu.memory_space<vmem>>
    %dma_start3A_507 = tpu.memref_squeeze %dma_start3A_506 : memref<1x80x128xf32, #tpu.memory_space<vmem>> -> memref<80x128xf32, #tpu.memory_space<vmem>>
    %dma_start3A_508 = arith.constant 0 : i32
    %dma_start3A_509 = tpu.memref_slice %arg6[%dma_start3A_502, %dma_start3A_508] : memref<25x80xi32, #tpu.memory_space<vmem>> -> memref<1x80xi32, #tpu.memory_space<vmem>>
    %dma_start3A_510 = tpu.memref_squeeze %dma_start3A_509 : memref<1x80xi32, #tpu.memory_space<vmem>> -> memref<80xi32, #tpu.memory_space<vmem>>
    %dma_start3A_511 = arith.constant 0 : i32
    %dma_start3A_512 = arith.constant 0 : i32
    %dma_start3A_513 = tpu.memref_slice %arg2[%dma_start3A_511, %dma_start3A_512] : memref<10000x128xf32, #tpu.memory_space<hbm>> -> memref<10000x128xf32, #tpu.memory_space<hbm>>
    tpu.enqueue_indirect_dma source(%dma_start3A_513 : memref<10000x128xf32, #tpu.memory_space<hbm>>) target(%dma_start3A_507 : memref<80x128xf32, #tpu.memory_space<vmem>>) offsets(%dma_start3A_510 : memref<80xi32, #tpu.memory_space<vmem>>) semaphore(%arg10 : memref<!tpu.dma_semaphore, #tpu.memory_space<semaphore_mem>>)
    %dma_start3A_514 = arith.constant 1 : i32
    %dma_start3A_515 = arith.constant 1 : i32
    %dma_start3A_516 = arith.constant 0 : i32
    %dma_start3A_517 = arith.constant 0 : i32
    %dma_start3A_518 = tpu.memref_slice %arg8[%dma_start3A_515, %dma_start3A_516, %dma_start3A_517] : memref<2x80x128xf32, #tpu.memory_space<vmem>> -> memref<1x80x128xf32, #tpu.memory_space<vmem>>
    %dma_start3A_519 = tpu.memref_squeeze %dma_start3A_518 : memref<1x80x128xf32, #tpu.memory_space<vmem>> -> memref<80x128xf32, #tpu.memory_space<vmem>>
    %dma_start3A_520 = arith.constant 0 : i32
    %dma_start3A_521 = tpu.memref_slice %arg6[%dma_start3A_514, %dma_start3A_520] : memref<25x80xi32, #tpu.memory_space<vmem>> -> memref<1x80xi32, #tpu.memory_space<vmem>>
    %dma_start3A_522 = tpu.memref_squeeze %dma_start3A_521 : memref<1x80xi32, #tpu.memory_space<vmem>> -> memref<80xi32, #tpu.memory_space<vmem>>
    %dma_start3A_523 = arith.constant 0 : i32
    %dma_start3A_524 = arith.constant 0 : i32
    %dma_start3A_525 = tpu.memref_slice %arg2[%dma_start3A_523, %dma_start3A_524] : memref<10000x128xf32, #tpu.memory_space<hbm>> -> memref<10000x128xf32, #tpu.memory_space<hbm>>
    tpu.enqueue_indirect_dma source(%dma_start3A_525 : memref<10000x128xf32, #tpu.memory_space<hbm>>) target(%dma_start3A_519 : memref<80x128xf32, #tpu.memory_space<vmem>>) offsets(%dma_start3A_522 : memref<80xi32, #tpu.memory_space<vmem>>) semaphore(%arg11 : memref<!tpu.dma_semaphore, #tpu.memory_space<semaphore_mem>>)
    %scan3A_526 = arith.constant 0 : i32
    %scan3A_527 = arith.constant 0 : i32
    %scan3A_528 = arith.constant 11 : i32
    %scan3A_529 = arith.addi %scan3A_527, %scan3A_528 : i32
    %scan3A_530 = arith.constant 1 : i32
    scf.for %scan3A_809 = %scan3A_527 to %scan3A_529 step %scan3A_530  : i32 {
      %mul3A_810 = arith.constant 2 : i32
      %mul3A_811 = arith.muli %scan3A_809, %mul3A_810 : i32
      %add3A_812 = arith.constant 0 : i32
      %add3A_813 = arith.addi %mul3A_811, %add3A_812 : i32
      %dma_wait3A_814 = arith.constant 0 : i32
      %dma_wait3A_815 = arith.constant 0 : i32
      %dma_wait3A_816 = arith.constant 0 : i32
      %dma_wait3A_817 = tpu.memref_slice %arg8[%dma_wait3A_814, %dma_wait3A_815, %dma_wait3A_816] : memref<2x80x128xf32, #tpu.memory_space<vmem>> -> memref<1x80x128xf32, #tpu.memory_space<vmem>>
      %dma_wait3A_818 = tpu.memref_squeeze %dma_wait3A_817 : memref<1x80x128xf32, #tpu.memory_space<vmem>> -> memref<80x128xf32, #tpu.memory_space<vmem>>
      %dma_wait3A_819 = arith.constant 0 : i32
      %dma_wait3A_820 = tpu.memref_slice %arg6[%add3A_813, %dma_wait3A_819] : memref<25x80xi32, #tpu.memory_space<vmem>> -> memref<1x80xi32, #tpu.memory_space<vmem>>
      %dma_wait3A_821 = tpu.memref_squeeze %dma_wait3A_820 : memref<1x80xi32, #tpu.memory_space<vmem>> -> memref<80xi32, #tpu.memory_space<vmem>>
      %dma_wait3A_822 = arith.constant 0 : i32
      %dma_wait3A_823 = arith.constant 0 : i32
      %dma_wait3A_824 = tpu.memref_slice %arg2[%dma_wait3A_822, %dma_wait3A_823] : memref<10000x128xf32, #tpu.memory_space<hbm>> -> memref<10000x128xf32, #tpu.memory_space<hbm>>
      tpu.wait_indirect_dma semaphore(%arg10 : memref<!tpu.dma_semaphore, #tpu.memory_space<semaphore_mem>>) src(%dma_wait3A_824 : memref<10000x128xf32, #tpu.memory_space<hbm>>) dst(%dma_wait3A_818 : memref<80x128xf32, #tpu.memory_space<vmem>>)
      %add3A_825 = arith.constant 0 : i32
      %add3A_826 = arith.addi %mul3A_811, %add3A_825 : i32
      %dma_start3A_827 = arith.constant 0 : i32
      %dma_start3A_828 = arith.constant 0 : i32
      %dma_start3A_829 = arith.constant 0 : i32
      %dma_start3A_830 = tpu.memref_slice %arg8[%dma_start3A_827, %dma_start3A_828, %dma_start3A_829] : memref<2x80x128xf32, #tpu.memory_space<vmem>> -> memref<1x80x128xf32, #tpu.memory_space<vmem>>
      %dma_start3A_831 = tpu.memref_squeeze %dma_start3A_830 : memref<1x80x128xf32, #tpu.memory_space<vmem>> -> memref<80x128xf32, #tpu.memory_space<vmem>>
      %dma_start3A_832 = arith.constant 0 : i32
      %dma_start3A_833 = tpu.memref_slice %arg7[%add3A_826, %dma_start3A_832] : memref<25x80xi32, #tpu.memory_space<vmem>> -> memref<1x80xi32, #tpu.memory_space<vmem>>
      %dma_start3A_834 = tpu.memref_squeeze %dma_start3A_833 : memref<1x80xi32, #tpu.memory_space<vmem>> -> memref<80xi32, #tpu.memory_space<vmem>>
      %dma_start3A_835 = arith.constant 0 : i32
      %dma_start3A_836 = arith.constant 0 : i32
      %dma_start3A_837 = tpu.memref_slice %arg9[%dma_start3A_835, %dma_start3A_836] : memref<10240x128xf32, #tpu.memory_space<vmem_shared>> -> memref<10240x128xf32, #tpu.memory_space<vmem_shared>>
      tpu.enqueue_indirect_dma source(%dma_start3A_831 : memref<80x128xf32, #tpu.memory_space<vmem>>) target(%dma_start3A_837 : memref<10240x128xf32, #tpu.memory_space<vmem_shared>>) offsets(%dma_start3A_834 : memref<80xi32, #tpu.memory_space<vmem>>) semaphore(%arg12 : memref<!tpu.dma_semaphore, #tpu.memory_space<semaphore_mem>>) {add = true}
      %dma_wait3A_838 = arith.constant 0 : i32
      %dma_wait3A_839 = arith.constant 0 : i32
      %dma_wait3A_840 = arith.constant 0 : i32
      %dma_wait3A_841 = tpu.memref_slice %arg8[%dma_wait3A_838, %dma_wait3A_839, %dma_wait3A_840] : memref<2x80x128xf32, #tpu.memory_space<vmem>> -> memref<1x80x128xf32, #tpu.memory_space<vmem>>
      %dma_wait3A_842 = tpu.memref_squeeze %dma_wait3A_841 : memref<1x80x128xf32, #tpu.memory_space<vmem>> -> memref<80x128xf32, #tpu.memory_space<vmem>>
      %dma_wait3A_843 = arith.constant 0 : i32
      %dma_wait3A_844 = tpu.memref_slice %arg7[%add3A_826, %dma_wait3A_843] : memref<25x80xi32, #tpu.memory_space<vmem>> -> memref<1x80xi32, #tpu.memory_space<vmem>>
      %dma_wait3A_845 = tpu.memref_squeeze %dma_wait3A_844 : memref<1x80xi32, #tpu.memory_space<vmem>> -> memref<80xi32, #tpu.memory_space<vmem>>
      %dma_wait3A_846 = arith.constant 0 : i32
      %dma_wait3A_847 = arith.constant 0 : i32
      %dma_wait3A_848 = tpu.memref_slice %arg9[%dma_wait3A_846, %dma_wait3A_847] : memref<10240x128xf32, #tpu.memory_space<vmem_shared>> -> memref<10240x128xf32, #tpu.memory_space<vmem_shared>>
      tpu.wait_indirect_dma semaphore(%arg12 : memref<!tpu.dma_semaphore, #tpu.memory_space<semaphore_mem>>) src(%dma_wait3A_842 : memref<80x128xf32, #tpu.memory_space<vmem>>) dst(%dma_wait3A_848 : memref<10240x128xf32, #tpu.memory_space<vmem_shared>>)
      %add3A_849 = arith.constant 0 : i32
      %add3A_850 = arith.addi %mul3A_811, %add3A_849 : i32
      %add3A_851 = arith.constant 2 : i32
      %add3A_852 = arith.addi %add3A_850, %add3A_851 : i32
      %dma_start3A_853 = arith.constant 0 : i32
      %dma_start3A_854 = arith.constant 0 : i32
      %dma_start3A_855 = arith.constant 0 : i32
      %dma_start3A_856 = tpu.memref_slice %arg8[%dma_start3A_853, %dma_start3A_854, %dma_start3A_855] : memref<2x80x128xf32, #tpu.memory_space<vmem>> -> memref<1x80x128xf32, #tpu.memory_space<vmem>>
      %dma_start3A_857 = tpu.memref_squeeze %dma_start3A_856 : memref<1x80x128xf32, #tpu.memory_space<vmem>> -> memref<80x128xf32, #tpu.memory_space<vmem>>
      %dma_start3A_858 = arith.constant 0 : i32
      %dma_start3A_859 = tpu.memref_slice %arg6[%add3A_852, %dma_start3A_858] : memref<25x80xi32, #tpu.memory_space<vmem>> -> memref<1x80xi32, #tpu.memory_space<vmem>>
      %dma_start3A_860 = tpu.memref_squeeze %dma_start3A_859 : memref<1x80xi32, #tpu.memory_space<vmem>> -> memref<80xi32, #tpu.memory_space<vmem>>
      %dma_start3A_861 = arith.constant 0 : i32
      %dma_start3A_862 = arith.constant 0 : i32
      %dma_start3A_863 = tpu.memref_slice %arg2[%dma_start3A_861, %dma_start3A_862] : memref<10000x128xf32, #tpu.memory_space<hbm>> -> memref<10000x128xf32, #tpu.memory_space<hbm>>
      tpu.enqueue_indirect_dma source(%dma_start3A_863 : memref<10000x128xf32, #tpu.memory_space<hbm>>) target(%dma_start3A_857 : memref<80x128xf32, #tpu.memory_space<vmem>>) offsets(%dma_start3A_860 : memref<80xi32, #tpu.memory_space<vmem>>) semaphore(%arg10 : memref<!tpu.dma_semaphore, #tpu.memory_space<semaphore_mem>>)
      %add3A_864 = arith.constant 1 : i32
      %add3A_865 = arith.addi %mul3A_811, %add3A_864 : i32
      %dma_wait3A_866 = arith.constant 1 : i32
      %dma_wait3A_867 = arith.constant 0 : i32
      %dma_wait3A_868 = arith.constant 0 : i32
      %dma_wait3A_869 = tpu.memref_slice %arg8[%dma_wait3A_866, %dma_wait3A_867, %dma_wait3A_868] : memref<2x80x128xf32, #tpu.memory_space<vmem>> -> memref<1x80x128xf32, #tpu.memory_space<vmem>>
      %dma_wait3A_870 = tpu.memref_squeeze %dma_wait3A_869 : memref<1x80x128xf32, #tpu.memory_space<vmem>> -> memref<80x128xf32, #tpu.memory_space<vmem>>
      %dma_wait3A_871 = arith.constant 0 : i32
      %dma_wait3A_872 = tpu.memref_slice %arg6[%add3A_865, %dma_wait3A_871] : memref<25x80xi32, #tpu.memory_space<vmem>> -> memref<1x80xi32, #tpu.memory_space<vmem>>
      %dma_wait3A_873 = tpu.memref_squeeze %dma_wait3A_872 : memref<1x80xi32, #tpu.memory_space<vmem>> -> memref<80xi32, #tpu.memory_space<vmem>>
      %dma_wait3A_874 = arith.constant 0 : i32
      %dma_wait3A_875 = arith.constant 0 : i32
      %dma_wait3A_876 = tpu.memref_slice %arg2[%dma_wait3A_874, %dma_wait3A_875] : memref<10000x128xf32, #tpu.memory_space<hbm>> -> memref<10000x128xf32, #tpu.memory_space<hbm>>
      tpu.wait_indirect_dma semaphore(%arg11 : memref<!tpu.dma_semaphore, #tpu.memory_space<semaphore_mem>>) src(%dma_wait3A_876 : memref<10000x128xf32, #tpu.memory_space<hbm>>) dst(%dma_wait3A_870 : memref<80x128xf32, #tpu.memory_space<vmem>>)
      %add3A_877 = arith.constant 1 : i32
      %add3A_878 = arith.addi %mul3A_811, %add3A_877 : i32
      %dma_start3A_879 = arith.constant 1 : i32
      %dma_start3A_880 = arith.constant 0 : i32
      %dma_start3A_881 = arith.constant 0 : i32
      %dma_start3A_882 = tpu.memref_slice %arg8[%dma_start3A_879, %dma_start3A_880, %dma_start3A_881] : memref<2x80x128xf32, #tpu.memory_space<vmem>> -> memref<1x80x128xf32, #tpu.memory_space<vmem>>
      %dma_start3A_883 = tpu.memref_squeeze %dma_start3A_882 : memref<1x80x128xf32, #tpu.memory_space<vmem>> -> memref<80x128xf32, #tpu.memory_space<vmem>>
      %dma_start3A_884 = arith.constant 0 : i32
      %dma_start3A_885 = tpu.memref_slice %arg7[%add3A_878, %dma_start3A_884] : memref<25x80xi32, #tpu.memory_space<vmem>> -> memref<1x80xi32, #tpu.memory_space<vmem>>
      %dma_start3A_886 = tpu.memref_squeeze %dma_start3A_885 : memref<1x80xi32, #tpu.memory_space<vmem>> -> memref<80xi32, #tpu.memory_space<vmem>>
      %dma_start3A_887 = arith.constant 0 : i32
      %dma_start3A_888 = arith.constant 0 : i32
      %dma_start3A_889 = tpu.memref_slice %arg9[%dma_start3A_887, %dma_start3A_888] : memref<10240x128xf32, #tpu.memory_space<vmem_shared>> -> memref<10240x128xf32, #tpu.memory_space<vmem_shared>>
      tpu.enqueue_indirect_dma source(%dma_start3A_883 : memref<80x128xf32, #tpu.memory_space<vmem>>) target(%dma_start3A_889 : memref<10240x128xf32, #tpu.memory_space<vmem_shared>>) offsets(%dma_start3A_886 : memref<80xi32, #tpu.memory_space<vmem>>) semaphore(%arg12 : memref<!tpu.dma_semaphore, #tpu.memory_space<semaphore_mem>>) {add = true}
      %dma_wait3A_890 = arith.constant 1 : i32
      %dma_wait3A_891 = arith.constant 0 : i32
      %dma_wait3A_892 = arith.constant 0 : i32
      %dma_wait3A_893 = tpu.memref_slice %arg8[%dma_wait3A_890, %dma_wait3A_891, %dma_wait3A_892] : memref<2x80x128xf32, #tpu.memory_space<vmem>> -> memref<1x80x128xf32, #tpu.memory_space<vmem>>
      %dma_wait3A_894 = tpu.memref_squeeze %dma_wait3A_893 : memref<1x80x128xf32, #tpu.memory_space<vmem>> -> memref<80x128xf32, #tpu.memory_space<vmem>>
      %dma_wait3A_895 = arith.constant 0 : i32
      %dma_wait3A_896 = tpu.memref_slice %arg7[%add3A_878, %dma_wait3A_895] : memref<25x80xi32, #tpu.memory_space<vmem>> -> memref<1x80xi32, #tpu.memory_space<vmem>>
      %dma_wait3A_897 = tpu.memref_squeeze %dma_wait3A_896 : memref<1x80xi32, #tpu.memory_space<vmem>> -> memref<80xi32, #tpu.memory_space<vmem>>
      %dma_wait3A_898 = arith.constant 0 : i32
      %dma_wait3A_899 = arith.constant 0 : i32
      %dma_wait3A_900 = tpu.memref_slice %arg9[%dma_wait3A_898, %dma_wait3A_899] : memref<10240x128xf32, #tpu.memory_space<vmem_shared>> -> memref<10240x128xf32, #tpu.memory_space<vmem_shared>>
      tpu.wait_indirect_dma semaphore(%arg12 : memref<!tpu.dma_semaphore, #tpu.memory_space<semaphore_mem>>) src(%dma_wait3A_894 : memref<80x128xf32, #tpu.memory_space<vmem>>) dst(%dma_wait3A_900 : memref<10240x128xf32, #tpu.memory_space<vmem_shared>>)
      %add3A_901 = arith.constant 1 : i32
      %add3A_902 = arith.addi %mul3A_811, %add3A_901 : i32
      %add3A_903 = arith.constant 2 : i32
      %add3A_904 = arith.addi %add3A_902, %add3A_903 : i32
      %dma_start3A_905 = arith.constant 1 : i32
      %dma_start3A_906 = arith.constant 0 : i32
      %dma_start3A_907 = arith.constant 0 : i32
      %dma_start3A_908 = tpu.memref_slice %arg8[%dma_start3A_905, %dma_start3A_906, %dma_start3A_907] : memref<2x80x128xf32, #tpu.memory_space<vmem>> -> memref<1x80x128xf32, #tpu.memory_space<vmem>>
      %dma_start3A_909 = tpu.memref_squeeze %dma_start3A_908 : memref<1x80x128xf32, #tpu.memory_space<vmem>> -> memref<80x128xf32, #tpu.memory_space<vmem>>
      %dma_start3A_910 = arith.constant 0 : i32
      %dma_start3A_911 = tpu.memref_slice %arg6[%add3A_904, %dma_start3A_910] : memref<25x80xi32, #tpu.memory_space<vmem>> -> memref<1x80xi32, #tpu.memory_space<vmem>>
      %dma_start3A_912 = tpu.memref_squeeze %dma_start3A_911 : memref<1x80xi32, #tpu.memory_space<vmem>> -> memref<80xi32, #tpu.memory_space<vmem>>
      %dma_start3A_913 = arith.constant 0 : i32
      %dma_start3A_914 = arith.constant 0 : i32
      %dma_start3A_915 = tpu.memref_slice %arg2[%dma_start3A_913, %dma_start3A_914] : memref<10000x128xf32, #tpu.memory_space<hbm>> -> memref<10000x128xf32, #tpu.memory_space<hbm>>
      tpu.enqueue_indirect_dma source(%dma_start3A_915 : memref<10000x128xf32, #tpu.memory_space<hbm>>) target(%dma_start3A_909 : memref<80x128xf32, #tpu.memory_space<vmem>>) offsets(%dma_start3A_912 : memref<80xi32, #tpu.memory_space<vmem>>) semaphore(%arg11 : memref<!tpu.dma_semaphore, #tpu.memory_space<semaphore_mem>>)
    }
    %scan3A_531 = arith.constant 11 : i32
    %dma_wait3A_532 = arith.constant 22 : i32
    %dma_wait3A_533 = arith.constant 0 : i32
    %dma_wait3A_534 = arith.constant 0 : i32
    %dma_wait3A_535 = arith.constant 0 : i32
    %dma_wait3A_536 = tpu.memref_slice %arg8[%dma_wait3A_533, %dma_wait3A_534, %dma_wait3A_535] : memref<2x80x128xf32, #tpu.memory_space<vmem>> -> memref<1x80x128xf32, #tpu.memory_space<vmem>>
    %dma_wait3A_537 = tpu.memref_squeeze %dma_wait3A_536 : memref<1x80x128xf32, #tpu.memory_space<vmem>> -> memref<80x128xf32, #tpu.memory_space<vmem>>
    %dma_wait3A_538 = arith.constant 0 : i32
    %dma_wait3A_539 = tpu.memref_slice %arg6[%dma_wait3A_532, %dma_wait3A_538] : memref<25x80xi32, #tpu.memory_space<vmem>> -> memref<1x80xi32, #tpu.memory_space<vmem>>
    %dma_wait3A_540 = tpu.memref_squeeze %dma_wait3A_539 : memref<1x80xi32, #tpu.memory_space<vmem>> -> memref<80xi32, #tpu.memory_space<vmem>>
    %dma_wait3A_541 = arith.constant 0 : i32
    %dma_wait3A_542 = arith.constant 0 : i32
    %dma_wait3A_543 = tpu.memref_slice %arg2[%dma_wait3A_541, %dma_wait3A_542] : memref<10000x128xf32, #tpu.memory_space<hbm>> -> memref<10000x128xf32, #tpu.memory_space<hbm>>
    tpu.wait_indirect_dma semaphore(%arg10 : memref<!tpu.dma_semaphore, #tpu.memory_space<semaphore_mem>>) src(%dma_wait3A_543 : memref<10000x128xf32, #tpu.memory_space<hbm>>) dst(%dma_wait3A_537 : memref<80x128xf32, #tpu.memory_space<vmem>>)
    %dma_start3A_544 = arith.constant 0 : i32
    %dma_start3A_545 = arith.constant 22 : i32
    %dma_start3A_546 = arith.constant 0 : i32
    %dma_start3A_547 = arith.constant 0 : i32
    %dma_start3A_548 = tpu.memref_slice %arg8[%dma_start3A_544, %dma_start3A_546, %dma_start3A_547] : memref<2x80x128xf32, #tpu.memory_space<vmem>> -> memref<1x80x128xf32, #tpu.memory_space<vmem>>
    %dma_start3A_549 = tpu.memref_squeeze %dma_start3A_548 : memref<1x80x128xf32, #tpu.memory_space<vmem>> -> memref<80x128xf32, #tpu.memory_space<vmem>>
    %dma_start3A_550 = arith.constant 0 : i32
    %dma_start3A_551 = tpu.memref_slice %arg7[%dma_start3A_545, %dma_start3A_550] : memref<25x80xi32, #tpu.memory_space<vmem>> -> memref<1x80xi32, #tpu.memory_space<vmem>>
    %dma_start3A_552 = tpu.memref_squeeze %dma_start3A_551 : memref<1x80xi32, #tpu.memory_space<vmem>> -> memref<80xi32, #tpu.memory_space<vmem>>
    %dma_start3A_553 = arith.constant 0 : i32
    %dma_start3A_554 = arith.constant 0 : i32
    %dma_start3A_555 = tpu.memref_slice %arg9[%dma_start3A_553, %dma_start3A_554] : memref<10240x128xf32, #tpu.memory_space<vmem_shared>> -> memref<10240x128xf32, #tpu.memory_space<vmem_shared>>
    tpu.enqueue_indirect_dma source(%dma_start3A_549 : memref<80x128xf32, #tpu.memory_space<vmem>>) target(%dma_start3A_555 : memref<10240x128xf32, #tpu.memory_space<vmem_shared>>) offsets(%dma_start3A_552 : memref<80xi32, #tpu.memory_space<vmem>>) semaphore(%arg12 : memref<!tpu.dma_semaphore, #tpu.memory_space<semaphore_mem>>) {add = true}
    %dma_wait3A_556 = arith.constant 0 : i32
    %dma_wait3A_557 = arith.constant 22 : i32
    %dma_wait3A_558 = arith.constant 0 : i32
    %dma_wait3A_559 = arith.constant 0 : i32
    %dma_wait3A_560 = tpu.memref_slice %arg8[%dma_wait3A_556, %dma_wait3A_558, %dma_wait3A_559] : memref<2x80x128xf32, #tpu.memory_space<vmem>> -> memref<1x80x128xf32, #tpu.memory_space<vmem>>
    %dma_wait3A_561 = tpu.memref_squeeze %dma_wait3A_560 : memref<1x80x128xf32, #tpu.memory_space<vmem>> -> memref<80x128xf32, #tpu.memory_space<vmem>>
    %dma_wait3A_562 = arith.constant 0 : i32
    %dma_wait3A_563 = tpu.memref_slice %arg7[%dma_wait3A_557, %dma_wait3A_562] : memref<25x80xi32, #tpu.memory_space<vmem>> -> memref<1x80xi32, #tpu.memory_space<vmem>>
    %dma_wait3A_564 = tpu.memref_squeeze %dma_wait3A_563 : memref<1x80xi32, #tpu.memory_space<vmem>> -> memref<80xi32, #tpu.memory_space<vmem>>
    %dma_wait3A_565 = arith.constant 0 : i32
    %dma_wait3A_566 = arith.constant 0 : i32
    %dma_wait3A_567 = tpu.memref_slice %arg9[%dma_wait3A_565, %dma_wait3A_566] : memref<10240x128xf32, #tpu.memory_space<vmem_shared>> -> memref<10240x128xf32, #tpu.memory_space<vmem_shared>>
    tpu.wait_indirect_dma semaphore(%arg12 : memref<!tpu.dma_semaphore, #tpu.memory_space<semaphore_mem>>) src(%dma_wait3A_561 : memref<80x128xf32, #tpu.memory_space<vmem>>) dst(%dma_wait3A_567 : memref<10240x128xf32, #tpu.memory_space<vmem_shared>>)
    %dma_start3A_568 = arith.constant 24 : i32
    %dma_start3A_569 = arith.constant 0 : i32
    %dma_start3A_570 = arith.constant 0 : i32
    %dma_start3A_571 = arith.constant 0 : i32
    %dma_start3A_572 = tpu.memref_slice %arg8[%dma_start3A_569, %dma_start3A_570, %dma_start3A_571] : memref<2x80x128xf32, #tpu.memory_space<vmem>> -> memref<1x80x128xf32, #tpu.memory_space<vmem>>
    %dma_start3A_573 = tpu.memref_squeeze %dma_start3A_572 : memref<1x80x128xf32, #tpu.memory_space<vmem>> -> memref<80x128xf32, #tpu.memory_space<vmem>>
    %dma_start3A_574 = arith.constant 0 : i32
    %dma_start3A_575 = tpu.memref_slice %arg6[%dma_start3A_568, %dma_start3A_574] : memref<25x80xi32, #tpu.memory_space<vmem>> -> memref<1x80xi32, #tpu.memory_space<vmem>>
    %dma_start3A_576 = tpu.memref_squeeze %dma_start3A_575 : memref<1x80xi32, #tpu.memory_space<vmem>> -> memref<80xi32, #tpu.memory_space<vmem>>
    %dma_start3A_577 = arith.constant 0 : i32
    %dma_start3A_578 = arith.constant 0 : i32
    %dma_start3A_579 = tpu.memref_slice %arg2[%dma_start3A_577, %dma_start3A_578] : memref<10000x128xf32, #tpu.memory_space<hbm>> -> memref<10000x128xf32, #tpu.memory_space<hbm>>
    tpu.enqueue_indirect_dma source(%dma_start3A_579 : memref<10000x128xf32, #tpu.memory_space<hbm>>) target(%dma_start3A_573 : memref<80x128xf32, #tpu.memory_space<vmem>>) offsets(%dma_start3A_576 : memref<80xi32, #tpu.memory_space<vmem>>) semaphore(%arg10 : memref<!tpu.dma_semaphore, #tpu.memory_space<semaphore_mem>>)
    %dma_wait3A_580 = arith.constant 23 : i32
    %dma_wait3A_581 = arith.constant 1 : i32
    %dma_wait3A_582 = arith.constant 0 : i32
    %dma_wait3A_583 = arith.constant 0 : i32
    %dma_wait3A_584 = tpu.memref_slice %arg8[%dma_wait3A_581, %dma_wait3A_582, %dma_wait3A_583] : memref<2x80x128xf32, #tpu.memory_space<vmem>> -> memref<1x80x128xf32, #tpu.memory_space<vmem>>
    %dma_wait3A_585 = tpu.memref_squeeze %dma_wait3A_584 : memref<1x80x128xf32, #tpu.memory_space<vmem>> -> memref<80x128xf32, #tpu.memory_space<vmem>>
    %dma_wait3A_586 = arith.constant 0 : i32
    %dma_wait3A_587 = tpu.memref_slice %arg6[%dma_wait3A_580, %dma_wait3A_586] : memref<25x80xi32, #tpu.memory_space<vmem>> -> memref<1x80xi32, #tpu.memory_space<vmem>>
    %dma_wait3A_588 = tpu.memref_squeeze %dma_wait3A_587 : memref<1x80xi32, #tpu.memory_space<vmem>> -> memref<80xi32, #tpu.memory_space<vmem>>
    %dma_wait3A_589 = arith.constant 0 : i32
    %dma_wait3A_590 = arith.constant 0 : i32
    %dma_wait3A_591 = tpu.memref_slice %arg2[%dma_wait3A_589, %dma_wait3A_590] : memref<10000x128xf32, #tpu.memory_space<hbm>> -> memref<10000x128xf32, #tpu.memory_space<hbm>>
    tpu.wait_indirect_dma semaphore(%arg11 : memref<!tpu.dma_semaphore, #tpu.memory_space<semaphore_mem>>) src(%dma_wait3A_591 : memref<10000x128xf32, #tpu.memory_space<hbm>>) dst(%dma_wait3A_585 : memref<80x128xf32, #tpu.memory_space<vmem>>)
    %dma_start3A_592 = arith.constant 1 : i32
    %dma_start3A_593 = arith.constant 23 : i32
    %dma_start3A_594 = arith.constant 0 : i32
    %dma_start3A_595 = arith.constant 0 : i32
    %dma_start3A_596 = tpu.memref_slice %arg8[%dma_start3A_592, %dma_start3A_594, %dma_start3A_595] : memref<2x80x128xf32, #tpu.memory_space<vmem>> -> memref<1x80x128xf32, #tpu.memory_space<vmem>>
    %dma_start3A_597 = tpu.memref_squeeze %dma_start3A_596 : memref<1x80x128xf32, #tpu.memory_space<vmem>> -> memref<80x128xf32, #tpu.memory_space<vmem>>
    %dma_start3A_598 = arith.constant 0 : i32
    %dma_start3A_599 = tpu.memref_slice %arg7[%dma_start3A_593, %dma_start3A_598] : memref<25x80xi32, #tpu.memory_space<vmem>> -> memref<1x80xi32, #tpu.memory_space<vmem>>
    %dma_start3A_600 = tpu.memref_squeeze %dma_start3A_599 : memref<1x80xi32, #tpu.memory_space<vmem>> -> memref<80xi32, #tpu.memory_space<vmem>>
    %dma_start3A_601 = arith.constant 0 : i32
    %dma_start3A_602 = arith.constant 0 : i32
    %dma_start3A_603 = tpu.memref_slice %arg9[%dma_start3A_601, %dma_start3A_602] : memref<10240x128xf32, #tpu.memory_space<vmem_shared>> -> memref<10240x128xf32, #tpu.memory_space<vmem_shared>>
    tpu.enqueue_indirect_dma source(%dma_start3A_597 : memref<80x128xf32, #tpu.memory_space<vmem>>) target(%dma_start3A_603 : memref<10240x128xf32, #tpu.memory_space<vmem_shared>>) offsets(%dma_start3A_600 : memref<80xi32, #tpu.memory_space<vmem>>) semaphore(%arg12 : memref<!tpu.dma_semaphore, #tpu.memory_space<semaphore_mem>>) {add = true}
    %dma_wait3A_604 = arith.constant 1 : i32
    %dma_wait3A_605 = arith.constant 23 : i32
    %dma_wait3A_606 = arith.constant 0 : i32
    %dma_wait3A_607 = arith.constant 0 : i32
    %dma_wait3A_608 = tpu.memref_slice %arg8[%dma_wait3A_604, %dma_wait3A_606, %dma_wait3A_607] : memref<2x80x128xf32, #tpu.memory_space<vmem>> -> memref<1x80x128xf32, #tpu.memory_space<vmem>>
    %dma_wait3A_609 = tpu.memref_squeeze %dma_wait3A_608 : memref<1x80x128xf32, #tpu.memory_space<vmem>> -> memref<80x128xf32, #tpu.memory_space<vmem>>
    %dma_wait3A_610 = arith.constant 0 : i32
    %dma_wait3A_611 = tpu.memref_slice %arg7[%dma_wait3A_605, %dma_wait3A_610] : memref<25x80xi32, #tpu.memory_space<vmem>> -> memref<1x80xi32, #tpu.memory_space<vmem>>
    %dma_wait3A_612 = tpu.memref_squeeze %dma_wait3A_611 : memref<1x80xi32, #tpu.memory_space<vmem>> -> memref<80xi32, #tpu.memory_space<vmem>>
    %dma_wait3A_613 = arith.constant 0 : i32
    %dma_wait3A_614 = arith.constant 0 : i32
    %dma_wait3A_615 = tpu.memref_slice %arg9[%dma_wait3A_613, %dma_wait3A_614] : memref<10240x128xf32, #tpu.memory_space<vmem_shared>> -> memref<10240x128xf32, #tpu.memory_space<vmem_shared>>
    tpu.wait_indirect_dma semaphore(%arg12 : memref<!tpu.dma_semaphore, #tpu.memory_space<semaphore_mem>>) src(%dma_wait3A_609 : memref<80x128xf32, #tpu.memory_space<vmem>>) dst(%dma_wait3A_615 : memref<10240x128xf32, #tpu.memory_space<vmem_shared>>)
    %dma_wait3A_616 = arith.constant 24 : i32
    %dma_wait3A_617 = arith.constant 0 : i32
    %dma_wait3A_618 = arith.constant 0 : i32
    %dma_wait3A_619 = arith.constant 0 : i32
    %dma_wait3A_620 = tpu.memref_slice %arg8[%dma_wait3A_617, %dma_wait3A_618, %dma_wait3A_619] : memref<2x80x128xf32, #tpu.memory_space<vmem>> -> memref<1x80x128xf32, #tpu.memory_space<vmem>>
    %dma_wait3A_621 = tpu.memref_squeeze %dma_wait3A_620 : memref<1x80x128xf32, #tpu.memory_space<vmem>> -> memref<80x128xf32, #tpu.memory_space<vmem>>
    %dma_wait3A_622 = arith.constant 0 : i32
    %dma_wait3A_623 = tpu.memref_slice %arg6[%dma_wait3A_616, %dma_wait3A_622] : memref<25x80xi32, #tpu.memory_space<vmem>> -> memref<1x80xi32, #tpu.memory_space<vmem>>
    %dma_wait3A_624 = tpu.memref_squeeze %dma_wait3A_623 : memref<1x80xi32, #tpu.memory_space<vmem>> -> memref<80xi32, #tpu.memory_space<vmem>>
    %dma_wait3A_625 = arith.constant 0 : i32
    %dma_wait3A_626 = arith.constant 0 : i32
    %dma_wait3A_627 = tpu.memref_slice %arg2[%dma_wait3A_625, %dma_wait3A_626] : memref<10000x128xf32, #tpu.memory_space<hbm>> -> memref<10000x128xf32, #tpu.memory_space<hbm>>
    tpu.wait_indirect_dma semaphore(%arg10 : memref<!tpu.dma_semaphore, #tpu.memory_space<semaphore_mem>>) src(%dma_wait3A_627 : memref<10000x128xf32, #tpu.memory_space<hbm>>) dst(%dma_wait3A_621 : memref<80x128xf32, #tpu.memory_space<vmem>>)
    %dma_start3A_628 = arith.constant 0 : i32
    %dma_start3A_629 = arith.constant 24 : i32
    %dma_start3A_630 = arith.constant 0 : i32
    %dma_start3A_631 = arith.constant 0 : i32
    %dma_start3A_632 = tpu.memref_slice %arg8[%dma_start3A_628, %dma_start3A_630, %dma_start3A_631] : memref<2x80x128xf32, #tpu.memory_space<vmem>> -> memref<1x80x128xf32, #tpu.memory_space<vmem>>
    %dma_start3A_633 = tpu.memref_squeeze %dma_start3A_632 : memref<1x80x128xf32, #tpu.memory_space<vmem>> -> memref<80x128xf32, #tpu.memory_space<vmem>>
    %dma_start3A_634 = arith.constant 0 : i32
    %dma_start3A_635 = tpu.memref_slice %arg7[%dma_start3A_629, %dma_start3A_634] : memref<25x80xi32, #tpu.memory_space<vmem>> -> memref<1x80xi32, #tpu.memory_space<vmem>>
    %dma_start3A_636 = tpu.memref_squeeze %dma_start3A_635 : memref<1x80xi32, #tpu.memory_space<vmem>> -> memref<80xi32, #tpu.memory_space<vmem>>
    %dma_start3A_637 = arith.constant 0 : i32
    %dma_start3A_638 = arith.constant 0 : i32
    %dma_start3A_639 = tpu.memref_slice %arg9[%dma_start3A_637, %dma_start3A_638] : memref<10240x128xf32, #tpu.memory_space<vmem_shared>> -> memref<10240x128xf32, #tpu.memory_space<vmem_shared>>
    tpu.enqueue_indirect_dma source(%dma_start3A_633 : memref<80x128xf32, #tpu.memory_space<vmem>>) target(%dma_start3A_639 : memref<10240x128xf32, #tpu.memory_space<vmem_shared>>) offsets(%dma_start3A_636 : memref<80xi32, #tpu.memory_space<vmem>>) semaphore(%arg12 : memref<!tpu.dma_semaphore, #tpu.memory_space<semaphore_mem>>) {add = true}
    %dma_wait3A_640 = arith.constant 0 : i32
    %dma_wait3A_641 = arith.constant 24 : i32
    %dma_wait3A_642 = arith.constant 0 : i32
    %dma_wait3A_643 = arith.constant 0 : i32
    %dma_wait3A_644 = tpu.memref_slice %arg8[%dma_wait3A_640, %dma_wait3A_642, %dma_wait3A_643] : memref<2x80x128xf32, #tpu.memory_space<vmem>> -> memref<1x80x128xf32, #tpu.memory_space<vmem>>
    %dma_wait3A_645 = tpu.memref_squeeze %dma_wait3A_644 : memref<1x80x128xf32, #tpu.memory_space<vmem>> -> memref<80x128xf32, #tpu.memory_space<vmem>>
    %dma_wait3A_646 = arith.constant 0 : i32
    %dma_wait3A_647 = tpu.memref_slice %arg7[%dma_wait3A_641, %dma_wait3A_646] : memref<25x80xi32, #tpu.memory_space<vmem>> -> memref<1x80xi32, #tpu.memory_space<vmem>>
    %dma_wait3A_648 = tpu.memref_squeeze %dma_wait3A_647 : memref<1x80xi32, #tpu.memory_space<vmem>> -> memref<80xi32, #tpu.memory_space<vmem>>
    %dma_wait3A_649 = arith.constant 0 : i32
    %dma_wait3A_650 = arith.constant 0 : i32
    %dma_wait3A_651 = tpu.memref_slice %arg9[%dma_wait3A_649, %dma_wait3A_650] : memref<10240x128xf32, #tpu.memory_space<vmem_shared>> -> memref<10240x128xf32, #tpu.memory_space<vmem_shared>>
    tpu.wait_indirect_dma semaphore(%arg12 : memref<!tpu.dma_semaphore, #tpu.memory_space<semaphore_mem>>) src(%dma_wait3A_645 : memref<80x128xf32, #tpu.memory_space<vmem>>) dst(%dma_wait3A_651 : memref<10240x128xf32, #tpu.memory_space<vmem_shared>>)
    %run_scoped3A_652 = arith.constant 4 : i32
    "tpu.region"() ({
      %run_scoped3A_809 = tpu.sem_alloc : memref<!tpu.dma_semaphore, #tpu.memory_space<semaphore_mem>>
      %dma_start3A_810 = arith.constant 0 : i32
      %dma_start3A_811 = arith.constant 0 : i32
      %dma_start3A_812 = tpu.memref_slice %arg3[%add3A, %run_scoped3A_652, %dma_start3A_810, %dma_start3A_811] : memref<32x5x25x80xi32, #tpu.memory_space<hbm>> -> memref<1x1x25x80xi32, #tpu.memory_space<hbm>>
      %dma_start3A_813 = tpu.memref_squeeze %dma_start3A_812 : memref<1x1x25x80xi32, #tpu.memory_space<hbm>> -> memref<25x80xi32, #tpu.memory_space<hbm>>
      %dma_start3A_814 = arith.constant 0 : i32
      %dma_start3A_815 = arith.constant 0 : i32
      %dma_start3A_816 = tpu.memref_slice %arg3[%add3A, %run_scoped3A_652, %dma_start3A_814, %dma_start3A_815] : memref<32x5x25x80xi32, #tpu.memory_space<hbm>> -> memref<1x1x25x80xi32, #tpu.memory_space<hbm>>
      %dma_start3A_817 = tpu.memref_squeeze %dma_start3A_816 : memref<1x1x25x80xi32, #tpu.memory_space<hbm>> -> memref<25x80xi32, #tpu.memory_space<hbm>>
      tpu.enqueue_dma source(%dma_start3A_817 : memref<25x80xi32, #tpu.memory_space<hbm>>) target(%arg6 : memref<25x80xi32, #tpu.memory_space<vmem>>) target_semaphore(%run_scoped3A_809 : memref<!tpu.dma_semaphore, #tpu.memory_space<semaphore_mem>>)
      %dma_wait3A_818 = arith.constant 0 : i32
      %dma_wait3A_819 = arith.constant 0 : i32
      %dma_wait3A_820 = tpu.memref_slice %arg3[%add3A, %run_scoped3A_652, %dma_wait3A_818, %dma_wait3A_819] : memref<32x5x25x80xi32, #tpu.memory_space<hbm>> -> memref<1x1x25x80xi32, #tpu.memory_space<hbm>>
      %dma_wait3A_821 = tpu.memref_squeeze %dma_wait3A_820 : memref<1x1x25x80xi32, #tpu.memory_space<hbm>> -> memref<25x80xi32, #tpu.memory_space<hbm>>
      %dma_wait3A_822 = arith.constant 0 : i32
      %dma_wait3A_823 = arith.constant 0 : i32
      %dma_wait3A_824 = tpu.memref_slice %arg3[%add3A, %run_scoped3A_652, %dma_wait3A_822, %dma_wait3A_823] : memref<32x5x25x80xi32, #tpu.memory_space<hbm>> -> memref<1x1x25x80xi32, #tpu.memory_space<hbm>>
      %dma_wait3A_825 = tpu.memref_squeeze %dma_wait3A_824 : memref<1x1x25x80xi32, #tpu.memory_space<hbm>> -> memref<25x80xi32, #tpu.memory_space<hbm>>
      tpu.wait_dma2 semaphore(%run_scoped3A_809 : memref<!tpu.dma_semaphore, #tpu.memory_space<semaphore_mem>>) src(%dma_wait3A_825 : memref<25x80xi32, #tpu.memory_space<hbm>>) dst(%arg6 : memref<25x80xi32, #tpu.memory_space<vmem>>)
      tpu.yield
    }) : () -> ()
    %run_scoped3A_653 = arith.constant 4 : i32
    "tpu.region"() ({
      %run_scoped3A_809 = tpu.sem_alloc : memref<!tpu.dma_semaphore, #tpu.memory_space<semaphore_mem>>
      %dma_start3A_810 = arith.constant 0 : i32
      %dma_start3A_811 = arith.constant 0 : i32
      %dma_start3A_812 = tpu.memref_slice %arg4[%add3A, %run_scoped3A_653, %dma_start3A_810, %dma_start3A_811] : memref<32x5x25x80xi32, #tpu.memory_space<hbm>> -> memref<1x1x25x80xi32, #tpu.memory_space<hbm>>
      %dma_start3A_813 = tpu.memref_squeeze %dma_start3A_812 : memref<1x1x25x80xi32, #tpu.memory_space<hbm>> -> memref<25x80xi32, #tpu.memory_space<hbm>>
      %dma_start3A_814 = arith.constant 0 : i32
      %dma_start3A_815 = arith.constant 0 : i32
      %dma_start3A_816 = tpu.memref_slice %arg4[%add3A, %run_scoped3A_653, %dma_start3A_814, %dma_start3A_815] : memref<32x5x25x80xi32, #tpu.memory_space<hbm>> -> memref<1x1x25x80xi32, #tpu.memory_space<hbm>>
      %dma_start3A_817 = tpu.memref_squeeze %dma_start3A_816 : memref<1x1x25x80xi32, #tpu.memory_space<hbm>> -> memref<25x80xi32, #tpu.memory_space<hbm>>
      tpu.enqueue_dma source(%dma_start3A_817 : memref<25x80xi32, #tpu.memory_space<hbm>>) target(%arg7 : memref<25x80xi32, #tpu.memory_space<vmem>>) target_semaphore(%run_scoped3A_809 : memref<!tpu.dma_semaphore, #tpu.memory_space<semaphore_mem>>)
      %dma_wait3A_818 = arith.constant 0 : i32
      %dma_wait3A_819 = arith.constant 0 : i32
      %dma_wait3A_820 = tpu.memref_slice %arg4[%add3A, %run_scoped3A_653, %dma_wait3A_818, %dma_wait3A_819] : memref<32x5x25x80xi32, #tpu.memory_space<hbm>> -> memref<1x1x25x80xi32, #tpu.memory_space<hbm>>
      %dma_wait3A_821 = tpu.memref_squeeze %dma_wait3A_820 : memref<1x1x25x80xi32, #tpu.memory_space<hbm>> -> memref<25x80xi32, #tpu.memory_space<hbm>>
      %dma_wait3A_822 = arith.constant 0 : i32
      %dma_wait3A_823 = arith.constant 0 : i32
      %dma_wait3A_824 = tpu.memref_slice %arg4[%add3A, %run_scoped3A_653, %dma_wait3A_822, %dma_wait3A_823] : memref<32x5x25x80xi32, #tpu.memory_space<hbm>> -> memref<1x1x25x80xi32, #tpu.memory_space<hbm>>
      %dma_wait3A_825 = tpu.memref_squeeze %dma_wait3A_824 : memref<1x1x25x80xi32, #tpu.memory_space<hbm>> -> memref<25x80xi32, #tpu.memory_space<hbm>>
      tpu.wait_dma2 semaphore(%run_scoped3A_809 : memref<!tpu.dma_semaphore, #tpu.memory_space<semaphore_mem>>) src(%dma_wait3A_825 : memref<25x80xi32, #tpu.memory_space<hbm>>) dst(%arg7 : memref<25x80xi32, #tpu.memory_space<vmem>>)
      tpu.yield
    }) : () -> ()
    %dma_start3A_654 = arith.constant 0 : i32
    %dma_start3A_655 = arith.constant 0 : i32
    %dma_start3A_656 = arith.constant 0 : i32
    %dma_start3A_657 = arith.constant 0 : i32
    %dma_start3A_658 = tpu.memref_slice %arg8[%dma_start3A_655, %dma_start3A_656, %dma_start3A_657] : memref<2x80x128xf32, #tpu.memory_space<vmem>> -> memref<1x80x128xf32, #tpu.memory_space<vmem>>
    %dma_start3A_659 = tpu.memref_squeeze %dma_start3A_658 : memref<1x80x128xf32, #tpu.memory_space<vmem>> -> memref<80x128xf32, #tpu.memory_space<vmem>>
    %dma_start3A_660 = arith.constant 0 : i32
    %dma_start3A_661 = tpu.memref_slice %arg6[%dma_start3A_654, %dma_start3A_660] : memref<25x80xi32, #tpu.memory_space<vmem>> -> memref<1x80xi32, #tpu.memory_space<vmem>>
    %dma_start3A_662 = tpu.memref_squeeze %dma_start3A_661 : memref<1x80xi32, #tpu.memory_space<vmem>> -> memref<80xi32, #tpu.memory_space<vmem>>
    %dma_start3A_663 = arith.constant 0 : i32
    %dma_start3A_664 = arith.constant 0 : i32
    %dma_start3A_665 = tpu.memref_slice %arg2[%dma_start3A_663, %dma_start3A_664] : memref<10000x128xf32, #tpu.memory_space<hbm>> -> memref<10000x128xf32, #tpu.memory_space<hbm>>
    tpu.enqueue_indirect_dma source(%dma_start3A_665 : memref<10000x128xf32, #tpu.memory_space<hbm>>) target(%dma_start3A_659 : memref<80x128xf32, #tpu.memory_space<vmem>>) offsets(%dma_start3A_662 : memref<80xi32, #tpu.memory_space<vmem>>) semaphore(%arg10 : memref<!tpu.dma_semaphore, #tpu.memory_space<semaphore_mem>>)
    %dma_start3A_666 = arith.constant 1 : i32
    %dma_start3A_667 = arith.constant 1 : i32
    %dma_start3A_668 = arith.constant 0 : i32
    %dma_start3A_669 = arith.constant 0 : i32
    %dma_start3A_670 = tpu.memref_slice %arg8[%dma_start3A_667, %dma_start3A_668, %dma_start3A_669] : memref<2x80x128xf32, #tpu.memory_space<vmem>> -> memref<1x80x128xf32, #tpu.memory_space<vmem>>
    %dma_start3A_671 = tpu.memref_squeeze %dma_start3A_670 : memref<1x80x128xf32, #tpu.memory_space<vmem>> -> memref<80x128xf32, #tpu.memory_space<vmem>>
    %dma_start3A_672 = arith.constant 0 : i32
    %dma_start3A_673 = tpu.memref_slice %arg6[%dma_start3A_666, %dma_start3A_672] : memref<25x80xi32, #tpu.memory_space<vmem>> -> memref<1x80xi32, #tpu.memory_space<vmem>>
    %dma_start3A_674 = tpu.memref_squeeze %dma_start3A_673 : memref<1x80xi32, #tpu.memory_space<vmem>> -> memref<80xi32, #tpu.memory_space<vmem>>
    %dma_start3A_675 = arith.constant 0 : i32
    %dma_start3A_676 = arith.constant 0 : i32
    %dma_start3A_677 = tpu.memref_slice %arg2[%dma_start3A_675, %dma_start3A_676] : memref<10000x128xf32, #tpu.memory_space<hbm>> -> memref<10000x128xf32, #tpu.memory_space<hbm>>
    tpu.enqueue_indirect_dma source(%dma_start3A_677 : memref<10000x128xf32, #tpu.memory_space<hbm>>) target(%dma_start3A_671 : memref<80x128xf32, #tpu.memory_space<vmem>>) offsets(%dma_start3A_674 : memref<80xi32, #tpu.memory_space<vmem>>) semaphore(%arg11 : memref<!tpu.dma_semaphore, #tpu.memory_space<semaphore_mem>>)
    %scan3A_678 = arith.constant 0 : i32
    %scan3A_679 = arith.constant 0 : i32
    %scan3A_680 = arith.constant 11 : i32
    %scan3A_681 = arith.addi %scan3A_679, %scan3A_680 : i32
    %scan3A_682 = arith.constant 1 : i32
    scf.for %scan3A_809 = %scan3A_679 to %scan3A_681 step %scan3A_682  : i32 {
      %mul3A_810 = arith.constant 2 : i32
      %mul3A_811 = arith.muli %scan3A_809, %mul3A_810 : i32
      %add3A_812 = arith.constant 0 : i32
      %add3A_813 = arith.addi %mul3A_811, %add3A_812 : i32
      %dma_wait3A_814 = arith.constant 0 : i32
      %dma_wait3A_815 = arith.constant 0 : i32
      %dma_wait3A_816 = arith.constant 0 : i32
      %dma_wait3A_817 = tpu.memref_slice %arg8[%dma_wait3A_814, %dma_wait3A_815, %dma_wait3A_816] : memref<2x80x128xf32, #tpu.memory_space<vmem>> -> memref<1x80x128xf32, #tpu.memory_space<vmem>>
      %dma_wait3A_818 = tpu.memref_squeeze %dma_wait3A_817 : memref<1x80x128xf32, #tpu.memory_space<vmem>> -> memref<80x128xf32, #tpu.memory_space<vmem>>
      %dma_wait3A_819 = arith.constant 0 : i32
      %dma_wait3A_820 = tpu.memref_slice %arg6[%add3A_813, %dma_wait3A_819] : memref<25x80xi32, #tpu.memory_space<vmem>> -> memref<1x80xi32, #tpu.memory_space<vmem>>
      %dma_wait3A_821 = tpu.memref_squeeze %dma_wait3A_820 : memref<1x80xi32, #tpu.memory_space<vmem>> -> memref<80xi32, #tpu.memory_space<vmem>>
      %dma_wait3A_822 = arith.constant 0 : i32
      %dma_wait3A_823 = arith.constant 0 : i32
      %dma_wait3A_824 = tpu.memref_slice %arg2[%dma_wait3A_822, %dma_wait3A_823] : memref<10000x128xf32, #tpu.memory_space<hbm>> -> memref<10000x128xf32, #tpu.memory_space<hbm>>
      tpu.wait_indirect_dma semaphore(%arg10 : memref<!tpu.dma_semaphore, #tpu.memory_space<semaphore_mem>>) src(%dma_wait3A_824 : memref<10000x128xf32, #tpu.memory_space<hbm>>) dst(%dma_wait3A_818 : memref<80x128xf32, #tpu.memory_space<vmem>>)
      %add3A_825 = arith.constant 0 : i32
      %add3A_826 = arith.addi %mul3A_811, %add3A_825 : i32
      %dma_start3A_827 = arith.constant 0 : i32
      %dma_start3A_828 = arith.constant 0 : i32
      %dma_start3A_829 = arith.constant 0 : i32
      %dma_start3A_830 = tpu.memref_slice %arg8[%dma_start3A_827, %dma_start3A_828, %dma_start3A_829] : memref<2x80x128xf32, #tpu.memory_space<vmem>> -> memref<1x80x128xf32, #tpu.memory_space<vmem>>
      %dma_start3A_831 = tpu.memref_squeeze %dma_start3A_830 : memref<1x80x128xf32, #tpu.memory_space<vmem>> -> memref<80x128xf32, #tpu.memory_space<vmem>>
      %dma_start3A_832 = arith.constant 0 : i32
      %dma_start3A_833 = tpu.memref_slice %arg7[%add3A_826, %dma_start3A_832] : memref<25x80xi32, #tpu.memory_space<vmem>> -> memref<1x80xi32, #tpu.memory_space<vmem>>
      %dma_start3A_834 = tpu.memref_squeeze %dma_start3A_833 : memref<1x80xi32, #tpu.memory_space<vmem>> -> memref<80xi32, #tpu.memory_space<vmem>>
      %dma_start3A_835 = arith.constant 0 : i32
      %dma_start3A_836 = arith.constant 0 : i32
      %dma_start3A_837 = tpu.memref_slice %arg9[%dma_start3A_835, %dma_start3A_836] : memref<10240x128xf32, #tpu.memory_space<vmem_shared>> -> memref<10240x128xf32, #tpu.memory_space<vmem_shared>>
      tpu.enqueue_indirect_dma source(%dma_start3A_831 : memref<80x128xf32, #tpu.memory_space<vmem>>) target(%dma_start3A_837 : memref<10240x128xf32, #tpu.memory_space<vmem_shared>>) offsets(%dma_start3A_834 : memref<80xi32, #tpu.memory_space<vmem>>) semaphore(%arg12 : memref<!tpu.dma_semaphore, #tpu.memory_space<semaphore_mem>>) {add = true}
      %dma_wait3A_838 = arith.constant 0 : i32
      %dma_wait3A_839 = arith.constant 0 : i32
      %dma_wait3A_840 = arith.constant 0 : i32
      %dma_wait3A_841 = tpu.memref_slice %arg8[%dma_wait3A_838, %dma_wait3A_839, %dma_wait3A_840] : memref<2x80x128xf32, #tpu.memory_space<vmem>> -> memref<1x80x128xf32, #tpu.memory_space<vmem>>
      %dma_wait3A_842 = tpu.memref_squeeze %dma_wait3A_841 : memref<1x80x128xf32, #tpu.memory_space<vmem>> -> memref<80x128xf32, #tpu.memory_space<vmem>>
      %dma_wait3A_843 = arith.constant 0 : i32
      %dma_wait3A_844 = tpu.memref_slice %arg7[%add3A_826, %dma_wait3A_843] : memref<25x80xi32, #tpu.memory_space<vmem>> -> memref<1x80xi32, #tpu.memory_space<vmem>>
      %dma_wait3A_845 = tpu.memref_squeeze %dma_wait3A_844 : memref<1x80xi32, #tpu.memory_space<vmem>> -> memref<80xi32, #tpu.memory_space<vmem>>
      %dma_wait3A_846 = arith.constant 0 : i32
      %dma_wait3A_847 = arith.constant 0 : i32
      %dma_wait3A_848 = tpu.memref_slice %arg9[%dma_wait3A_846, %dma_wait3A_847] : memref<10240x128xf32, #tpu.memory_space<vmem_shared>> -> memref<10240x128xf32, #tpu.memory_space<vmem_shared>>
      tpu.wait_indirect_dma semaphore(%arg12 : memref<!tpu.dma_semaphore, #tpu.memory_space<semaphore_mem>>) src(%dma_wait3A_842 : memref<80x128xf32, #tpu.memory_space<vmem>>) dst(%dma_wait3A_848 : memref<10240x128xf32, #tpu.memory_space<vmem_shared>>)
      %add3A_849 = arith.constant 0 : i32
      %add3A_850 = arith.addi %mul3A_811, %add3A_849 : i32
      %add3A_851 = arith.constant 2 : i32
      %add3A_852 = arith.addi %add3A_850, %add3A_851 : i32
      %dma_start3A_853 = arith.constant 0 : i32
      %dma_start3A_854 = arith.constant 0 : i32
      %dma_start3A_855 = arith.constant 0 : i32
      %dma_start3A_856 = tpu.memref_slice %arg8[%dma_start3A_853, %dma_start3A_854, %dma_start3A_855] : memref<2x80x128xf32, #tpu.memory_space<vmem>> -> memref<1x80x128xf32, #tpu.memory_space<vmem>>
      %dma_start3A_857 = tpu.memref_squeeze %dma_start3A_856 : memref<1x80x128xf32, #tpu.memory_space<vmem>> -> memref<80x128xf32, #tpu.memory_space<vmem>>
      %dma_start3A_858 = arith.constant 0 : i32
      %dma_start3A_859 = tpu.memref_slice %arg6[%add3A_852, %dma_start3A_858] : memref<25x80xi32, #tpu.memory_space<vmem>> -> memref<1x80xi32, #tpu.memory_space<vmem>>
      %dma_start3A_860 = tpu.memref_squeeze %dma_start3A_859 : memref<1x80xi32, #tpu.memory_space<vmem>> -> memref<80xi32, #tpu.memory_space<vmem>>
      %dma_start3A_861 = arith.constant 0 : i32
      %dma_start3A_862 = arith.constant 0 : i32
      %dma_start3A_863 = tpu.memref_slice %arg2[%dma_start3A_861, %dma_start3A_862] : memref<10000x128xf32, #tpu.memory_space<hbm>> -> memref<10000x128xf32, #tpu.memory_space<hbm>>
      tpu.enqueue_indirect_dma source(%dma_start3A_863 : memref<10000x128xf32, #tpu.memory_space<hbm>>) target(%dma_start3A_857 : memref<80x128xf32, #tpu.memory_space<vmem>>) offsets(%dma_start3A_860 : memref<80xi32, #tpu.memory_space<vmem>>) semaphore(%arg10 : memref<!tpu.dma_semaphore, #tpu.memory_space<semaphore_mem>>)
      %add3A_864 = arith.constant 1 : i32
      %add3A_865 = arith.addi %mul3A_811, %add3A_864 : i32
      %dma_wait3A_866 = arith.constant 1 : i32
      %dma_wait3A_867 = arith.constant 0 : i32
      %dma_wait3A_868 = arith.constant 0 : i32
      %dma_wait3A_869 = tpu.memref_slice %arg8[%dma_wait3A_866, %dma_wait3A_867, %dma_wait3A_868] : memref<2x80x128xf32, #tpu.memory_space<vmem>> -> memref<1x80x128xf32, #tpu.memory_space<vmem>>
      %dma_wait3A_870 = tpu.memref_squeeze %dma_wait3A_869 : memref<1x80x128xf32, #tpu.memory_space<vmem>> -> memref<80x128xf32, #tpu.memory_space<vmem>>
      %dma_wait3A_871 = arith.constant 0 : i32
      %dma_wait3A_872 = tpu.memref_slice %arg6[%add3A_865, %dma_wait3A_871] : memref<25x80xi32, #tpu.memory_space<vmem>> -> memref<1x80xi32, #tpu.memory_space<vmem>>
      %dma_wait3A_873 = tpu.memref_squeeze %dma_wait3A_872 : memref<1x80xi32, #tpu.memory_space<vmem>> -> memref<80xi32, #tpu.memory_space<vmem>>
      %dma_wait3A_874 = arith.constant 0 : i32
      %dma_wait3A_875 = arith.constant 0 : i32
      %dma_wait3A_876 = tpu.memref_slice %arg2[%dma_wait3A_874, %dma_wait3A_875] : memref<10000x128xf32, #tpu.memory_space<hbm>> -> memref<10000x128xf32, #tpu.memory_space<hbm>>
      tpu.wait_indirect_dma semaphore(%arg11 : memref<!tpu.dma_semaphore, #tpu.memory_space<semaphore_mem>>) src(%dma_wait3A_876 : memref<10000x128xf32, #tpu.memory_space<hbm>>) dst(%dma_wait3A_870 : memref<80x128xf32, #tpu.memory_space<vmem>>)
      %add3A_877 = arith.constant 1 : i32
      %add3A_878 = arith.addi %mul3A_811, %add3A_877 : i32
      %dma_start3A_879 = arith.constant 1 : i32
      %dma_start3A_880 = arith.constant 0 : i32
      %dma_start3A_881 = arith.constant 0 : i32
      %dma_start3A_882 = tpu.memref_slice %arg8[%dma_start3A_879, %dma_start3A_880, %dma_start3A_881] : memref<2x80x128xf32, #tpu.memory_space<vmem>> -> memref<1x80x128xf32, #tpu.memory_space<vmem>>
      %dma_start3A_883 = tpu.memref_squeeze %dma_start3A_882 : memref<1x80x128xf32, #tpu.memory_space<vmem>> -> memref<80x128xf32, #tpu.memory_space<vmem>>
      %dma_start3A_884 = arith.constant 0 : i32
      %dma_start3A_885 = tpu.memref_slice %arg7[%add3A_878, %dma_start3A_884] : memref<25x80xi32, #tpu.memory_space<vmem>> -> memref<1x80xi32, #tpu.memory_space<vmem>>
      %dma_start3A_886 = tpu.memref_squeeze %dma_start3A_885 : memref<1x80xi32, #tpu.memory_space<vmem>> -> memref<80xi32, #tpu.memory_space<vmem>>
      %dma_start3A_887 = arith.constant 0 : i32
      %dma_start3A_888 = arith.constant 0 : i32
      %dma_start3A_889 = tpu.memref_slice %arg9[%dma_start3A_887, %dma_start3A_888] : memref<10240x128xf32, #tpu.memory_space<vmem_shared>> -> memref<10240x128xf32, #tpu.memory_space<vmem_shared>>
      tpu.enqueue_indirect_dma source(%dma_start3A_883 : memref<80x128xf32, #tpu.memory_space<vmem>>) target(%dma_start3A_889 : memref<10240x128xf32, #tpu.memory_space<vmem_shared>>) offsets(%dma_start3A_886 : memref<80xi32, #tpu.memory_space<vmem>>) semaphore(%arg12 : memref<!tpu.dma_semaphore, #tpu.memory_space<semaphore_mem>>) {add = true}
      %dma_wait3A_890 = arith.constant 1 : i32
      %dma_wait3A_891 = arith.constant 0 : i32
      %dma_wait3A_892 = arith.constant 0 : i32
      %dma_wait3A_893 = tpu.memref_slice %arg8[%dma_wait3A_890, %dma_wait3A_891, %dma_wait3A_892] : memref<2x80x128xf32, #tpu.memory_space<vmem>> -> memref<1x80x128xf32, #tpu.memory_space<vmem>>
      %dma_wait3A_894 = tpu.memref_squeeze %dma_wait3A_893 : memref<1x80x128xf32, #tpu.memory_space<vmem>> -> memref<80x128xf32, #tpu.memory_space<vmem>>
      %dma_wait3A_895 = arith.constant 0 : i32
      %dma_wait3A_896 = tpu.memref_slice %arg7[%add3A_878, %dma_wait3A_895] : memref<25x80xi32, #tpu.memory_space<vmem>> -> memref<1x80xi32, #tpu.memory_space<vmem>>
      %dma_wait3A_897 = tpu.memref_squeeze %dma_wait3A_896 : memref<1x80xi32, #tpu.memory_space<vmem>> -> memref<80xi32, #tpu.memory_space<vmem>>
      %dma_wait3A_898 = arith.constant 0 : i32
      %dma_wait3A_899 = arith.constant 0 : i32
      %dma_wait3A_900 = tpu.memref_slice %arg9[%dma_wait3A_898, %dma_wait3A_899] : memref<10240x128xf32, #tpu.memory_space<vmem_shared>> -> memref<10240x128xf32, #tpu.memory_space<vmem_shared>>
      tpu.wait_indirect_dma semaphore(%arg12 : memref<!tpu.dma_semaphore, #tpu.memory_space<semaphore_mem>>) src(%dma_wait3A_894 : memref<80x128xf32, #tpu.memory_space<vmem>>) dst(%dma_wait3A_900 : memref<10240x128xf32, #tpu.memory_space<vmem_shared>>)
      %add3A_901 = arith.constant 1 : i32
      %add3A_902 = arith.addi %mul3A_811, %add3A_901 : i32
      %add3A_903 = arith.constant 2 : i32
      %add3A_904 = arith.addi %add3A_902, %add3A_903 : i32
      %dma_start3A_905 = arith.constant 1 : i32
      %dma_start3A_906 = arith.constant 0 : i32
      %dma_start3A_907 = arith.constant 0 : i32
      %dma_start3A_908 = tpu.memref_slice %arg8[%dma_start3A_905, %dma_start3A_906, %dma_start3A_907] : memref<2x80x128xf32, #tpu.memory_space<vmem>> -> memref<1x80x128xf32, #tpu.memory_space<vmem>>
      %dma_start3A_909 = tpu.memref_squeeze %dma_start3A_908 : memref<1x80x128xf32, #tpu.memory_space<vmem>> -> memref<80x128xf32, #tpu.memory_space<vmem>>
      %dma_start3A_910 = arith.constant 0 : i32
      %dma_start3A_911 = tpu.memref_slice %arg6[%add3A_904, %dma_start3A_910] : memref<25x80xi32, #tpu.memory_space<vmem>> -> memref<1x80xi32, #tpu.memory_space<vmem>>
      %dma_start3A_912 = tpu.memref_squeeze %dma_start3A_911 : memref<1x80xi32, #tpu.memory_space<vmem>> -> memref<80xi32, #tpu.memory_space<vmem>>
      %dma_start3A_913 = arith.constant 0 : i32
      %dma_start3A_914 = arith.constant 0 : i32
      %dma_start3A_915 = tpu.memref_slice %arg2[%dma_start3A_913, %dma_start3A_914] : memref<10000x128xf32, #tpu.memory_space<hbm>> -> memref<10000x128xf32, #tpu.memory_space<hbm>>
      tpu.enqueue_indirect_dma source(%dma_start3A_915 : memref<10000x128xf32, #tpu.memory_space<hbm>>) target(%dma_start3A_909 : memref<80x128xf32, #tpu.memory_space<vmem>>) offsets(%dma_start3A_912 : memref<80xi32, #tpu.memory_space<vmem>>) semaphore(%arg11 : memref<!tpu.dma_semaphore, #tpu.memory_space<semaphore_mem>>)
    }
    %scan3A_683 = arith.constant 11 : i32
    %dma_wait3A_684 = arith.constant 22 : i32
    %dma_wait3A_685 = arith.constant 0 : i32
    %dma_wait3A_686 = arith.constant 0 : i32
    %dma_wait3A_687 = arith.constant 0 : i32
    %dma_wait3A_688 = tpu.memref_slice %arg8[%dma_wait3A_685, %dma_wait3A_686, %dma_wait3A_687] : memref<2x80x128xf32, #tpu.memory_space<vmem>> -> memref<1x80x128xf32, #tpu.memory_space<vmem>>
    %dma_wait3A_689 = tpu.memref_squeeze %dma_wait3A_688 : memref<1x80x128xf32, #tpu.memory_space<vmem>> -> memref<80x128xf32, #tpu.memory_space<vmem>>
    %dma_wait3A_690 = arith.constant 0 : i32
    %dma_wait3A_691 = tpu.memref_slice %arg6[%dma_wait3A_684, %dma_wait3A_690] : memref<25x80xi32, #tpu.memory_space<vmem>> -> memref<1x80xi32, #tpu.memory_space<vmem>>
    %dma_wait3A_692 = tpu.memref_squeeze %dma_wait3A_691 : memref<1x80xi32, #tpu.memory_space<vmem>> -> memref<80xi32, #tpu.memory_space<vmem>>
    %dma_wait3A_693 = arith.constant 0 : i32
    %dma_wait3A_694 = arith.constant 0 : i32
    %dma_wait3A_695 = tpu.memref_slice %arg2[%dma_wait3A_693, %dma_wait3A_694] : memref<10000x128xf32, #tpu.memory_space<hbm>> -> memref<10000x128xf32, #tpu.memory_space<hbm>>
    tpu.wait_indirect_dma semaphore(%arg10 : memref<!tpu.dma_semaphore, #tpu.memory_space<semaphore_mem>>) src(%dma_wait3A_695 : memref<10000x128xf32, #tpu.memory_space<hbm>>) dst(%dma_wait3A_689 : memref<80x128xf32, #tpu.memory_space<vmem>>)
    %dma_start3A_696 = arith.constant 0 : i32
    %dma_start3A_697 = arith.constant 22 : i32
    %dma_start3A_698 = arith.constant 0 : i32
    %dma_start3A_699 = arith.constant 0 : i32
    %dma_start3A_700 = tpu.memref_slice %arg8[%dma_start3A_696, %dma_start3A_698, %dma_start3A_699] : memref<2x80x128xf32, #tpu.memory_space<vmem>> -> memref<1x80x128xf32, #tpu.memory_space<vmem>>
    %dma_start3A_701 = tpu.memref_squeeze %dma_start3A_700 : memref<1x80x128xf32, #tpu.memory_space<vmem>> -> memref<80x128xf32, #tpu.memory_space<vmem>>
    %dma_start3A_702 = arith.constant 0 : i32
    %dma_start3A_703 = tpu.memref_slice %arg7[%dma_start3A_697, %dma_start3A_702] : memref<25x80xi32, #tpu.memory_space<vmem>> -> memref<1x80xi32, #tpu.memory_space<vmem>>
    %dma_start3A_704 = tpu.memref_squeeze %dma_start3A_703 : memref<1x80xi32, #tpu.memory_space<vmem>> -> memref<80xi32, #tpu.memory_space<vmem>>
    %dma_start3A_705 = arith.constant 0 : i32
    %dma_start3A_706 = arith.constant 0 : i32
    %dma_start3A_707 = tpu.memref_slice %arg9[%dma_start3A_705, %dma_start3A_706] : memref<10240x128xf32, #tpu.memory_space<vmem_shared>> -> memref<10240x128xf32, #tpu.memory_space<vmem_shared>>
    tpu.enqueue_indirect_dma source(%dma_start3A_701 : memref<80x128xf32, #tpu.memory_space<vmem>>) target(%dma_start3A_707 : memref<10240x128xf32, #tpu.memory_space<vmem_shared>>) offsets(%dma_start3A_704 : memref<80xi32, #tpu.memory_space<vmem>>) semaphore(%arg12 : memref<!tpu.dma_semaphore, #tpu.memory_space<semaphore_mem>>) {add = true}
    %dma_wait3A_708 = arith.constant 0 : i32
    %dma_wait3A_709 = arith.constant 22 : i32
    %dma_wait3A_710 = arith.constant 0 : i32
    %dma_wait3A_711 = arith.constant 0 : i32
    %dma_wait3A_712 = tpu.memref_slice %arg8[%dma_wait3A_708, %dma_wait3A_710, %dma_wait3A_711] : memref<2x80x128xf32, #tpu.memory_space<vmem>> -> memref<1x80x128xf32, #tpu.memory_space<vmem>>
    %dma_wait3A_713 = tpu.memref_squeeze %dma_wait3A_712 : memref<1x80x128xf32, #tpu.memory_space<vmem>> -> memref<80x128xf32, #tpu.memory_space<vmem>>
    %dma_wait3A_714 = arith.constant 0 : i32
    %dma_wait3A_715 = tpu.memref_slice %arg7[%dma_wait3A_709, %dma_wait3A_714] : memref<25x80xi32, #tpu.memory_space<vmem>> -> memref<1x80xi32, #tpu.memory_space<vmem>>
    %dma_wait3A_716 = tpu.memref_squeeze %dma_wait3A_715 : memref<1x80xi32, #tpu.memory_space<vmem>> -> memref<80xi32, #tpu.memory_space<vmem>>
    %dma_wait3A_717 = arith.constant 0 : i32
    %dma_wait3A_718 = arith.constant 0 : i32
    %dma_wait3A_719 = tpu.memref_slice %arg9[%dma_wait3A_717, %dma_wait3A_718] : memref<10240x128xf32, #tpu.memory_space<vmem_shared>> -> memref<10240x128xf32, #tpu.memory_space<vmem_shared>>
    tpu.wait_indirect_dma semaphore(%arg12 : memref<!tpu.dma_semaphore, #tpu.memory_space<semaphore_mem>>) src(%dma_wait3A_713 : memref<80x128xf32, #tpu.memory_space<vmem>>) dst(%dma_wait3A_719 : memref<10240x128xf32, #tpu.memory_space<vmem_shared>>)
    %dma_start3A_720 = arith.constant 24 : i32
    %dma_start3A_721 = arith.constant 0 : i32
    %dma_start3A_722 = arith.constant 0 : i32
    %dma_start3A_723 = arith.constant 0 : i32
    %dma_start3A_724 = tpu.memref_slice %arg8[%dma_start3A_721, %dma_start3A_722, %dma_start3A_723] : memref<2x80x128xf32, #tpu.memory_space<vmem>> -> memref<1x80x128xf32, #tpu.memory_space<vmem>>
    %dma_start3A_725 = tpu.memref_squeeze %dma_start3A_724 : memref<1x80x128xf32, #tpu.memory_space<vmem>> -> memref<80x128xf32, #tpu.memory_space<vmem>>
    %dma_start3A_726 = arith.constant 0 : i32
    %dma_start3A_727 = tpu.memref_slice %arg6[%dma_start3A_720, %dma_start3A_726] : memref<25x80xi32, #tpu.memory_space<vmem>> -> memref<1x80xi32, #tpu.memory_space<vmem>>
    %dma_start3A_728 = tpu.memref_squeeze %dma_start3A_727 : memref<1x80xi32, #tpu.memory_space<vmem>> -> memref<80xi32, #tpu.memory_space<vmem>>
    %dma_start3A_729 = arith.constant 0 : i32
    %dma_start3A_730 = arith.constant 0 : i32
    %dma_start3A_731 = tpu.memref_slice %arg2[%dma_start3A_729, %dma_start3A_730] : memref<10000x128xf32, #tpu.memory_space<hbm>> -> memref<10000x128xf32, #tpu.memory_space<hbm>>
    tpu.enqueue_indirect_dma source(%dma_start3A_731 : memref<10000x128xf32, #tpu.memory_space<hbm>>) target(%dma_start3A_725 : memref<80x128xf32, #tpu.memory_space<vmem>>) offsets(%dma_start3A_728 : memref<80xi32, #tpu.memory_space<vmem>>) semaphore(%arg10 : memref<!tpu.dma_semaphore, #tpu.memory_space<semaphore_mem>>)
    %dma_wait3A_732 = arith.constant 23 : i32
    %dma_wait3A_733 = arith.constant 1 : i32
    %dma_wait3A_734 = arith.constant 0 : i32
    %dma_wait3A_735 = arith.constant 0 : i32
    %dma_wait3A_736 = tpu.memref_slice %arg8[%dma_wait3A_733, %dma_wait3A_734, %dma_wait3A_735] : memref<2x80x128xf32, #tpu.memory_space<vmem>> -> memref<1x80x128xf32, #tpu.memory_space<vmem>>
    %dma_wait3A_737 = tpu.memref_squeeze %dma_wait3A_736 : memref<1x80x128xf32, #tpu.memory_space<vmem>> -> memref<80x128xf32, #tpu.memory_space<vmem>>
    %dma_wait3A_738 = arith.constant 0 : i32
    %dma_wait3A_739 = tpu.memref_slice %arg6[%dma_wait3A_732, %dma_wait3A_738] : memref<25x80xi32, #tpu.memory_space<vmem>> -> memref<1x80xi32, #tpu.memory_space<vmem>>
    %dma_wait3A_740 = tpu.memref_squeeze %dma_wait3A_739 : memref<1x80xi32, #tpu.memory_space<vmem>> -> memref<80xi32, #tpu.memory_space<vmem>>
    %dma_wait3A_741 = arith.constant 0 : i32
    %dma_wait3A_742 = arith.constant 0 : i32
    %dma_wait3A_743 = tpu.memref_slice %arg2[%dma_wait3A_741, %dma_wait3A_742] : memref<10000x128xf32, #tpu.memory_space<hbm>> -> memref<10000x128xf32, #tpu.memory_space<hbm>>
    tpu.wait_indirect_dma semaphore(%arg11 : memref<!tpu.dma_semaphore, #tpu.memory_space<semaphore_mem>>) src(%dma_wait3A_743 : memref<10000x128xf32, #tpu.memory_space<hbm>>) dst(%dma_wait3A_737 : memref<80x128xf32, #tpu.memory_space<vmem>>)
    %dma_start3A_744 = arith.constant 1 : i32
    %dma_start3A_745 = arith.constant 23 : i32
    %dma_start3A_746 = arith.constant 0 : i32
    %dma_start3A_747 = arith.constant 0 : i32
    %dma_start3A_748 = tpu.memref_slice %arg8[%dma_start3A_744, %dma_start3A_746, %dma_start3A_747] : memref<2x80x128xf32, #tpu.memory_space<vmem>> -> memref<1x80x128xf32, #tpu.memory_space<vmem>>
    %dma_start3A_749 = tpu.memref_squeeze %dma_start3A_748 : memref<1x80x128xf32, #tpu.memory_space<vmem>> -> memref<80x128xf32, #tpu.memory_space<vmem>>
    %dma_start3A_750 = arith.constant 0 : i32
    %dma_start3A_751 = tpu.memref_slice %arg7[%dma_start3A_745, %dma_start3A_750] : memref<25x80xi32, #tpu.memory_space<vmem>> -> memref<1x80xi32, #tpu.memory_space<vmem>>
    %dma_start3A_752 = tpu.memref_squeeze %dma_start3A_751 : memref<1x80xi32, #tpu.memory_space<vmem>> -> memref<80xi32, #tpu.memory_space<vmem>>
    %dma_start3A_753 = arith.constant 0 : i32
    %dma_start3A_754 = arith.constant 0 : i32
    %dma_start3A_755 = tpu.memref_slice %arg9[%dma_start3A_753, %dma_start3A_754] : memref<10240x128xf32, #tpu.memory_space<vmem_shared>> -> memref<10240x128xf32, #tpu.memory_space<vmem_shared>>
    tpu.enqueue_indirect_dma source(%dma_start3A_749 : memref<80x128xf32, #tpu.memory_space<vmem>>) target(%dma_start3A_755 : memref<10240x128xf32, #tpu.memory_space<vmem_shared>>) offsets(%dma_start3A_752 : memref<80xi32, #tpu.memory_space<vmem>>) semaphore(%arg12 : memref<!tpu.dma_semaphore, #tpu.memory_space<semaphore_mem>>) {add = true}
    %dma_wait3A_756 = arith.constant 1 : i32
    %dma_wait3A_757 = arith.constant 23 : i32
    %dma_wait3A_758 = arith.constant 0 : i32
    %dma_wait3A_759 = arith.constant 0 : i32
    %dma_wait3A_760 = tpu.memref_slice %arg8[%dma_wait3A_756, %dma_wait3A_758, %dma_wait3A_759] : memref<2x80x128xf32, #tpu.memory_space<vmem>> -> memref<1x80x128xf32, #tpu.memory_space<vmem>>
    %dma_wait3A_761 = tpu.memref_squeeze %dma_wait3A_760 : memref<1x80x128xf32, #tpu.memory_space<vmem>> -> memref<80x128xf32, #tpu.memory_space<vmem>>
    %dma_wait3A_762 = arith.constant 0 : i32
    %dma_wait3A_763 = tpu.memref_slice %arg7[%dma_wait3A_757, %dma_wait3A_762] : memref<25x80xi32, #tpu.memory_space<vmem>> -> memref<1x80xi32, #tpu.memory_space<vmem>>
    %dma_wait3A_764 = tpu.memref_squeeze %dma_wait3A_763 : memref<1x80xi32, #tpu.memory_space<vmem>> -> memref<80xi32, #tpu.memory_space<vmem>>
    %dma_wait3A_765 = arith.constant 0 : i32
    %dma_wait3A_766 = arith.constant 0 : i32
    %dma_wait3A_767 = tpu.memref_slice %arg9[%dma_wait3A_765, %dma_wait3A_766] : memref<10240x128xf32, #tpu.memory_space<vmem_shared>> -> memref<10240x128xf32, #tpu.memory_space<vmem_shared>>
    tpu.wait_indirect_dma semaphore(%arg12 : memref<!tpu.dma_semaphore, #tpu.memory_space<semaphore_mem>>) src(%dma_wait3A_761 : memref<80x128xf32, #tpu.memory_space<vmem>>) dst(%dma_wait3A_767 : memref<10240x128xf32, #tpu.memory_space<vmem_shared>>)
    %dma_wait3A_768 = arith.constant 24 : i32
    %dma_wait3A_769 = arith.constant 0 : i32
    %dma_wait3A_770 = arith.constant 0 : i32
    %dma_wait3A_771 = arith.constant 0 : i32
    %dma_wait3A_772 = tpu.memref_slice %arg8[%dma_wait3A_769, %dma_wait3A_770, %dma_wait3A_771] : memref<2x80x128xf32, #tpu.memory_space<vmem>> -> memref<1x80x128xf32, #tpu.memory_space<vmem>>
    %dma_wait3A_773 = tpu.memref_squeeze %dma_wait3A_772 : memref<1x80x128xf32, #tpu.memory_space<vmem>> -> memref<80x128xf32, #tpu.memory_space<vmem>>
    %dma_wait3A_774 = arith.constant 0 : i32
    %dma_wait3A_775 = tpu.memref_slice %arg6[%dma_wait3A_768, %dma_wait3A_774] : memref<25x80xi32, #tpu.memory_space<vmem>> -> memref<1x80xi32, #tpu.memory_space<vmem>>
    %dma_wait3A_776 = tpu.memref_squeeze %dma_wait3A_775 : memref<1x80xi32, #tpu.memory_space<vmem>> -> memref<80xi32, #tpu.memory_space<vmem>>
    %dma_wait3A_777 = arith.constant 0 : i32
    %dma_wait3A_778 = arith.constant 0 : i32
    %dma_wait3A_779 = tpu.memref_slice %arg2[%dma_wait3A_777, %dma_wait3A_778] : memref<10000x128xf32, #tpu.memory_space<hbm>> -> memref<10000x128xf32, #tpu.memory_space<hbm>>
    tpu.wait_indirect_dma semaphore(%arg10 : memref<!tpu.dma_semaphore, #tpu.memory_space<semaphore_mem>>) src(%dma_wait3A_779 : memref<10000x128xf32, #tpu.memory_space<hbm>>) dst(%dma_wait3A_773 : memref<80x128xf32, #tpu.memory_space<vmem>>)
    %dma_start3A_780 = arith.constant 0 : i32
    %dma_start3A_781 = arith.constant 24 : i32
    %dma_start3A_782 = arith.constant 0 : i32
    %dma_start3A_783 = arith.constant 0 : i32
    %dma_start3A_784 = tpu.memref_slice %arg8[%dma_start3A_780, %dma_start3A_782, %dma_start3A_783] : memref<2x80x128xf32, #tpu.memory_space<vmem>> -> memref<1x80x128xf32, #tpu.memory_space<vmem>>
    %dma_start3A_785 = tpu.memref_squeeze %dma_start3A_784 : memref<1x80x128xf32, #tpu.memory_space<vmem>> -> memref<80x128xf32, #tpu.memory_space<vmem>>
    %dma_start3A_786 = arith.constant 0 : i32
    %dma_start3A_787 = tpu.memref_slice %arg7[%dma_start3A_781, %dma_start3A_786] : memref<25x80xi32, #tpu.memory_space<vmem>> -> memref<1x80xi32, #tpu.memory_space<vmem>>
    %dma_start3A_788 = tpu.memref_squeeze %dma_start3A_787 : memref<1x80xi32, #tpu.memory_space<vmem>> -> memref<80xi32, #tpu.memory_space<vmem>>
    %dma_start3A_789 = arith.constant 0 : i32
    %dma_start3A_790 = arith.constant 0 : i32
    %dma_start3A_791 = tpu.memref_slice %arg9[%dma_start3A_789, %dma_start3A_790] : memref<10240x128xf32, #tpu.memory_space<vmem_shared>> -> memref<10240x128xf32, #tpu.memory_space<vmem_shared>>
    tpu.enqueue_indirect_dma source(%dma_start3A_785 : memref<80x128xf32, #tpu.memory_space<vmem>>) target(%dma_start3A_791 : memref<10240x128xf32, #tpu.memory_space<vmem_shared>>) offsets(%dma_start3A_788 : memref<80xi32, #tpu.memory_space<vmem>>) semaphore(%arg12 : memref<!tpu.dma_semaphore, #tpu.memory_space<semaphore_mem>>) {add = true}
    %dma_wait3A_792 = arith.constant 0 : i32
    %dma_wait3A_793 = arith.constant 24 : i32
    %dma_wait3A_794 = arith.constant 0 : i32
    %dma_wait3A_795 = arith.constant 0 : i32
    %dma_wait3A_796 = tpu.memref_slice %arg8[%dma_wait3A_792, %dma_wait3A_794, %dma_wait3A_795] : memref<2x80x128xf32, #tpu.memory_space<vmem>> -> memref<1x80x128xf32, #tpu.memory_space<vmem>>
    %dma_wait3A_797 = tpu.memref_squeeze %dma_wait3A_796 : memref<1x80x128xf32, #tpu.memory_space<vmem>> -> memref<80x128xf32, #tpu.memory_space<vmem>>
    %dma_wait3A_798 = arith.constant 0 : i32
    %dma_wait3A_799 = tpu.memref_slice %arg7[%dma_wait3A_793, %dma_wait3A_798] : memref<25x80xi32, #tpu.memory_space<vmem>> -> memref<1x80xi32, #tpu.memory_space<vmem>>
    %dma_wait3A_800 = tpu.memref_squeeze %dma_wait3A_799 : memref<1x80xi32, #tpu.memory_space<vmem>> -> memref<80xi32, #tpu.memory_space<vmem>>
    %dma_wait3A_801 = arith.constant 0 : i32
    %dma_wait3A_802 = arith.constant 0 : i32
    %dma_wait3A_803 = tpu.memref_slice %arg9[%dma_wait3A_801, %dma_wait3A_802] : memref<10240x128xf32, #tpu.memory_space<vmem_shared>> -> memref<10240x128xf32, #tpu.memory_space<vmem_shared>>
    tpu.wait_indirect_dma semaphore(%arg12 : memref<!tpu.dma_semaphore, #tpu.memory_space<semaphore_mem>>) src(%dma_wait3A_797 : memref<80x128xf32, #tpu.memory_space<vmem>>) dst(%dma_wait3A_803 : memref<10240x128xf32, #tpu.memory_space<vmem_shared>>)
    %barrier3A_804 = arith.constant 0 : index
    tpu.barrier barrier_id(%barrier3A_804)
    %mul3A_805 = arith.constant 640 : i32
    %mul3A_806 = arith.muli %arg1, %mul3A_805 : i32
    %mul3A_807 = arith.constant 640 : i32
    %mul3A_808 = arith.muli %arg1, %mul3A_807 : i32
    "tpu.region"() ({
      %run_scoped3A_809 = tpu.sem_alloc : memref<!tpu.dma_semaphore, #tpu.memory_space<semaphore_mem>>
      %dma_start3A_810 = arith.constant 0 : i32
      %dma_start3A_811 = tpu.memref_slice %arg5[%arg0, %mul3A_808, %dma_start3A_810] : memref<2x10240x128xf32, #tpu.memory_space<hbm>> -> memref<1x640x128xf32, #tpu.memory_space<hbm>>
      %dma_start3A_812 = tpu.memref_squeeze %dma_start3A_811 : memref<1x640x128xf32, #tpu.memory_space<hbm>> -> memref<640x128xf32, #tpu.memory_space<hbm>>
      %dma_start3A_813 = arith.constant 0 : i32
      %dma_start3A_814 = tpu.memref_slice %arg9[%mul3A_806, %dma_start3A_813] : memref<10240x128xf32, #tpu.memory_space<vmem_shared>> -> memref<640x128xf32, #tpu.memory_space<vmem_shared>>
      tpu.enqueue_dma source(%dma_start3A_814 : memref<640x128xf32, #tpu.memory_space<vmem_shared>>) target(%dma_start3A_812 : memref<640x128xf32, #tpu.memory_space<hbm>>) target_semaphore(%run_scoped3A_809 : memref<!tpu.dma_semaphore, #tpu.memory_space<semaphore_mem>>)
      %dma_wait3A_815 = arith.constant 0 : i32
      %dma_wait3A_816 = tpu.memref_slice %arg5[%arg0, %mul3A_808, %dma_wait3A_815] : memref<2x10240x128xf32, #tpu.memory_space<hbm>> -> memref<1x640x128xf32, #tpu.memory_space<hbm>>
      %dma_wait3A_817 = tpu.memref_squeeze %dma_wait3A_816 : memref<1x640x128xf32, #tpu.memory_space<hbm>> -> memref<640x128xf32, #tpu.memory_space<hbm>>
      %dma_wait3A_818 = arith.constant 0 : i32
      %dma_wait3A_819 = tpu.memref_slice %arg9[%mul3A_806, %dma_wait3A_818] : memref<10240x128xf32, #tpu.memory_space<vmem_shared>> -> memref<640x128xf32, #tpu.memory_space<vmem_shared>>
      tpu.wait_dma2 semaphore(%run_scoped3A_809 : memref<!tpu.dma_semaphore, #tpu.memory_space<semaphore_mem>>) src(%dma_wait3A_819 : memref<640x128xf32, #tpu.memory_space<vmem_shared>>) dst(%dma_wait3A_817 : memref<640x128xf32, #tpu.memory_space<hbm>>)
      tpu.yield
    }) : () -> ()
    return
  }
}

module attributes {stable_mosaic.version = 14 : i64} {
  func.func @_mlp_body(%arg0: i32, %arg1: memref<1000x128xf32, #tpu.memory_space<vmem>>, %arg2: memref<1x1000x128xf32, #tpu.memory_space<vmem>>, %arg3: memref<1x1000x128xf32, #tpu.memory_space<vmem>>, %arg4: memref<128x64xf32, #tpu.memory_space<vmem>>, %arg5: memref<1x64xf32, #tpu.memory_space<vmem>>, %arg6: memref<64x128xf32, #tpu.memory_space<vmem>>, %arg7: memref<1x128xf32, #tpu.memory_space<vmem>>, %arg8: memref<1000x128xf32, #tpu.memory_space<vmem>>) attributes {dimension_semantics = [#tpu.dimension_semantics<arbitrary>], iteration_bounds = array<i64: 10>, scalar_prefetch = 0 : i64, scratch_operands = 0 : i64, tpu.core_type = #tpu.core_type<tc>, window_params = [{transform_indices = @transform_0, window_bounds = array<i64: 1000, 128>}, {transform_indices = @transform_1, window_bounds = array<i64: 1, 1000, 128>}, {transform_indices = @transform_2, window_bounds = array<i64: 1, 1000, 128>}, {pipeline_mode = #tpu.pipeline_mode<synchronous>, transform_indices = @transform_3, window_bounds = array<i64: 128, 64>}, {pipeline_mode = #tpu.pipeline_mode<synchronous>, transform_indices = @transform_4, window_bounds = array<i64: 1, 64>}, {pipeline_mode = #tpu.pipeline_mode<synchronous>, transform_indices = @transform_5, window_bounds = array<i64: 64, 128>}, {pipeline_mode = #tpu.pipeline_mode<synchronous>, transform_indices = @transform_6, window_bounds = array<i64: 1, 128>}, {transform_indices = @transform_7, window_bounds = array<i64: 1000, 128>}]} {
    %get3A = arith.constant 0 : index
    %get3A_0 = arith.constant 0 : index
    %get3A_1 = vector.load %arg1[%get3A, %get3A_0] : memref<1000x128xf32, #tpu.memory_space<vmem>>, vector<1000x128xf32>
    %get3A_2 = arith.constant 0 : index
    %get3A_3 = arith.constant 0 : index
    %get3A_4 = arith.constant 0 : index
    %get3A_5 = vector.load %arg2[%get3A_2, %get3A_3, %get3A_4] : memref<1x1000x128xf32, #tpu.memory_space<vmem>>, vector<1x1000x128xf32>
    %get3A_6 = vector.shape_cast %get3A_5 : vector<1x1000x128xf32> to vector<1000x128xf32>
    %add3A = arith.addf %get3A_1, %get3A_6 : vector<1000x128xf32>
    %get3A_7 = arith.constant 0 : index
    %get3A_8 = arith.constant 0 : index
    %get3A_9 = arith.constant 0 : index
    %get3A_10 = vector.load %arg3[%get3A_7, %get3A_8, %get3A_9] : memref<1x1000x128xf32, #tpu.memory_space<vmem>>, vector<1x1000x128xf32>
    %get3A_11 = vector.shape_cast %get3A_10 : vector<1x1000x128xf32> to vector<1000x128xf32>
    %add3A_12 = arith.addf %add3A, %get3A_11 : vector<1000x128xf32>
    %get3A_13 = arith.constant 0 : index
    %get3A_14 = arith.constant 0 : index
    %get3A_15 = vector.load %arg4[%get3A_13, %get3A_14] : memref<128x64xf32, #tpu.memory_space<vmem>>, vector<128x64xf32>
    %dot_general3A = arith.constant dense<0.000000e+00> : vector<1000x64xf32>
    %dot_general3A_16 = tpu.matmul %add3A_12, %get3A_15, %dot_general3A {dimension_numbers = #tpu.dot_dimension_numbers<[1], [0], [0], [1], [0, 0, 1, 1], [], []>, transpose_lhs_hint = false} : vector<1000x128xf32>, vector<128x64xf32>, vector<1000x64xf32> -> vector<1000x64xf32>
    %get3A_17 = arith.constant 0 : index
    %get3A_18 = arith.constant 0 : index
    %get3A_19 = vector.load %arg5[%get3A_17, %get3A_18] : memref<1x64xf32, #tpu.memory_space<vmem>>, vector<1x64xf32>
    %add3A_20 = vector.broadcast %get3A_19 : vector<1x64xf32> to vector<1000x64xf32>
    %add3A_21 = arith.addf %dot_general3A_16, %add3A_20 : vector<1000x64xf32>
    %max3A = arith.constant 0.000000e+00 : f32
    %max3A_22 = vector.broadcast %max3A : f32 to vector<1000x64xf32>
    %max3A_23 = arith.maximumf %add3A_21, %max3A_22 : vector<1000x64xf32>
    %get3A_24 = arith.constant 0 : index
    %get3A_25 = arith.constant 0 : index
    %get3A_26 = vector.load %arg6[%get3A_24, %get3A_25] : memref<64x128xf32, #tpu.memory_space<vmem>>, vector<64x128xf32>
    %dot_general3A_27 = arith.constant dense<0.000000e+00> : vector<1000x128xf32>
    %dot_general3A_28 = tpu.matmul %max3A_23, %get3A_26, %dot_general3A_27 {dimension_numbers = #tpu.dot_dimension_numbers<[1], [0], [0], [1], [0, 0, 1, 1], [], []>, transpose_lhs_hint = false} : vector<1000x64xf32>, vector<64x128xf32>, vector<1000x128xf32> -> vector<1000x128xf32>
    %get3A_29 = arith.constant 0 : index
    %get3A_30 = arith.constant 0 : index
    %get3A_31 = vector.load %arg7[%get3A_29, %get3A_30] : memref<1x128xf32, #tpu.memory_space<vmem>>, vector<1x128xf32>
    %add3A_32 = vector.broadcast %get3A_31 : vector<1x128xf32> to vector<1000x128xf32>
    %add3A_33 = arith.addf %dot_general3A_28, %add3A_32 : vector<1000x128xf32>
    %swap3A = arith.constant 0 : index
    %swap3A_34 = arith.constant 0 : index
    %swap3A_35 = vector.load %arg8[%swap3A, %swap3A_34] : memref<1000x128xf32, #tpu.memory_space<vmem>>, vector<1000x128xf32>
    tpu.vector_store %arg8[%swap3A, %swap3A_34], %add3A_33 {strides = array<i32>} : memref<1000x128xf32, #tpu.memory_space<vmem>>, vector<1000x128xf32>,
    return
  }
  func.func @transform_0(%arg0: i32) -> (i32, i32) {
    %c0_i32 = arith.constant 0 : i32
    %c0_i32_0 = arith.constant 0 : i32
    return %arg0, %c0_i32 : i32, i32
  }
  func.func @transform_1(%arg0: i32) -> (i32, i32, i32) {
    %c0_i32 = arith.constant 0 : i32
    %c0_i32_0 = arith.constant 0 : i32
    %c0_i32_1 = arith.constant 0 : i32
    return %c0_i32, %arg0, %c0_i32_0 : i32, i32, i32
  }
  func.func @transform_2(%arg0: i32) -> (i32, i32, i32) {
    %c1_i32 = arith.constant 1 : i32
    %c0_i32 = arith.constant 0 : i32
    %c0_i32_0 = arith.constant 0 : i32
    return %c1_i32, %arg0, %c0_i32 : i32, i32, i32
  }
  func.func @transform_3(%arg0: i32) -> (i32, i32) {
    %c0_i32 = arith.constant 0 : i32
    %c0_i32_0 = arith.constant 0 : i32
    %c0_i32_1 = arith.constant 0 : i32
    return %c0_i32, %c0_i32_0 : i32, i32
  }
  func.func @transform_4(%arg0: i32) -> (i32, i32) {
    %c0_i32 = arith.constant 0 : i32
    %c0_i32_0 = arith.constant 0 : i32
    %c0_i32_1 = arith.constant 0 : i32
    return %c0_i32, %c0_i32_0 : i32, i32
  }
  func.func @transform_5(%arg0: i32) -> (i32, i32) {
    %c0_i32 = arith.constant 0 : i32
    %c0_i32_0 = arith.constant 0 : i32
    %c0_i32_1 = arith.constant 0 : i32
    return %c0_i32, %c0_i32_0 : i32, i32
  }
  func.func @transform_6(%arg0: i32) -> (i32, i32) {
    %c0_i32 = arith.constant 0 : i32
    %c0_i32_0 = arith.constant 0 : i32
    %c0_i32_1 = arith.constant 0 : i32
    return %c0_i32, %c0_i32_0 : i32, i32
  }
  func.func @transform_7(%arg0: i32) -> (i32, i32) {
    %c0_i32 = arith.constant 0 : i32
    %c0_i32_0 = arith.constant 0 : i32
    return %arg0, %c0_i32 : i32, i32
  }
}

</mosaic_0001>

<sc_bundles>
// kernel: kernel.4.cloned.1.call-start
scs
__scs_entry_jumppad:
0x0: {  	(pc) =	sbr.rel $0x88, $3  }
0x1: {  	(tag) =	ssettag $0x0;
	lr =	simm.s32 $0x1  }
0x2: {  	[smem:$0x3F9B] =	sst lr;
	_ =	strace $0xD0000000  }
0x3: {  	_ = 	snop  }
0x4: {  	_ = 	snop  }
0x5: {  	_ = 	snop  }
0x6: {  	_ = 	snop  }
0x7: {  	_ = 	snop  }
__scs_overlays_trampoline_lowered:
0x8: {  	[smem:$0x3FAA] =	sst s0  }
0x9: {  	[smem:$0x3FAB] =	sst s1  }
0xa: {  	[smem:$0x3FAC] =	sst s2  }
0xb: {  	[smem:$0x3FAD] =	sst s3  }
0xc: {  	[smem:$0x3FAE] =	sst s4  }
0xd: {  	[smem:$0x3FAF] =	sst s5  }
0xe: {  	[smem:$0x3FB0] =	sst s6  }
0xf: {  	[smem:$0x3FB1] =	sst s7  }
0x10: {  	[smem:$0x3FB2] =	sst s8  }
0x11: {  	[smem:$0x3FB3] =	sst s9;
	s0 =	simm.s32 @!p0 $0x0  }
0x12: {  	s1 =	sld [smem:$0x3F99];
	s0 =	simm.s32 @p0 $0x1  }
0x13: {  	[smem:$0x3FB4] =	sst s0;
	s0 =	simm.s32 @!p1 $0x0  }
0x14: {  	s2 =	sld [smem:$0x3F98];
	s0 =	simm.s32 @p1 $0x1  }
0x15: {  	[smem:$0x3FB5] =	sst s0;
	s0 =	simm.s32 @!p2 $0x0  }
0x16: {  	s3 =	sld [smem:$0x3FDB];
	s0 =	simm.s32 @p2 $0x1  }
0x17: {  	s4 =	simm.s32 $0x1BF5;
	[smem:$0x3FB7] =	sst s0  }
0x18: {  	s0 =	sld [smem:$0x3F9A];
	_ =	swait.ge [sflag:s4], $0x0  }
0x19: {  	s7 =	sld [smem:$0x3F9B]  }
0x1a: {  	s8 =	sadd.s32 $0xFFFFE003, lr  }
0x1b: {  	s9 =	sadd.s32 $0xFFFFFEF7, lr;
	s5 =	simm.s32 $0xFFFFFFFF;
	p2 =	slt.u32 s8, $0xFFFFF086  }
0x1c: {  	p1 =	slt.u32 s9, $0xF7A;
	s5 =	simm.s32 @!p2 $0x0  }
0x1d: {  	s5 =	simm.s32 @p1 $0x1;
	p0 =	seq.s32 s7, s2  }
0x1e: {  	s7 =	smul.u32 @!p0 $0xF7A, s2;
	p2 =	seq.s32 @!p0 s5, $0x0  }
0x1f: {  	s9 =	smul.u32 $0xF7A, s1;
	s8 =	simm.s32 @!p0 $0x1BF5;
	p2 =	por !p2, p0  }
0x20: {  	[sflag:s8] =	ssyncset.s32 @!p0 $0xFFFFF086;
	s6 =	sadd.s32 @!p0 s3, s7;
	s7 =	simm.s32 @!p0 $0x108  }
0x21: {  	s3 =	sadd.s32 s3, s9;
	s6 =	sadd.s32 @!p0 $0x88, s6;
	s7 =	simm.s32 @p2 $0x1082  }
0x22: {  	[simem:s7], [sflag:s8] =	dma.local @!p0 [hbm:s6], $0xF7A  }
0x23: {  	s9 =	sor.u32 $0xD0000000, s2;
	s6 =	simm.s32 $0x108;
	_ =	swait.ge @!p0 [sflag:s8], $0x0  }
0x24: {  	s3 =	sadd.s32 $0x88, s3;
	s6 =	simm.s32 @!p1 $0x1082;
	[sflag:s4] =	ssyncset.s32 $0xFFFFF086  }
0x25: {  	[simem:s6], [sflag:s4] =	dma.local [hbm:s3], $0xF7A  }
0x26: {  	[smem:$0x3F9B] =	sst s1;
	(tag) =	ssettag s2;
	_ =	strace s9  }
0x27: {  	s1 =	sld [smem:$0x3FAB]  }
0x28: {  	s2 =	sld [smem:$0x3FAC]  }
0x29: {  	s4 =	sld [smem:$0x3FAE]  }
0x2a: {  	p0 =	seq.s32 s5, $0x0;
	s5 =	sld [smem:$0x3FAF]  }
0x2b: {  	s6 =	sld [smem:$0x3FB0]  }
0x2c: {  	s7 =	sld [smem:$0x3FB1]  }
0x2d: {  	s3 =	simm.s32 $0x108;
	s8 =	sld [smem:$0x3FB2]  }
0x2e: {  	s3 =	simm.s32 @!p0 $0x1082;
	s9 =	sld [smem:$0x3FB3]  }
0x2f: {  	lr =	sadd.s32 s0, s3;
	s0 =	sld [smem:$0x3FAA]  }
0x30: {  	s3 =	sld [smem:$0x3FAD]  }
0x31: {  	[smem:$0x3FB6] =	sst s10  }
0x32: {  	s10 =	sld [smem:$0x3FB4];
	_ =	sdelay $0x3  }
0x33: {  	p0 =	seq.s32 s10, $0x1;
	s10 =	sld [smem:$0x3FB6];
	_ =	sdelay $0x3  }
0x34: {  	[smem:$0x3FB6] =	sst s10  }
0x35: {  	s10 =	sld [smem:$0x3FB5];
	_ =	sdelay $0x3  }
0x36: {  	p1 =	seq.s32 s10, $0x1;
	s10 =	sld [smem:$0x3FB6];
	_ =	sdelay $0x3  }
0x37: {  	[smem:$0x3FB6] =	sst s10  }
0x38: {  	s10 =	sld [smem:$0x3FB7]  }
0x39: {  	_ = 	snop;
	(pc) =	sbr.ind lr, $3  }
0x3a: {  	_ = 	snop  }
0x3b: {  	_ = 	snop  }
0x3c: {  	p2 =	seq.s32 s10, $0x1;
	s10 =	sld [smem:$0x3FB6]  }
0x3d: {  	_ =	shalt  }
0x3e: {  	_ =	shalt  }
0x3f: {  	_ =	shalt  }
0x40: {  	_ =	shalt  }
0x41: {  	_ =	shalt  }
0x42: {  	_ =	shalt  }
0x43: {  	_ =	shalt  }
0x44: {  	_ =	shalt  }
0x45: {  	_ =	shalt  }
0x46: {  	_ =	shalt  }
0x47: {  	_ =	shalt  }
0x48: {  	_ =	shalt  }
0x49: {  	_ =	shalt  }
0x4a: {  	_ =	shalt  }
0x4b: {  	_ =	shalt  }
0x4c: {  	_ =	shalt  }
0x4d: {  	_ =	shalt  }
0x4e: {  	_ =	shalt  }
0x4f: {  	_ =	shalt  }
0x50: {  	_ =	shalt  }
0x51: {  	_ =	shalt  }
0x52: {  	_ =	shalt  }
0x53: {  	_ =	shalt  }
0x54: {  	_ =	shalt  }
0x55: {  	_ =	shalt  }
0x56: {  	_ =	shalt  }
0x57: {  	_ =	shalt  }
0x58: {  	_ =	shalt  }
0x59: {  	_ =	shalt  }
0x5a: {  	_ =	shalt  }
0x5b: {  	_ =	shalt  }
0x5c: {  	_ =	shalt  }
0x5d: {  	_ =	shalt  }
0x5e: {  	_ =	shalt  }
0x5f: {  	_ =	shalt  }
0x60: {  	_ =	shalt  }
0x61: {  	_ =	shalt  }
0x62: {  	_ =	shalt  }
0x63: {  	_ =	shalt  }
0x64: {  	_ =	shalt  }
0x65: {  	_ =	shalt  }
0x66: {  	_ =	shalt  }
0x67: {  	_ =	shalt  }
0x68: {  	_ =	shalt  }
0x69: {  	_ =	shalt  }
0x6a: {  	_ =	shalt  }
0x6b: {  	_ =	shalt  }
0x6c: {  	_ =	shalt  }
0x6d: {  	_ =	shalt  }
0x6e: {  	_ =	shalt  }
0x6f: {  	_ =	shalt  }
0x70: {  	_ =	shalt  }
0x71: {  	_ =	shalt  }
0x72: {  	_ =	shalt  }
0x73: {  	_ =	shalt  }
0x74: {  	_ =	shalt  }
0x75: {  	_ =	shalt  }
0x76: {  	_ =	shalt  }
0x77: {  	_ =	shalt  }
0x78: {  	_ =	shalt  }
0x79: {  	_ =	shalt  }
0x7a: {  	_ =	shalt  }
0x7b: {  	_ =	shalt  }
0x7c: {  	_ =	shalt  }
0x7d: {  	_ =	shalt  }
0x7e: {  	_ =	shalt  }
0x7f: {  	_ =	shalt  }
0x80: {  	_ =	shalt  }
0x81: {  	_ =	shalt  }
0x82: {  	_ =	shalt  }
0x83: {  	_ =	shalt  }
0x84: {  	_ =	shalt  }
0x85: {  	_ =	shalt  }
0x86: {  	_ =	shalt  }
0x87: {  	_ =	shalt  }
.Lfunc_end0:
.L_simem_size_0:
called_computation_lowered:
.L_overlay_start_0:
0x88: {  	s2 =	sld [smem:$0x3FD9]  }
0x89: {  	s3 =	sld [smem:$0x3FFE];
	_ =	sdelay $0x1  }
0x8a: {  	s1 =	srdreg.scid  }
0x8b: {  	s0 =	sand.u32 $0x1, s1  }
0x8c: {  	s17 =	sshll.u32 s0, $0xA;
	s2 =	sadd.s32 s3, s2  }
0x8d: {  	s2 =	sadd.s32 s2, s17  }
0x8e: {  	[smem:$0x3FC2] =	sst s2  }
0x8f: {  	_ = 	snop  }
0x90: {  	s2 =	sld [smem:$0x3FC9]  }
0x91: {  	s18 =	sld [smem:$0x3FD0];
	(tm) =	ssettm $0x1  }
0x92: {  	s4 =	sld [smem:$0x3FFB];
	_ =	sdelay $0x3  }
0x93: {  	_ =	strace s4  }
0x94: {  	s4 =	sld [smem:$0x3FFC];
	_ =	sdelay $0x3  }
0x95: {  	_ =	strace s4  }
0x96: {  	s4 =	sld [smem:$0x3FFD];
	_ =	sdelay $0x3  }
0x97: {  	_ =	strace s4  }
0x98: {  	_ =	strace $0x8FFFFFFF  }
0x99: {  	s19 =	sld [smem:$0x3FDB];
	_ =	sdelay $0x1  }
0x9a: {  	s5 =	simm.s32 $_scs_section_size  }
0x9b: {  	s6 =	simm.s32 $_size__tile_overlayer_lowered;
	s7 =	simm.s32 $_tile_overlayer_lowered  }
0x9c: {  	s22 =	simm.s32 $0x1BFF;
	s21 =	sshll.u32 s7, $0x1;
	s4 =	sadd.s32 s5, s19  }
0x9d: {  	s8 =	simm.s32 $0x0;
	s20 =	sshll.u32 s6, $0x1;
	s6 =	sadd.s32 s21, s4  }
0x9e: {  	[timem:s8], [sflag:s22] =	dma.local [hbm:s6], s20  }
0x9f: {  	_ =	swait.ge [sflag:s22], s20  }
0xa0: {  	s5 =	ssub.s32 $0x0, s20;
	[sflag:s22] =	ssyncset.done $0x0  }
0xa1: {  	[sflag:s22] =	ssyncadd.s32 s5;
	_ =	sdelay $0x1  }
0xa2: {  	s23 =	simm.s32 $0x1B8B  }
0xa3: {  	_ =	swait.ge [sflag:s23], $0x1  }
0xa4: {  	[sflag:s23] =	ssyncset.done $0x0  }
0xa5: {  	s25 =	simm.s32 $0x1B8E;
	s24 =	sld [smem:$0x3FFE];
	[sflag:s23] =	ssyncadd.s32 $0xFFFFFFFF  }
0xa6: {  	s26 =	simm.s32 $execute0_lowered;
	[smem:$0x3FD2] =	sst s25  }
0xa7: {  	s6 =	sshll.u32 s26, $0x1;
	_ =	strace $0x80000046;
	[dreg:$0x1] =	wrdreg $0xFFFFFFFF  }
0xa8: {  	s28 =	simm.s32 $_size_execute0_lowered;
	s4 =	sadd.s32 s4, s6;
	[dreg:$0x0] =	wrdreg $0x0  }
0xa9: {  	s6 =	sshll.u32 s28, $0x1;
	[dreg:$0x2] =	wrdreg s4  }
0xaa: {  	[dreg:$0x3] =	wrdreg s6  }
0xab: {  	[dreg:$0x4] =	wrdreg $0xC0  }
0xac: {  	_ =	task [dreg:s8], $0x5FFFF  }
0xad: {  	[dreg:$0x1] =	wrdreg $0xFFFFFFFF  }
0xae: {  	[dreg:$0x0] =	wrdreg $0x60  }
0xaf: {  	[dreg:$0x2] =	wrdreg s2  }
0xb0: {  	[dreg:$0x3] =	wrdreg s18  }
0xb1: {  	[dreg:$0x4] =	wrdreg s24  }
0xb2: {  	[dreg:$0x5] =	wrdreg $0x70000  }
0xb3: {  	[dreg:$0x6] =	wrdreg $0x9  }
0xb4: {  	_ =	task.clear_ibuf [dreg:s8], $0x7FFFF;
	_ =	strace $0x90000046  }
0xb5: {  	s29 =	simm.s32 $0x9;
	_ =	strace $0x80000048  }
0xb6: {  	_ =	swait.ge [sflag:s29], $0x1  }
0xb7: {  	[sflag:s29] =	ssyncadd.s32 $0xFFFFFFFF  }
0xb8: {  	_ =	strace $0x90000048  }
0xb9: {  	_ =	sfence  }
0xba: {  	s30 =	sld [smem:$0x0];
	_ =	sdelay $0x2  }
0xbb: {  	s31 =	sshll.u32 s1, $0xD;
	s1 =	sshrl.u32 s1, $0x2  }
0xbc: {  	s3 =	sand.u32 $0x4000, s31;
	s1 =	sadd.s32 s1, s30  }
0xbd: {  	s0 =	sor.u32 s3, s0;
	s1 =	sshll.u32 s1, $0x11  }
0xbe: {  	s0 =	sor.u32 s1, s0  }
0xbf: {  	s0 =	sadd.s32 $0x8F2B, s0  }
0xc0: {  	[sflag:s0] =	ssyncadd.remote.s32 $0x1  }
0xc1: {  	_ =	sfence.sel $0xFFFF  }
0xc2: {  	[dreg:$0x0] =	wrdreg $0xFFFFFFFF;
	(pc) =	sbr.abs _section_cstart, $3  }
0xc3: {  	[dreg:$0x1] =	wrdreg $0xFFFFFFFF  }
0xc4: {  	_ =	task.clear_ibuf [dreg:s8], $0x2FFFF;
	_ =	strace $0x9FFFFFFF  }
0xc5: {  	(tm) =	ssettm $0x7FFFFFFF  }
tec
execute0_lowered:
.L_overlay_start_1:
0x0: {  	(tag) =	ssettag $0x1  }
0x1: {  	s1 =	rddreg [dreg:$0x0]  }
0x2: {  	s2 =	rddreg [dreg:$0x1]  }
0x3: {  	s0 =	srdreg.scid;
	s6 =	rddreg [dreg:$0x2]  }
0x4: {  	s10 =	stileid.u32;
	s3 =	rddreg [dreg:$0x3];
	s4 =	simm.s32 $0x0  }
0x5: {  	s28 =	simm.s32 $0x1000;
	s29 =	simm.s32 $0x50;
	s30 =	simm.s32 $0x80  }
0x6: {  	s31 =	simm.s32 $0x4800;
	s0 =	sand.u32 $0x1, s0;
	s7 =	smul.u32 $0x14000, s10  }
0x7: {  	[smem:$0x7FF] =	sst s4;
	s26 =	smul.u32 $0x50000, s10;
	s8 =	sadd.s32 $0xE00, s6  }
0x8: {  	s11 =	sshll.u32 s10, $0x1;
	s10 =	simm.s32 $0x1C00;
	s5 =	smul.u32 $0x140000, s0  }
0x9: {  	_ =	strace $0x80000047;
	s9 =	ssub.s32 $0x2, s0;
	s0 =	sor.u32 s0, s11  }
0xa: {  	s12 =	sshrl.u32 s9, $0x1;
	s0 =	smul.u32 $0x5000, s0;
	s5 =	sadd.s32 s7, s5  }
0xb: {  	s7 =	sshrl.u32 s26, $0x2;
	s13 =	ssub.s32 s9, s12;
	s5 =	sshrl.u32 s5, $0x3  }
0xc: {  	s9 =	simm.s32 $0x1B80;
	s0 =	sshrl.u32 s0, $0x3;
	s6 =	sadd.s32 s5, s6  }
0xd: {  	s5 =	sadd.s32 s7, s3;
	s23 =	sadd.s32 s2, s0;
	s24 =	sadd.s32 $0x200, s0  }
0xe: {  	s14 =	sadd.s32 s8, s0;
	s16 =	sadd.s32 $0x2800, s5;
	[dreg:$0xc] =	wrdreg s23  }
0xf: {  	s25 =	sadd.s32 $0x400, s0;
	s17 =	sadd.s32 $0x5000, s5;
	[dreg:$0x5] =	wrdreg s16  }
0x10: {  	s26 =	sadd.s32 $0x600, s0;
	s18 =	sadd.s32 $0x7800, s5;
	[dreg:$0x6] =	wrdreg s17  }
0x11: {  	s0 =	sadd.s32 $0x800, s0;
	s19 =	sadd.s32 $0xA000, s5;
	[dreg:$0x7] =	wrdreg s18  }
0x12: {  	s7 =	simm.s32 $0x1B00;
	s20 =	sadd.s32 $0xC800, s5;
	[dreg:$0x8] =	wrdreg s19  }
0x13: {  	s21 =	sadd.s32 $0xF000, s5;
	s22 =	sadd.s32 $0x11800, s5;
	[dreg:$0x9] =	wrdreg s20  }
0x14: {  	s15 =	sadd.s32 s2, s24;
	s23 =	sadd.s32 $0x14E00, s6;
	[dreg:$0xa] =	wrdreg s21  }
0x15: {  	s6 =	simm.s32 $0x2;
	[dreg:$0xb] =	wrdreg s22;
	s16 =	sadd.s32 s8, s24  }
0x16: {  	s17 =	sadd.s32 s2, s25;
	s18 =	sadd.s32 s8, s25;
	s19 =	sadd.s32 s2, s26  }
0x17: {  	s20 =	sadd.s32 s8, s26;
	s21 =	sadd.s32 s2, s0;
	s22 =	sadd.s32 s8, s0  }
0x18: {  	s24 =	smax.u32 s13, $0x1;
	s25 =	simm.s32 $0x2000;
	s26 =	simm.s32 $0x4  }
0x19: {  	v0 =	vimm.f32 $0.0e+00;
	s2 =	simm.s32 $0x1;
	s0 =	simm.s32 $0x3;
	s8 =	simm.s32 $0xC00  }
.LBB2_1:
0x1a: {  	s11 =	simm.s32 $0x70;
	s12 =	simm.s32 $0x3C0  }
.LBB2_2:
0x1b: {  	p0 =	sne.s32 s12, $0x9FC0;
	[tilespmem:s11+$0x2000] =	vst v0  }
0x1c: {  	[tilespmem:s11+$0x1F90] =	vst v0  }
0x1d: {  	[tilespmem:s11+$0x1FA0] =	vst v0  }
.Ltmp0:
0x1e: {  	[tilespmem:s11+$0x1FB0] =	vst v0;
	(pc) =	sbr.rel @p0 .LBB2_2-.Ltmp0, $4  }
0x1f: {  	[tilespmem:s11+$0x1FC0] =	vst v0  }
0x20: {  	[tilespmem:s11+$0x1FD0] =	vst v0  }
0x21: {  	[tilespmem:s11+$0x1FE0] =	vst v0  }
0x22: {  	[tilespmem:s11+$0x1FF0] =	vst v0;
	s11 =	sshra.s32 s12, $0x2;
	s12 =	sadd.s32 $0x200, s12  }
0x23: {  	[tilespmem:s11+$0x2000] =	vst v0  }
0x24: {  	[tilespmem:s11+$0x1F90] =	vst v0  }
0x25: {  	[tilespmem:s11+$0x1FA0] =	vst v0  }
0x26: {  	[tilespmem:s11+$0x1FB0] =	vst v0  }
0x27: {  	[tilespmem:s11+$0x1FC0] =	vst v0  }
0x28: {  	[tilespmem:s11+$0x1FD0] =	vst v0  }
0x29: {  	[tilespmem:s11+$0x1FE0] =	vst v0  }
0x2a: {  	[tilespmem:s11+$0x1FF0] =	vst v0  }
0x2b: {  	[spmem:s5] =	stream.linear.scatter [tilespmem:s25], [sflag:$0x4], $0x2800, $0x38;
	[tilespmem:$0x1B000] =	vst v63  }
0x2c: {  	_ =	swait.ge [sflag:s26], $0x2800  }
0x2d: {  	[sflag:s26] =	ssyncset.done $0x0  }
0x2e: {  	s12 =	rddreg [dreg:$0x5];
	[sflag:s26] =	ssyncadd.s32 $0xFFFFD800  }
0x2f: {  	[spmem:s12] =	stream.linear.scatter [tilespmem:s25], [sflag:$0x4], $0x2800, $0x38;
	[tilespmem:$0x1B000] =	vst v63  }
0x30: {  	_ =	swait.ge [sflag:s26], $0x2800  }
0x31: {  	[sflag:s26] =	ssyncset.done $0x0  }
0x32: {  	s13 =	rddreg [dreg:$0x6];
	[sflag:s26] =	ssyncadd.s32 $0xFFFFD800  }
0x33: {  	[spmem:s13] =	stream.linear.scatter [tilespmem:s25], [sflag:$0x4], $0x2800, $0x38;
	[tilespmem:$0x1B000] =	vst v63  }
0x34: {  	_ =	swait.ge [sflag:s26], $0x2800  }
0x35: {  	[sflag:s26] =	ssyncset.done $0x0  }
0x36: {  	s12 =	rddreg [dreg:$0x7];
	[sflag:s26] =	ssyncadd.s32 $0xFFFFD800  }
0x37: {  	[spmem:s12] =	stream.linear.scatter [tilespmem:s25], [sflag:$0x4], $0x2800, $0x38;
	[tilespmem:$0x1B000] =	vst v63  }
0x38: {  	_ =	swait.ge [sflag:s26], $0x2800  }
0x39: {  	[sflag:s26] =	ssyncset.done $0x0  }
0x3a: {  	s13 =	rddreg [dreg:$0x8];
	[sflag:s26] =	ssyncadd.s32 $0xFFFFD800  }
0x3b: {  	[spmem:s13] =	stream.linear.scatter [tilespmem:s25], [sflag:$0x4], $0x2800, $0x38;
	[tilespmem:$0x1B000] =	vst v63  }
0x3c: {  	_ =	swait.ge [sflag:s26], $0x2800  }
0x3d: {  	[sflag:s26] =	ssyncset.done $0x0  }
0x3e: {  	s12 =	rddreg [dreg:$0x9];
	[sflag:s26] =	ssyncadd.s32 $0xFFFFD800  }
0x3f: {  	[spmem:s12] =	stream.linear.scatter [tilespmem:s25], [sflag:$0x4], $0x2800, $0x38;
	[tilespmem:$0x1B000] =	vst v63  }
0x40: {  	_ =	swait.ge [sflag:s26], $0x2800  }
0x41: {  	[sflag:s26] =	ssyncset.done $0x0  }
0x42: {  	s13 =	rddreg [dreg:$0xa];
	[sflag:s26] =	ssyncadd.s32 $0xFFFFD800  }
0x43: {  	[spmem:s13] =	stream.linear.scatter [tilespmem:s25], [sflag:$0x4], $0x2800, $0x38;
	[tilespmem:$0x1B000] =	vst v63  }
0x44: {  	_ =	swait.ge [sflag:s26], $0x2800  }
0x45: {  	[sflag:s26] =	ssyncset.done $0x0  }
0x46: {  	s12 =	rddreg [dreg:$0xb];
	[sflag:s26] =	ssyncadd.s32 $0xFFFFD800  }
0x47: {  	[spmem:s12] =	stream.linear.scatter [tilespmem:s25], [sflag:$0x4], $0x2800, $0x38;
	[tilespmem:$0x1B000] =	vst v63  }
0x48: {  	_ =	swait.ge [sflag:s26], $0x2800  }
0x49: {  	[sflag:s26] =	ssyncset.done $0x0  }
0x4a: {  	[sflag:s26] =	ssyncadd.s32 $0xFFFFD800  }
0x4b: {  	[bflag:$0x0] =	sbarrier.arrive $0xFFFF  }
0x4c: {  	s13 =	simm.s32 $0x0;
	s12 =	rddreg [dreg:$0xc]  }
0x4d: {  	[tilespmem:s13], [sflag:$0x4] =	stream.linear.gather [hbm4b:s12+s13], $0xC80, $0x38;
	[tilespmem:$0x1B000] =	vst v63  }
0x4e: {  	_ =	swait.ge [sflag:s26], $0xC80  }
0x4f: {  	[sflag:s26] =	ssyncset.done $0x0  }
0x50: {  	[sflag:s26] =	ssyncadd.s32 $0xFFFFF380  }
0x51: {  	[tilespmem:s28], [sflag:$0x4] =	stream.linear.gather [hbm4b:s14+s13], $0xC80, $0x38;
	[tilespmem:$0x1B000] =	vst v63  }
0x52: {  	_ =	swait.ge [sflag:s26], $0xC80  }
0x53: {  	[sflag:s26] =	ssyncset.done $0x0  }
0x54: {  	[sflag:s26] =	ssyncadd.s32 $0xFFFFF380  }
0x55: {  	[tilespmem:s25], [sflag:$0x1] =	stream.indirect.gather [hbm4b:s1+s29], $0x80, s13, s29, $0xb8;
	[tilespmem:$0x1B000] =	vst v63  }
0x56: {  	_ = 	snop  }
0x57: {  	[tilespmem:s31], [sflag:$0x2] =	stream.indirect.gather [hbm4b:s1+s29], $0x80, s30, s29, $0xb8;
	[tilespmem:$0x1B000] =	vst v63  }
0x58: {  	_ =	swait.ge [sflag:s2], $0x2800  }
0x59: {  	[sflag:s2] =	ssyncset.done $0x0  }
0x5a: {  	s13 =	simm.s32 $0x1000;
	[sflag:s2] =	ssyncadd.s32 $0xFFFFD800  }
0x5b: {  	[spmem:s3] =	stream.indirect.scatter.add.f32 [tilespmem:s25], [sflag:$0x3], $0x80, s13, s29, $0xb8;
	[tilespmem:$0x1B000] =	vst v63  }
0x5c: {  	_ =	swait.ge [sflag:s0], $0x2800  }
0x5d: {  	[sflag:s0] =	ssyncset.done $0x0  }
0x5e: {  	s12 =	simm.s32 $0x100;
	[sflag:s0] =	ssyncadd.s32 $0xFFFFD800  }
0x5f: {  	[tilespmem:s25], [sflag:$0x1] =	stream.indirect.gather [hbm4b:s1+s29], $0x80, s12, s29, $0xb8;
	[tilespmem:$0x1B000] =	vst v63  }
0x60: {  	_ =	swait.ge [sflag:s6], $0x2800  }
0x61: {  	[sflag:s6] =	ssyncset.done $0x0  }
0x62: {  	s13 =	simm.s32 $0x1080;
	[sflag:s6] =	ssyncadd.s32 $0xFFFFD800  }
0x63: {  	[spmem:s3] =	stream.indirect.scatter.add.f32 [tilespmem:s31], [sflag:$0x3], $0x80, s13, s29, $0xb8;
	[tilespmem:$0x1B000] =	vst v63  }
0x64: {  	_ =	swait.ge [sflag:s0], $0x2800  }
0x65: {  	[sflag:s0] =	ssyncset.done $0x0  }
0x66: {  	s11 =	simm.s32 $0x400;
	s12 =	simm.s32 $0x180;
	[sflag:s0] =	ssyncadd.s32 $0xFFFFD800  }
.LBB2_4:
0x67: {  	[tilespmem:s31], [sflag:$0x2] =	stream.indirect.gather [hbm4b:s1+s29], $0x80, s12, s29, $0xb8;
	[tilespmem:$0x1B000] =	vst v63  }
0x68: {  	s12 =	smov.u32 s11  }
0x69: {  	p0 =	sne.s32 s11, $0x2800;
	s11 =	sadd.s32 $0x400, s11;
	_ =	swait.ge [sflag:s2], $0x2800  }
0x6a: {  	s12 =	sshra.s32 s12, $0x2;
	[sflag:s2] =	ssyncset.done $0x0  }
0x6b: {  	s13 =	sadd.s32 $0x1000, s12;
	[sflag:s2] =	ssyncadd.s32 $0xFFFFD800  }
0x6c: {  	[spmem:s3] =	stream.indirect.scatter.add.f32 [tilespmem:s25], [sflag:$0x3], $0x80, s13, s29, $0xb8;
	[tilespmem:$0x1B000] =	vst v63  }
0x6d: {  	_ =	swait.ge [sflag:s0], $0x2800  }
0x6e: {  	[sflag:s0] =	ssyncset.done $0x0  }
0x6f: {  	s13 =	sadd.s32 $0x100, s12;
	[sflag:s0] =	ssyncadd.s32 $0xFFFFD800  }
0x70: {  	[tilespmem:s25], [sflag:$0x1] =	stream.indirect.gather [hbm4b:s1+s29], $0x80, s13, s29, $0xb8;
	[tilespmem:$0x1B000] =	vst v63  }
0x71: {  	_ =	swait.ge [sflag:s6], $0x2800  }
0x72: {  	[sflag:s6] =	ssyncset.done $0x0  }
.Ltmp1:
0x73: {  	s13 =	sadd.s32 $0x1080, s12;
	[sflag:s6] =	ssyncadd.s32 $0xFFFFD800;
	(pc) =	sbr.rel @p0 .LBB2_4-.Ltmp1, $4  }
0x74: {  	[spmem:s3] =	stream.indirect.scatter.add.f32 [tilespmem:s31], [sflag:$0x3], $0x80, s13, s29, $0xb8;
	[tilespmem:$0x1B000] =	vst v63  }
0x75: {  	_ =	swait.ge [sflag:s0], $0x2800  }
0x76: {  	[sflag:s0] =	ssyncset.done $0x0  }
0x77: {  	s12 =	sadd.s32 $0x180, s12;
	[sflag:s0] =	ssyncadd.s32 $0xFFFFD800  }
0x78: {  	[tilespmem:s31], [sflag:$0x2] =	stream.indirect.gather [hbm4b:s1+s29], $0x80, s12, s29, $0xb8;
	[tilespmem:$0x1B000] =	vst v63  }
0x79: {  	_ =	swait.ge [sflag:s2], $0x2800  }
0x7a: {  	[sflag:s2] =	ssyncset.done $0x0  }
0x7b: {  	[sflag:s2] =	ssyncadd.s32 $0xFFFFD800  }
0x7c: {  	[spmem:s3] =	stream.indirect.scatter.add.f32 [tilespmem:s25], [sflag:$0x3], $0x80, s7, s29, $0xb8;
	[tilespmem:$0x1B000] =	vst v63  }
0x7d: {  	_ =	swait.ge [sflag:s0], $0x2800  }
0x7e: {  	[sflag:s0] =	ssyncset.done $0x0  }
0x7f: {  	[sflag:s0] =	ssyncadd.s32 $0xFFFFD800  }
0x80: {  	[tilespmem:s25], [sflag:$0x1] =	stream.indirect.gather [hbm4b:s1+s29], $0x80, s8, s29, $0xb8;
	[tilespmem:$0x1B000] =	vst v63  }
0x81: {  	_ =	swait.ge [sflag:s6], $0x2800  }
0x82: {  	[sflag:s6] =	ssyncset.done $0x0  }
0x83: {  	[sflag:s6] =	ssyncadd.s32 $0xFFFFD800  }
0x84: {  	[spmem:s3] =	stream.indirect.scatter.add.f32 [tilespmem:s31], [sflag:$0x3], $0x80, s9, s29, $0xb8;
	[tilespmem:$0x1B000] =	vst v63  }
0x85: {  	_ =	swait.ge [sflag:s0], $0x2800  }
0x86: {  	[sflag:s0] =	ssyncset.done $0x0  }
0x87: {  	[sflag:s0] =	ssyncadd.s32 $0xFFFFD800  }
0x88: {  	_ =	swait.ge [sflag:s2], $0x2800  }
0x89: {  	[sflag:s2] =	ssyncset.done $0x0  }
0x8a: {  	[sflag:s2] =	ssyncadd.s32 $0xFFFFD800  }
0x8b: {  	[spmem:s3] =	stream.indirect.scatter.add.f32 [tilespmem:s25], [sflag:$0x3], $0x80, s10, s29, $0xb8;
	[tilespmem:$0x1B000] =	vst v63  }
0x8c: {  	_ =	swait.ge [sflag:s0], $0x2800  }
0x8d: {  	[sflag:s0] =	ssyncset.done $0x0  }
0x8e: {  	s11 =	simm.s32 $0x0;
	[sflag:s0] =	ssyncadd.s32 $0xFFFFD800  }
0x8f: {  	[tilespmem:s11], [sflag:$0x4] =	stream.linear.gather [hbm4b:s15+s11], $0xC80, $0x38;
	[tilespmem:$0x1B000] =	vst v63  }
0x90: {  	_ =	swait.ge [sflag:s26], $0xC80  }
0x91: {  	[sflag:s26] =	ssyncset.done $0x0  }
0x92: {  	[sflag:s26] =	ssyncadd.s32 $0xFFFFF380  }
0x93: {  	[tilespmem:s28], [sflag:$0x4] =	stream.linear.gather [hbm4b:s16+s11], $0xC80, $0x38;
	[tilespmem:$0x1B000] =	vst v63  }
0x94: {  	_ =	swait.ge [sflag:s26], $0xC80  }
0x95: {  	[sflag:s26] =	ssyncset.done $0x0  }
0x96: {  	[sflag:s26] =	ssyncadd.s32 $0xFFFFF380  }
0x97: {  	[tilespmem:s25], [sflag:$0x1] =	stream.indirect.gather [hbm4b:s1+s29], $0x80, s11, s29, $0xb8;
	[tilespmem:$0x1B000] =	vst v63  }
0x98: {  	_ = 	snop  }
0x99: {  	[tilespmem:s31], [sflag:$0x2] =	stream.indirect.gather [hbm4b:s1+s29], $0x80, s30, s29, $0xb8;
	[tilespmem:$0x1B000] =	vst v63  }
0x9a: {  	_ =	swait.ge [sflag:s2], $0x2800  }
0x9b: {  	[sflag:s2] =	ssyncset.done $0x0  }
0x9c: {  	s13 =	simm.s32 $0x1000;
	[sflag:s2] =	ssyncadd.s32 $0xFFFFD800  }
0x9d: {  	[spmem:s3] =	stream.indirect.scatter.add.f32 [tilespmem:s25], [sflag:$0x3], $0x80, s13, s29, $0xb8;
	[tilespmem:$0x1B000] =	vst v63  }
0x9e: {  	_ =	swait.ge [sflag:s0], $0x2800  }
0x9f: {  	[sflag:s0] =	ssyncset.done $0x0  }
0xa0: {  	s12 =	simm.s32 $0x100;
	[sflag:s0] =	ssyncadd.s32 $0xFFFFD800  }
0xa1: {  	[tilespmem:s25], [sflag:$0x1] =	stream.indirect.gather [hbm4b:s1+s29], $0x80, s12, s29, $0xb8;
	[tilespmem:$0x1B000] =	vst v63  }
0xa2: {  	_ =	swait.ge [sflag:s6], $0x2800  }
0xa3: {  	[sflag:s6] =	ssyncset.done $0x0  }
0xa4: {  	s13 =	simm.s32 $0x1080;
	[sflag:s6] =	ssyncadd.s32 $0xFFFFD800  }
0xa5: {  	[spmem:s3] =	stream.indirect.scatter.add.f32 [tilespmem:s31], [sflag:$0x3], $0x80, s13, s29, $0xb8;
	[tilespmem:$0x1B000] =	vst v63  }
0xa6: {  	_ =	swait.ge [sflag:s0], $0x2800  }
0xa7: {  	[sflag:s0] =	ssyncset.done $0x0  }
0xa8: {  	s11 =	simm.s32 $0x400;
	s12 =	simm.s32 $0x180;
	[sflag:s0] =	ssyncadd.s32 $0xFFFFD800  }
.LBB2_6:
0xa9: {  	[tilespmem:s31], [sflag:$0x2] =	stream.indirect.gather [hbm4b:s1+s29], $0x80, s12, s29, $0xb8;
	[tilespmem:$0x1B000] =	vst v63  }
0xaa: {  	s12 =	smov.u32 s11  }
0xab: {  	p0 =	sne.s32 s11, $0x2800;
	s11 =	sadd.s32 $0x400, s11;
	_ =	swait.ge [sflag:s2], $0x2800  }
0xac: {  	s12 =	sshra.s32 s12, $0x2;
	[sflag:s2] =	ssyncset.done $0x0  }
0xad: {  	s13 =	sadd.s32 $0x1000, s12;
	[sflag:s2] =	ssyncadd.s32 $0xFFFFD800  }
0xae: {  	[spmem:s3] =	stream.indirect.scatter.add.f32 [tilespmem:s25], [sflag:$0x3], $0x80, s13, s29, $0xb8;
	[tilespmem:$0x1B000] =	vst v63  }
0xaf: {  	_ =	swait.ge [sflag:s0], $0x2800  }
0xb0: {  	[sflag:s0] =	ssyncset.done $0x0  }
0xb1: {  	s13 =	sadd.s32 $0x100, s12;
	[sflag:s0] =	ssyncadd.s32 $0xFFFFD800  }
0xb2: {  	[tilespmem:s25], [sflag:$0x1] =	stream.indirect.gather [hbm4b:s1+s29], $0x80, s13, s29, $0xb8;
	[tilespmem:$0x1B000] =	vst v63  }
0xb3: {  	_ =	swait.ge [sflag:s6], $0x2800  }
0xb4: {  	[sflag:s6] =	ssyncset.done $0x0  }
.Ltmp2:
0xb5: {  	s13 =	sadd.s32 $0x1080, s12;
	[sflag:s6] =	ssyncadd.s32 $0xFFFFD800;
	(pc) =	sbr.rel @p0 .LBB2_6-.Ltmp2, $4  }
0xb6: {  	[spmem:s3] =	stream.indirect.scatter.add.f32 [tilespmem:s31], [sflag:$0x3], $0x80, s13, s29, $0xb8;
	[tilespmem:$0x1B000] =	vst v63  }
0xb7: {  	_ =	swait.ge [sflag:s0], $0x2800  }
0xb8: {  	[sflag:s0] =	ssyncset.done $0x0  }
0xb9: {  	s12 =	sadd.s32 $0x180, s12;
	[sflag:s0] =	ssyncadd.s32 $0xFFFFD800  }
0xba: {  	[tilespmem:s31], [sflag:$0x2] =	stream.indirect.gather [hbm4b:s1+s29], $0x80, s12, s29, $0xb8;
	[tilespmem:$0x1B000] =	vst v63  }
0xbb: {  	_ =	swait.ge [sflag:s2], $0x2800  }
0xbc: {  	[sflag:s2] =	ssyncset.done $0x0  }
0xbd: {  	[sflag:s2] =	ssyncadd.s32 $0xFFFFD800  }
0xbe: {  	[spmem:s3] =	stream.indirect.scatter.add.f32 [tilespmem:s25], [sflag:$0x3], $0x80, s7, s29, $0xb8;
	[tilespmem:$0x1B000] =	vst v63  }
0xbf: {  	_ =	swait.ge [sflag:s0], $0x2800  }
0xc0: {  	[sflag:s0] =	ssyncset.done $0x0  }
0xc1: {  	[sflag:s0] =	ssyncadd.s32 $0xFFFFD800  }
0xc2: {  	[tilespmem:s25], [sflag:$0x1] =	stream.indirect.gather [hbm4b:s1+s29], $0x80, s8, s29, $0xb8;
	[tilespmem:$0x1B000] =	vst v63  }
0xc3: {  	_ =	swait.ge [sflag:s6], $0x2800  }
0xc4: {  	[sflag:s6] =	ssyncset.done $0x0  }
0xc5: {  	[sflag:s6] =	ssyncadd.s32 $0xFFFFD800  }
0xc6: {  	[spmem:s3] =	stream.indirect.scatter.add.f32 [tilespmem:s31], [sflag:$0x3], $0x80, s9, s29, $0xb8;
	[tilespmem:$0x1B000] =	vst v63  }
0xc7: {  	_ =	swait.ge [sflag:s0], $0x2800  }
0xc8: {  	[sflag:s0] =	ssyncset.done $0x0  }
0xc9: {  	[sflag:s0] =	ssyncadd.s32 $0xFFFFD800  }
0xca: {  	_ =	swait.ge [sflag:s2], $0x2800  }
0xcb: {  	[sflag:s2] =	ssyncset.done $0x0  }
0xcc: {  	[sflag:s2] =	ssyncadd.s32 $0xFFFFD800  }
0xcd: {  	[spmem:s3] =	stream.indirect.scatter.add.f32 [tilespmem:s25], [sflag:$0x3], $0x80, s10, s29, $0xb8;
	[tilespmem:$0x1B000] =	vst v63  }
0xce: {  	_ =	swait.ge [sflag:s0], $0x2800  }
0xcf: {  	[sflag:s0] =	ssyncset.done $0x0  }
0xd0: {  	s11 =	simm.s32 $0x0;
	[sflag:s0] =	ssyncadd.s32 $0xFFFFD800  }
0xd1: {  	[tilespmem:s11], [sflag:$0x4] =	stream.linear.gather [hbm4b:s17+s11], $0xC80, $0x38;
	[tilespmem:$0x1B000] =	vst v63  }
0xd2: {  	_ =	swait.ge [sflag:s26], $0xC80  }
0xd3: {  	[sflag:s26] =	ssyncset.done $0x0  }
0xd4: {  	[sflag:s26] =	ssyncadd.s32 $0xFFFFF380  }
0xd5: {  	[tilespmem:s28], [sflag:$0x4] =	stream.linear.gather [hbm4b:s18+s11], $0xC80, $0x38;
	[tilespmem:$0x1B000] =	vst v63  }
0xd6: {  	_ =	swait.ge [sflag:s26], $0xC80  }
0xd7: {  	[sflag:s26] =	ssyncset.done $0x0  }
0xd8: {  	[sflag:s26] =	ssyncadd.s32 $0xFFFFF380  }
0xd9: {  	[tilespmem:s25], [sflag:$0x1] =	stream.indirect.gather [hbm4b:s1+s29], $0x80, s11, s29, $0xb8;
	[tilespmem:$0x1B000] =	vst v63  }
0xda: {  	_ = 	snop  }
0xdb: {  	[tilespmem:s31], [sflag:$0x2] =	stream.indirect.gather [hbm4b:s1+s29], $0x80, s30, s29, $0xb8;
	[tilespmem:$0x1B000] =	vst v63  }
0xdc: {  	_ =	swait.ge [sflag:s2], $0x2800  }
0xdd: {  	[sflag:s2] =	ssyncset.done $0x0  }
0xde: {  	s13 =	simm.s32 $0x1000;
	[sflag:s2] =	ssyncadd.s32 $0xFFFFD800  }
0xdf: {  	[spmem:s3] =	stream.indirect.scatter.add.f32 [tilespmem:s25], [sflag:$0x3], $0x80, s13, s29, $0xb8;
	[tilespmem:$0x1B000] =	vst v63  }
0xe0: {  	_ =	swait.ge [sflag:s0], $0x2800  }
0xe1: {  	[sflag:s0] =	ssyncset.done $0x0  }
0xe2: {  	s12 =	simm.s32 $0x100;
	[sflag:s0] =	ssyncadd.s32 $0xFFFFD800  }
0xe3: {  	[tilespmem:s25], [sflag:$0x1] =	stream.indirect.gather [hbm4b:s1+s29], $0x80, s12, s29, $0xb8;
	[tilespmem:$0x1B000] =	vst v63  }
0xe4: {  	_ =	swait.ge [sflag:s6], $0x2800  }
0xe5: {  	[sflag:s6] =	ssyncset.done $0x0  }
0xe6: {  	s13 =	simm.s32 $0x1080;
	[sflag:s6] =	ssyncadd.s32 $0xFFFFD800  }
0xe7: {  	[spmem:s3] =	stream.indirect.scatter.add.f32 [tilespmem:s31], [sflag:$0x3], $0x80, s13, s29, $0xb8;
	[tilespmem:$0x1B000] =	vst v63  }
0xe8: {  	_ =	swait.ge [sflag:s0], $0x2800  }
0xe9: {  	[sflag:s0] =	ssyncset.done $0x0  }
0xea: {  	s11 =	simm.s32 $0x400;
	s12 =	simm.s32 $0x180;
	[sflag:s0] =	ssyncadd.s32 $0xFFFFD800  }
.LBB2_8:
0xeb: {  	[tilespmem:s31], [sflag:$0x2] =	stream.indirect.gather [hbm4b:s1+s29], $0x80, s12, s29, $0xb8;
	[tilespmem:$0x1B000] =	vst v63  }
0xec: {  	s12 =	smov.u32 s11  }
0xed: {  	p0 =	sne.s32 s11, $0x2800;
	s11 =	sadd.s32 $0x400, s11;
	_ =	swait.ge [sflag:s2], $0x2800  }
0xee: {  	s12 =	sshra.s32 s12, $0x2;
	[sflag:s2] =	ssyncset.done $0x0  }
0xef: {  	s13 =	sadd.s32 $0x1000, s12;
	[sflag:s2] =	ssyncadd.s32 $0xFFFFD800  }
0xf0: {  	[spmem:s3] =	stream.indirect.scatter.add.f32 [tilespmem:s25], [sflag:$0x3], $0x80, s13, s29, $0xb8;
	[tilespmem:$0x1B000] =	vst v63  }
0xf1: {  	_ =	swait.ge [sflag:s0], $0x2800  }
0xf2: {  	[sflag:s0] =	ssyncset.done $0x0  }
0xf3: {  	s13 =	sadd.s32 $0x100, s12;
	[sflag:s0] =	ssyncadd.s32 $0xFFFFD800  }
0xf4: {  	[tilespmem:s25], [sflag:$0x1] =	stream.indirect.gather [hbm4b:s1+s29], $0x80, s13, s29, $0xb8;
	[tilespmem:$0x1B000] =	vst v63  }
0xf5: {  	_ =	swait.ge [sflag:s6], $0x2800  }
0xf6: {  	[sflag:s6] =	ssyncset.done $0x0  }
.Ltmp3:
0xf7: {  	s13 =	sadd.s32 $0x1080, s12;
	[sflag:s6] =	ssyncadd.s32 $0xFFFFD800;
	(pc) =	sbr.rel @p0 .LBB2_8-.Ltmp3, $4  }
0xf8: {  	[spmem:s3] =	stream.indirect.scatter.add.f32 [tilespmem:s31], [sflag:$0x3], $0x80, s13, s29, $0xb8;
	[tilespmem:$0x1B000] =	vst v63  }
0xf9: {  	_ =	swait.ge [sflag:s0], $0x2800  }
0xfa: {  	[sflag:s0] =	ssyncset.done $0x0  }
0xfb: {  	s12 =	sadd.s32 $0x180, s12;
	[sflag:s0] =	ssyncadd.s32 $0xFFFFD800  }
0xfc: {  	[tilespmem:s31], [sflag:$0x2] =	stream.indirect.gather [hbm4b:s1+s29], $0x80, s12, s29, $0xb8;
	[tilespmem:$0x1B000] =	vst v63  }
0xfd: {  	_ =	swait.ge [sflag:s2], $0x2800  }
0xfe: {  	[sflag:s2] =	ssyncset.done $0x0  }
0xff: {  	[sflag:s2] =	ssyncadd.s32 $0xFFFFD800  }
0x100: {  	[spmem:s3] =	stream.indirect.scatter.add.f32 [tilespmem:s25], [sflag:$0x3], $0x80, s7, s29, $0xb8;
	[tilespmem:$0x1B000] =	vst v63  }
0x101: {  	_ =	swait.ge [sflag:s0], $0x2800  }
0x102: {  	[sflag:s0] =	ssyncset.done $0x0  }
0x103: {  	[sflag:s0] =	ssyncadd.s32 $0xFFFFD800  }
0x104: {  	[tilespmem:s25], [sflag:$0x1] =	stream.indirect.gather [hbm4b:s1+s29], $0x80, s8, s29, $0xb8;
	[tilespmem:$0x1B000] =	vst v63  }
0x105: {  	_ =	swait.ge [sflag:s6], $0x2800  }
0x106: {  	[sflag:s6] =	ssyncset.done $0x0  }
0x107: {  	[sflag:s6] =	ssyncadd.s32 $0xFFFFD800  }
0x108: {  	[spmem:s3] =	stream.indirect.scatter.add.f32 [tilespmem:s31], [sflag:$0x3], $0x80, s9, s29, $0xb8;
	[tilespmem:$0x1B000] =	vst v63  }
0x109: {  	_ =	swait.ge [sflag:s0], $0x2800  }
0x10a: {  	[sflag:s0] =	ssyncset.done $0x0  }
0x10b: {  	[sflag:s0] =	ssyncadd.s32 $0xFFFFD800  }
0x10c: {  	_ =	swait.ge [sflag:s2], $0x2800  }
0x10d: {  	[sflag:s2] =	ssyncset.done $0x0  }
0x10e: {  	[sflag:s2] =	ssyncadd.s32 $0xFFFFD800  }
0x10f: {  	[spmem:s3] =	stream.indirect.scatter.add.f32 [tilespmem:s25], [sflag:$0x3], $0x80, s10, s29, $0xb8;
	[tilespmem:$0x1B000] =	vst v63  }
0x110: {  	_ =	swait.ge [sflag:s0], $0x2800  }
0x111: {  	[sflag:s0] =	ssyncset.done $0x0  }
0x112: {  	s11 =	simm.s32 $0x0;
	[sflag:s0] =	ssyncadd.s32 $0xFFFFD800  }
0x113: {  	[tilespmem:s11], [sflag:$0x4] =	stream.linear.gather [hbm4b:s19+s11], $0xC80, $0x38;
	[tilespmem:$0x1B000] =	vst v63  }
0x114: {  	_ =	swait.ge [sflag:s26], $0xC80  }
0x115: {  	[sflag:s26] =	ssyncset.done $0x0  }
0x116: {  	[sflag:s26] =	ssyncadd.s32 $0xFFFFF380  }
0x117: {  	[tilespmem:s28], [sflag:$0x4] =	stream.linear.gather [hbm4b:s20+s11], $0xC80, $0x38;
	[tilespmem:$0x1B000] =	vst v63  }
0x118: {  	_ =	swait.ge [sflag:s26], $0xC80  }
0x119: {  	[sflag:s26] =	ssyncset.done $0x0  }
0x11a: {  	[sflag:s26] =	ssyncadd.s32 $0xFFFFF380  }
0x11b: {  	[tilespmem:s25], [sflag:$0x1] =	stream.indirect.gather [hbm4b:s1+s29], $0x80, s11, s29, $0xb8;
	[tilespmem:$0x1B000] =	vst v63  }
0x11c: {  	_ = 	snop  }
0x11d: {  	[tilespmem:s31], [sflag:$0x2] =	stream.indirect.gather [hbm4b:s1+s29], $0x80, s30, s29, $0xb8;
	[tilespmem:$0x1B000] =	vst v63  }
0x11e: {  	_ =	swait.ge [sflag:s2], $0x2800  }
0x11f: {  	[sflag:s2] =	ssyncset.done $0x0  }
0x120: {  	s13 =	simm.s32 $0x1000;
	[sflag:s2] =	ssyncadd.s32 $0xFFFFD800  }
0x121: {  	[spmem:s3] =	stream.indirect.scatter.add.f32 [tilespmem:s25], [sflag:$0x3], $0x80, s13, s29, $0xb8;
	[tilespmem:$0x1B000] =	vst v63  }
0x122: {  	_ =	swait.ge [sflag:s0], $0x2800  }
0x123: {  	[sflag:s0] =	ssyncset.done $0x0  }
0x124: {  	s12 =	simm.s32 $0x100;
	[sflag:s0] =	ssyncadd.s32 $0xFFFFD800  }
0x125: {  	[tilespmem:s25], [sflag:$0x1] =	stream.indirect.gather [hbm4b:s1+s29], $0x80, s12, s29, $0xb8;
	[tilespmem:$0x1B000] =	vst v63  }
0x126: {  	_ =	swait.ge [sflag:s6], $0x2800  }
0x127: {  	[sflag:s6] =	ssyncset.done $0x0  }
0x128: {  	s13 =	simm.s32 $0x1080;
	[sflag:s6] =	ssyncadd.s32 $0xFFFFD800  }
0x129: {  	[spmem:s3] =	stream.indirect.scatter.add.f32 [tilespmem:s31], [sflag:$0x3], $0x80, s13, s29, $0xb8;
	[tilespmem:$0x1B000] =	vst v63  }
0x12a: {  	_ =	swait.ge [sflag:s0], $0x2800  }
0x12b: {  	[sflag:s0] =	ssyncset.done $0x0  }
0x12c: {  	s11 =	simm.s32 $0x400;
	s12 =	simm.s32 $0x180;
	[sflag:s0] =	ssyncadd.s32 $0xFFFFD800  }
.LBB2_10:
0x12d: {  	[tilespmem:s31], [sflag:$0x2] =	stream.indirect.gather [hbm4b:s1+s29], $0x80, s12, s29, $0xb8;
	[tilespmem:$0x1B000] =	vst v63  }
0x12e: {  	s12 =	smov.u32 s11  }
0x12f: {  	p0 =	sne.s32 s11, $0x2800;
	s11 =	sadd.s32 $0x400, s11;
	_ =	swait.ge [sflag:s2], $0x2800  }
0x130: {  	s12 =	sshra.s32 s12, $0x2;
	[sflag:s2] =	ssyncset.done $0x0  }
0x131: {  	s13 =	sadd.s32 $0x1000, s12;
	[sflag:s2] =	ssyncadd.s32 $0xFFFFD800  }
0x132: {  	[spmem:s3] =	stream.indirect.scatter.add.f32 [tilespmem:s25], [sflag:$0x3], $0x80, s13, s29, $0xb8;
	[tilespmem:$0x1B000] =	vst v63  }
0x133: {  	_ =	swait.ge [sflag:s0], $0x2800  }
0x134: {  	[sflag:s0] =	ssyncset.done $0x0  }
0x135: {  	s13 =	sadd.s32 $0x100, s12;
	[sflag:s0] =	ssyncadd.s32 $0xFFFFD800  }
0x136: {  	[tilespmem:s25], [sflag:$0x1] =	stream.indirect.gather [hbm4b:s1+s29], $0x80, s13, s29, $0xb8;
	[tilespmem:$0x1B000] =	vst v63  }
0x137: {  	_ =	swait.ge [sflag:s6], $0x2800  }
0x138: {  	[sflag:s6] =	ssyncset.done $0x0  }
.Ltmp4:
0x139: {  	s13 =	sadd.s32 $0x1080, s12;
	[sflag:s6] =	ssyncadd.s32 $0xFFFFD800;
	(pc) =	sbr.rel @p0 .LBB2_10-.Ltmp4, $4  }
0x13a: {  	[spmem:s3] =	stream.indirect.scatter.add.f32 [tilespmem:s31], [sflag:$0x3], $0x80, s13, s29, $0xb8;
	[tilespmem:$0x1B000] =	vst v63  }
0x13b: {  	_ =	swait.ge [sflag:s0], $0x2800  }
0x13c: {  	[sflag:s0] =	ssyncset.done $0x0  }
0x13d: {  	s12 =	sadd.s32 $0x180, s12;
	[sflag:s0] =	ssyncadd.s32 $0xFFFFD800  }
0x13e: {  	[tilespmem:s31], [sflag:$0x2] =	stream.indirect.gather [hbm4b:s1+s29], $0x80, s12, s29, $0xb8;
	[tilespmem:$0x1B000] =	vst v63  }
0x13f: {  	_ =	swait.ge [sflag:s2], $0x2800  }
0x140: {  	[sflag:s2] =	ssyncset.done $0x0  }
0x141: {  	[sflag:s2] =	ssyncadd.s32 $0xFFFFD800  }
0x142: {  	[spmem:s3] =	stream.indirect.scatter.add.f32 [tilespmem:s25], [sflag:$0x3], $0x80, s7, s29, $0xb8;
	[tilespmem:$0x1B000] =	vst v63  }
0x143: {  	_ =	swait.ge [sflag:s0], $0x2800  }
0x144: {  	[sflag:s0] =	ssyncset.done $0x0  }
0x145: {  	[sflag:s0] =	ssyncadd.s32 $0xFFFFD800  }
0x146: {  	[tilespmem:s25], [sflag:$0x1] =	stream.indirect.gather [hbm4b:s1+s29], $0x80, s8, s29, $0xb8;
	[tilespmem:$0x1B000] =	vst v63  }
0x147: {  	_ =	swait.ge [sflag:s6], $0x2800  }
0x148: {  	[sflag:s6] =	ssyncset.done $0x0  }
0x149: {  	[sflag:s6] =	ssyncadd.s32 $0xFFFFD800  }
0x14a: {  	[spmem:s3] =	stream.indirect.scatter.add.f32 [tilespmem:s31], [sflag:$0x3], $0x80, s9, s29, $0xb8;
	[tilespmem:$0x1B000] =	vst v63  }
0x14b: {  	_ =	swait.ge [sflag:s0], $0x2800  }
0x14c: {  	[sflag:s0] =	ssyncset.done $0x0  }
0x14d: {  	[sflag:s0] =	ssyncadd.s32 $0xFFFFD800  }
0x14e: {  	_ =	swait.ge [sflag:s2], $0x2800  }
0x14f: {  	[sflag:s2] =	ssyncset.done $0x0  }
0x150: {  	[sflag:s2] =	ssyncadd.s32 $0xFFFFD800  }
0x151: {  	[spmem:s3] =	stream.indirect.scatter.add.f32 [tilespmem:s25], [sflag:$0x3], $0x80, s10, s29, $0xb8;
	[tilespmem:$0x1B000] =	vst v63  }
0x152: {  	_ =	swait.ge [sflag:s0], $0x2800  }
0x153: {  	[sflag:s0] =	ssyncset.done $0x0  }
0x154: {  	s11 =	simm.s32 $0x0;
	[sflag:s0] =	ssyncadd.s32 $0xFFFFD800  }
0x155: {  	[tilespmem:s11], [sflag:$0x4] =	stream.linear.gather [hbm4b:s21+s11], $0xC80, $0x38;
	[tilespmem:$0x1B000] =	vst v63  }
0x156: {  	_ =	swait.ge [sflag:s26], $0xC80  }
0x157: {  	[sflag:s26] =	ssyncset.done $0x0  }
0x158: {  	[sflag:s26] =	ssyncadd.s32 $0xFFFFF380  }
0x159: {  	[tilespmem:s28], [sflag:$0x4] =	stream.linear.gather [hbm4b:s22+s11], $0xC80, $0x38;
	[tilespmem:$0x1B000] =	vst v63  }
0x15a: {  	_ =	swait.ge [sflag:s26], $0xC80  }
0x15b: {  	[sflag:s26] =	ssyncset.done $0x0  }
0x15c: {  	[sflag:s26] =	ssyncadd.s32 $0xFFFFF380  }
0x15d: {  	[tilespmem:s25], [sflag:$0x1] =	stream.indirect.gather [hbm4b:s1+s29], $0x80, s11, s29, $0xb8;
	[tilespmem:$0x1B000] =	vst v63  }
0x15e: {  	_ = 	snop  }
0x15f: {  	[tilespmem:s31], [sflag:$0x2] =	stream.indirect.gather [hbm4b:s1+s29], $0x80, s30, s29, $0xb8;
	[tilespmem:$0x1B000] =	vst v63  }
0x160: {  	_ =	swait.ge [sflag:s2], $0x2800  }
0x161: {  	[sflag:s2] =	ssyncset.done $0x0  }
0x162: {  	s13 =	simm.s32 $0x1000;
	[sflag:s2] =	ssyncadd.s32 $0xFFFFD800  }
0x163: {  	[spmem:s3] =	stream.indirect.scatter.add.f32 [tilespmem:s25], [sflag:$0x3], $0x80, s13, s29, $0xb8;
	[tilespmem:$0x1B000] =	vst v63  }
0x164: {  	_ =	swait.ge [sflag:s0], $0x2800  }
0x165: {  	[sflag:s0] =	ssyncset.done $0x0  }
0x166: {  	s12 =	simm.s32 $0x100;
	[sflag:s0] =	ssyncadd.s32 $0xFFFFD800  }
0x167: {  	[tilespmem:s25], [sflag:$0x1] =	stream.indirect.gather [hbm4b:s1+s29], $0x80, s12, s29, $0xb8;
	[tilespmem:$0x1B000] =	vst v63  }
0x168: {  	_ =	swait.ge [sflag:s6], $0x2800  }
0x169: {  	[sflag:s6] =	ssyncset.done $0x0  }
0x16a: {  	s13 =	simm.s32 $0x1080;
	[sflag:s6] =	ssyncadd.s32 $0xFFFFD800  }
0x16b: {  	[spmem:s3] =	stream.indirect.scatter.add.f32 [tilespmem:s31], [sflag:$0x3], $0x80, s13, s29, $0xb8;
	[tilespmem:$0x1B000] =	vst v63  }
0x16c: {  	_ =	swait.ge [sflag:s0], $0x2800  }
0x16d: {  	[sflag:s0] =	ssyncset.done $0x0  }
0x16e: {  	s11 =	simm.s32 $0x400;
	s12 =	simm.s32 $0x180;
	[sflag:s0] =	ssyncadd.s32 $0xFFFFD800  }
.LBB2_12:
0x16f: {  	[tilespmem:s31], [sflag:$0x2] =	stream.indirect.gather [hbm4b:s1+s29], $0x80, s12, s29, $0xb8;
	[tilespmem:$0x1B000] =	vst v63  }
0x170: {  	s12 =	smov.u32 s11  }
0x171: {  	p0 =	sne.s32 s11, $0x2800;
	s11 =	sadd.s32 $0x400, s11;
	_ =	swait.ge [sflag:s2], $0x2800  }
0x172: {  	s12 =	sshra.s32 s12, $0x2;
	[sflag:s2] =	ssyncset.done $0x0  }
0x173: {  	s13 =	sadd.s32 $0x1000, s12;
	[sflag:s2] =	ssyncadd.s32 $0xFFFFD800  }
0x174: {  	[spmem:s3] =	stream.indirect.scatter.add.f32 [tilespmem:s25], [sflag:$0x3], $0x80, s13, s29, $0xb8;
	[tilespmem:$0x1B000] =	vst v63  }
0x175: {  	_ =	swait.ge [sflag:s0], $0x2800  }
0x176: {  	[sflag:s0] =	ssyncset.done $0x0  }
0x177: {  	s13 =	sadd.s32 $0x100, s12;
	[sflag:s0] =	ssyncadd.s32 $0xFFFFD800  }
0x178: {  	[tilespmem:s25], [sflag:$0x1] =	stream.indirect.gather [hbm4b:s1+s29], $0x80, s13, s29, $0xb8;
	[tilespmem:$0x1B000] =	vst v63  }
0x179: {  	_ =	swait.ge [sflag:s6], $0x2800  }
0x17a: {  	[sflag:s6] =	ssyncset.done $0x0  }
.Ltmp5:
0x17b: {  	s13 =	sadd.s32 $0x1080, s12;
	[sflag:s6] =	ssyncadd.s32 $0xFFFFD800;
	(pc) =	sbr.rel @p0 .LBB2_12-.Ltmp5, $4  }
0x17c: {  	[spmem:s3] =	stream.indirect.scatter.add.f32 [tilespmem:s31], [sflag:$0x3], $0x80, s13, s29, $0xb8;
	[tilespmem:$0x1B000] =	vst v63  }
0x17d: {  	_ =	swait.ge [sflag:s0], $0x2800  }
0x17e: {  	[sflag:s0] =	ssyncset.done $0x0  }
0x17f: {  	s12 =	sadd.s32 $0x180, s12;
	[sflag:s0] =	ssyncadd.s32 $0xFFFFD800  }
0x180: {  	[tilespmem:s31], [sflag:$0x2] =	stream.indirect.gather [hbm4b:s1+s29], $0x80, s12, s29, $0xb8;
	[tilespmem:$0x1B000] =	vst v63  }
0x181: {  	_ =	swait.ge [sflag:s2], $0x2800  }
0x182: {  	[sflag:s2] =	ssyncset.done $0x0  }
0x183: {  	[sflag:s2] =	ssyncadd.s32 $0xFFFFD800  }
0x184: {  	[spmem:s3] =	stream.indirect.scatter.add.f32 [tilespmem:s25], [sflag:$0x3], $0x80, s7, s29, $0xb8;
	[tilespmem:$0x1B000] =	vst v63  }
0x185: {  	_ =	swait.ge [sflag:s0], $0x2800  }
0x186: {  	[sflag:s0] =	ssyncset.done $0x0  }
0x187: {  	[sflag:s0] =	ssyncadd.s32 $0xFFFFD800  }
0x188: {  	[tilespmem:s25], [sflag:$0x1] =	stream.indirect.gather [hbm4b:s1+s29], $0x80, s8, s29, $0xb8;
	[tilespmem:$0x1B000] =	vst v63  }
0x189: {  	_ =	swait.ge [sflag:s6], $0x2800  }
0x18a: {  	[sflag:s6] =	ssyncset.done $0x0  }
0x18b: {  	[sflag:s6] =	ssyncadd.s32 $0xFFFFD800  }
0x18c: {  	[spmem:s3] =	stream.indirect.scatter.add.f32 [tilespmem:s31], [sflag:$0x3], $0x80, s9, s29, $0xb8;
	[tilespmem:$0x1B000] =	vst v63  }
0x18d: {  	_ =	swait.ge [sflag:s0], $0x2800  }
0x18e: {  	[sflag:s0] =	ssyncset.done $0x0  }
0x18f: {  	[sflag:s0] =	ssyncadd.s32 $0xFFFFD800  }
0x190: {  	_ =	swait.ge [sflag:s2], $0x2800  }
0x191: {  	[sflag:s2] =	ssyncset.done $0x0  }
0x192: {  	[sflag:s2] =	ssyncadd.s32 $0xFFFFD800  }
0x193: {  	[spmem:s3] =	stream.indirect.scatter.add.f32 [tilespmem:s25], [sflag:$0x3], $0x80, s10, s29, $0xb8;
	[tilespmem:$0x1B000] =	vst v63  }
0x194: {  	s11 =	stileid.u32;
	_ =	swait.ge [sflag:s0], $0x2800  }
0x195: {  	s13 =	sshrl.u32 s5, $0x3;
	s4 =	sadd.s32 $0x1, s4;
	[sflag:s0] =	ssyncset.done $0x0  }
0x196: {  	s11 =	sshll.u32 s11, $0x6;
	p0 =	sne.s32 s4, s24;
	[sflag:s0] =	ssyncadd.s32 $0xFFFFD800  }
.Ltmp6:
0x197: {  	s11 =	sor.u32 $0x1C04, s11;
	[bflag:$0x0] =	sbarrier.arrive $0xFFFF;
	(pc) =	sbr.rel @p0 .LBB2_1-.Ltmp6, $4  }
0x198: {  	[hbm:s23], [sflag:s11] =	dma.local [spmem:s13], $0x2800  }
0x199: {  	_ =	swait.ge [sflag:s26], $0x2800  }
0x19a: {  	[sflag:s26] =	ssyncset.done $0x0  }
0x19b: {  	[sflag:s26] =	ssyncadd.s32 $0xFFFFD800  }
0x19c: {  	_ =	sfence.sel $0x180000  }
0x19d: {  	[bflag:$0x0] =	sbarrier.arrive $0xFFFF  }
0x19e: {  	_ =	strace $0x90000047  }
0x19f: {  	s0 =	stileid.u32;
	[bflag:$0x2] =	sbarrier.arrive $0xFFFF  }
0x1a0: {  	p0 =	sne.s32 s0, $0x0;
	s0 =	rddreg [dreg:$0x4]  }
0x1a1: {  	s0 =	sadd.s32 @!p0 $0x100000, s0  }
0x1a2: {  	[sflag:s0] =	ssyncadd.tile.s32 @!p0 $0x1;
	_ =	shalt  }
.Lfunc_end2:
_tile_overlayer_lowered:
.L_overlay_start_2:
0x1a3: {  	(tag) =	ssettag $0x2  }
0x1a4: {  	s0 =	rddreg [dreg:$0x0];
	s2 =	stileid.u32  }
0x1a5: {  	s1 =	rddreg [dreg:$0x1];
	p0 =	sne.s32 s2, $0x0  }
0x1a6: {  	s3 =	rddreg [dreg:$0x2];
	[bflag:$0x3] =	sbarrier.arrive $0xFFFF;
	s2 =	simm.s32 @!p0 $0x1C04  }
0x1a7: {  	[timem:s3], [sflag:s2] =	dma.local @!p0 [hbm:s0], s1  }
0x1a8: {  	s0 =	simm.s32 @!p0 $0x4  }
0x1a9: {  	_ =	swait.ge @!p0 [sflag:s0], s1  }
0x1aa: {  	s1 =	ssub.s32 @!p0 $0x0, s1;
	[sflag:s0] =	ssyncset.done @!p0 $0x0  }
0x1ab: {  	[sflag:s0] =	ssyncadd.s32 @!p0 s1  }
0x1ac: {  	[bflag:$0x3] =	sbarrier.arrive $0xFFFF  }
0x1ad: {  	_ =	shalt  }

</sc_bundles>
